<compile_context>
chip_gen: v7x
topology: tpu7x:2x2x1
jax: 0.10.2.dev20260603
libtpu: 0.0.44.dev20260713+nightly
codegen_flags: <defaults>
</compile_context>

<pallas_src>
import functools

import jax
import jax.numpy as jnp
import numpy as np
from jax import lax
from jax.experimental import pallas as pl
from jax.experimental.pallas import tpu as pltpu
from jax.experimental.pallas import tpu_sc as plsc

_BIAS = 500.0
_SIGMA = 20.0
_GAIN = 300.0
_NORM = 2000.0
_NBINS = 30000
_XG0 = 380.0
_XGL = 65535.0
_INV_DX = np.float32((_NBINS - 1) / (_XGL - _XG0))

_NC, _NS = 2, 16
_NW = _NC * _NS
_B, _H, _W = 16, 512, 512
_TOTAL = _B * _H * _W
_PIX = _H * _W
_CH = 1024

_NSPLIT = 1
_BS = _B // _NSPLIT
_TOT_S = _TOTAL // _NSPLIT
_PER_W = _TOT_S // _NW
_NPAIR = _PER_W // (2 * _CH)


def _sc_body(x_hbm, cl_hbm, ac_hbm, bc_hbm, ap_hbm, bp_hbm,
             u_hbm, p_hbm, ac_v, bc_v, ap_v, bp_v,
             xb0, cb0, ub0, pb0, xb1, cb1, ub1, pb1,
             sin0, sin1, sout0, sout1):
    wid = lax.axis_index("s") * _NC + lax.axis_index("c")
    base = wid * _PER_W
    tdesc = [pltpu.async_copy(src, dst, sin0) for src, dst in
             ((ac_hbm, ac_v), (bc_hbm, bc_v), (ap_hbm, ap_v), (bp_hbm, bp_v))]
    for d in tdesc:
        d.wait()

    def issue_in(ci, xb, cb, sem):
        tci = base // _CH + ci
        img = lax.shift_right_logical(tci, 8)
        rem = lax.bitwise_and(tci, 255)
        t = lax.shift_right_logical(rem, 2)
        c = lax.bitwise_and(rem, 3)
        tile = (img, 0, pl.ds(8 * t, 8), pl.ds(128 * c, 128))
        pltpu.async_copy(x_hbm.at[tile], xb, sem)
        pltpu.async_copy(cl_hbm.at[tile], cb, sem)

    def drain_in(xb, cb, sem):
        tile0 = (0, 0, pl.ds(0, 8), pl.ds(0, 128))
        pltpu.make_async_copy(x_hbm.at[tile0], xb, sem).wait()
        pltpu.make_async_copy(cl_hbm.at[tile0], cb, sem).wait()

    def issue_out(ci, ub, pb, sem):
        off = base + ci * _CH
        pltpu.async_copy(ub, u_hbm.at[pl.ds(off, _CH)], sem)
        pltpu.async_copy(pb, p_hbm.at[pl.ds(off, _CH)], sem)

    def drain_out(ub, pb, sem):
        pltpu.make_async_copy(ub, u_hbm.at[pl.ds(base, _CH)], sem).wait()
        pltpu.make_async_copy(pb, p_hbm.at[pl.ds(base, _CH)], sem).wait()

    def compute(xb, cb, ub, pb):
        @plsc.parallel_loop(0, _CH // 16, step=1, unroll=8)
        def _(e):
            row = lax.shift_right_logical(e, 3)
            col = 16 * lax.bitwise_and(e, 7)
            sl = pl.ds(16 * e, 16)
            xv = xb[row, pl.ds(col, 16)]
            cv = cb[row, pl.ds(col, 16)]
            sig = jnp.maximum(cv * _NORM - _BIAS, 0.0)
            var = (2.0 * _GAIN) * sig + (_SIGMA * _SIGMA)
            r = lax.bitcast_convert_type(
                jnp.int32(0x5F3759DF) - lax.shift_right_arithmetic(
                    lax.bitcast_convert_type(var, jnp.int32), 1), jnp.float32)
            h = 0.5 * var
            r = r * (1.5 - h * r * r)
            r = r * (1.5 - h * r * r)
            sf = _SIGMA * r
            xc = (xv * _NORM) * sf + _BIAS
            xc = jnp.minimum(jnp.maximum(xc, _XG0), _XGL)
            posi = ((xc - _XG0) * _INV_DX).astype(jnp.int32)
            idx = jnp.maximum(jnp.minimum(posi + 1, _NBINS - 1), 1)
            ub[sl] = plsc.load_gather(ac_v, [idx]) + plsc.load_gather(bc_v, [idx]) * xc
            p = plsc.load_gather(ap_v, [idx]) + plsc.load_gather(bp_v, [idx]) * xc
            pb[sl] = (p + 1e-8) * r

    issue_in(0, xb0, cb0, sin0)

    def pair(k, _):
        c0 = 2 * k
        issue_in(c0 + 1, xb1, cb1, sin1)
        drain_in(xb0, cb0, sin0)

        @pl.when(k > 0)
        def _():
            drain_out(ub0, pb0, sout0)

        compute(xb0, cb0, ub0, pb0)
        issue_out(c0, ub0, pb0, sout0)

        @pl.when(k < _NPAIR - 1)
        def _():
            issue_in(c0 + 2, xb0, cb0, sin0)

        drain_in(xb1, cb1, sin1)

        @pl.when(k > 0)
        def _():
            drain_out(ub1, pb1, sout1)

        compute(xb1, cb1, ub1, pb1)
        issue_out(c0 + 1, ub1, pb1, sout1)
        return _

    lax.fori_loop(0, _NPAIR, pair, None)
    drain_out(ub0, pb0, sout0)
    drain_out(ub1, pb1, sout1)


_sc_interp = functools.partial(
    pl.kernel,
    out_type=(jax.ShapeDtypeStruct((_TOT_S,), jnp.float32),
              jax.ShapeDtypeStruct((_TOT_S,), jnp.float32)),
    mesh=plsc.VectorSubcoreMesh(core_axis_name="c", subcore_axis_name="s",
                                num_cores=_NC, num_subcores=_NS),
    compiler_params=pltpu.CompilerParams(needs_layout_passes=False,
                                         use_tc_tiling_on_sc=True),
    scratch_types=(
        [pltpu.VMEM((_NBINS,), jnp.float32)] * 4
        + [pltpu.VMEM((8, 128), jnp.float32),
           pltpu.VMEM((8, 128), jnp.float32),
           pltpu.VMEM((_CH,), jnp.float32),
           pltpu.VMEM((_CH,), jnp.float32)] * 2
        + [pltpu.SemaphoreType.DMA] * 4
    ),
)(_sc_body)


_ROWS = 512
_STEPS_PER_IMG = _PIX // (128 * _ROWS)
_SLAB = 32

_SQRT2 = np.float32(np.sqrt(2.0))
_LD_CONST = np.float32(0.5 * np.log(2.0 * np.pi) + np.log(_NORM + 1e-8)
                       + np.log(_SIGMA))


def _erfinv(x):
    w = -jnp.log1p(-x * x)
    wc = w - 2.5
    p1 = jnp.float32(2.81022636e-08)
    for c in (3.43273939e-07, -3.5233877e-06, -4.39150654e-06, 0.00021858087,
              -0.00125372503, -0.00417768164, 0.246640727, 1.50140941):
        p1 = p1 * wc + jnp.float32(c)
    wt = jnp.sqrt(w) - 3.0
    p2 = jnp.float32(-0.000200214257)
    for c in (0.000100950558, 0.00134934322, -0.00367342844, 0.00573950773,
              -0.0076224613, 0.00943887047, 1.00167406, 2.83297682):
        p2 = p2 * wt + jnp.float32(c)
    return jnp.where(w < 5.0, p1, p2) * x


def _tc_body(u_ref, q_ref, z_ref, ld_ref):
    j = pl.program_id(0) % _STEPS_PER_IMG

    @pl.when(j == 0)
    def _():
        ld_ref[...] = jnp.zeros((1, 1, 1), jnp.float32)

    def slab(i, acc):
        sl = (0, pl.ds(i * _SLAB, _SLAB), slice(None))
        u = jnp.clip(u_ref[sl], 1e-5, 1.0 - 1e-5)
        z = _erfinv(2.0 * u - 1.0) * _SQRT2
        z_ref[0, 0, pl.ds(i * 8, 8), :] = (
            z.reshape(4, 8, 128).transpose(1, 0, 2).reshape(8, _W))
        return acc + (jnp.log(q_ref[sl]) + 0.5 * (z * z))

    acc = lax.fori_loop(0, _ROWS // _SLAB, slab,
                        jnp.zeros((_SLAB, 128), jnp.float32), unroll=4)
    tot = jnp.sum(acc) + np.float32(_ROWS * 128) * _LD_CONST
    ld_ref[...] = ld_ref[...] + tot.reshape(1, 1, 1)


def _tc_finish(u, q):
    nsteps = _BS * _STEPS_PER_IMG
    return pl.pallas_call(
        _tc_body,
        grid=(nsteps,),
        in_specs=[pl.BlockSpec((1, _ROWS, 128),
                               lambda i: (i // _STEPS_PER_IMG,
                                          i % _STEPS_PER_IMG, 0))] * 2,
        out_specs=[pl.BlockSpec((1, 1, _H // _STEPS_PER_IMG, _W),
                                lambda i: (i // _STEPS_PER_IMG, 0,
                                           i % _STEPS_PER_IMG, 0)),
                   pl.BlockSpec((1, 1, 1),
                                lambda i: (i // _STEPS_PER_IMG, 0, 0))],
        out_shape=[jax.ShapeDtypeStruct((_BS, 1, _H, _W), jnp.float32),
                   jax.ShapeDtypeStruct((_BS, 1, 1), jnp.float32)],
    )(u, q)


def kernel(x, clean, x_grid, pdf_table, cdf_table):
    denom = (x_grid[1:] - x_grid[:-1]) + 1e-8
    b_c = (cdf_table[1:] - cdf_table[:-1]) / denom
    a_c = cdf_table[:-1] - b_c * x_grid[:-1]
    b_p = (pdf_table[1:] - pdf_table[:-1]) / denom
    a_p = pdf_table[:-1] - b_p * x_grid[:-1]
    pad = jnp.zeros((1,), jnp.float32)
    a_c = jnp.concatenate([pad, a_c])
    b_c = jnp.concatenate([pad, b_c])
    a_p = jnp.concatenate([pad, a_p])
    b_p = jnp.concatenate([pad, b_p])

    s3 = (_BS, _PIX // 128, 128)
    u, q = _sc_interp(x, clean, a_c, b_c, a_p, b_p)
    z2, ld = _tc_finish(u.reshape(s3), q.reshape(s3))
    return z2, ld.reshape(_B)

# --- scband reference (transcript-rebuilt; emitter-appended) ---
"""Pipeline reference for scband-basden-flow-layer-47579647705154 (READ-ONLY COPY).

The authoritative reference and input builder live on the scoring server;
editing this copy changes nothing except your own understanding.
"""

import jax, jax.numpy as jnp
import numpy as np

BIAS = 500.0
SIGMA = 20.0
GAIN = 300.0
SENS = 5.0
LAM = 0.01
VMIN = 0.0
VMAX = 2000.0
NUM_BINS = 30000
MAX_ADU = 65535


def _i1(x):
    # Abramowitz & Stegun 9.8.3 / 9.8.4 polynomial approximation of modified Bessel I1
    x = np.asarray(x, dtype=np.float64)
    ax = np.abs(x)
    t = (ax / 3.75) ** 2
    p_small = ax * (0.5 + t * (0.87890594 + t * (0.51498869 + t * (0.15084934 + t * (0.02658733 + t * (0.00301532 + t * 0.00032411))))))
    ti = 3.75 / np.maximum(ax, 1e-12)
    p_large = (np.exp(ax) / np.sqrt(np.maximum(ax, 1e-12))) * (0.39894228 + ti * (-0.03988024 + ti * (-0.00362018 + ti * (0.00163801 + ti * (-0.01031555 + ti * (0.02282967 + ti * (-0.02895312 + ti * (0.01787654 + ti * (-0.00420059)))))))))
    res = np.where(ax < 3.75, p_small, p_large)
    return np.where(x < 0, -res, res)


def _build_tables():
    x_min = BIAS - 6 * SIGMA
    x_grid = np.linspace(x_min, float(MAX_ADU), NUM_BINS).astype(np.float32)
    xg64 = x_grid.astype(np.float64)
    p_zero = np.exp(-LAM)
    pdf_zero = p_zero * (1.0 / (SIGMA * np.sqrt(2.0 * np.pi))) * np.exp(-0.5 * ((xg64 - BIAS) / SIGMA) ** 2)
    x_e = (xg64 - BIAS) * SENS
    pdf_signal = np.zeros_like(xg64)
    mask = x_e > 0.0001
    if np.any(mask):
        z = x_e[mask]
        term_coef = np.sqrt(LAM) / (np.sqrt(GAIN * z) + 1e-12)
        term_exp = np.exp(-(z / GAIN + LAM))
        arg_bessel = 2.0 * np.sqrt(LAM * z / GAIN)
        val_e = term_coef * term_exp * _i1(arg_bessel)
        pdf_signal[mask] = val_e * SENS
    pdf_vals = pdf_zero + pdf_signal
    dx = xg64[1] - xg64[0]
    area = np.sum(pdf_vals) * dx
    pdf_vals = pdf_vals / area
    cdf_vals = np.cumsum(pdf_vals) * dx
    cdf_vals = np.clip(cdf_vals, 1e-07, 1.0 - 1e-07)
    return x_grid.astype(np.float32), pdf_vals.astype(np.float32), cdf_vals.astype(np.float32)


def _interp(x, x_data, y_data):
    idx = jnp.searchsorted(x_data, x)
    idx = jnp.clip(idx, 1, x_data.shape[0] - 1)
    x0 = x_data[idx - 1]
    x1 = x_data[idx]
    y0 = y_data[idx - 1]
    y1 = y_data[idx]
    slope = (y1 - y0) / (x1 - x0 + 1e-08)
    return y0 + slope * (x - x0)


def setup_inputs(seed: int = 0):
    key = jax.random.key(seed)
    k1, k2 = jax.random.split(key)
    x = jax.random.normal(k1, (16, 1, 512, 512), dtype=jnp.float32)
    clean = jax.random.uniform(k2, (16, 1, 512, 512), dtype=jnp.float32)
    xg, pdf, cdf = _build_tables()
    return {"x": x, "clean": clean, "x_grid": jnp.asarray(xg), "pdf_table": jnp.asarray(pdf), "cdf_table": jnp.asarray(cdf)}


def reference(x, clean, x_grid, pdf_table, cdf_table):
    norm_scale = VMAX - VMIN
    # signal-dependent noise scale
    clean_adu = clean * norm_scale + VMIN
    signal_adu = jnp.maximum(clean_adu - BIAS, 0.0)
    var_shot = 2.0 * GAIN * signal_adu
    var_read = SIGMA ** 2
    sigma_total = jnp.sqrt(var_shot + var_read)
    scale_factor = SIGMA / (sigma_total + 1e-08)
    # forward flow
    x_res_adu = x * norm_scale
    x_scaled_res = x_res_adu * scale_factor
    x_input_cdf = x_scaled_res + BIAS
    x_clamped = jnp.clip(x_input_cdf, x_grid.min(), x_grid.max())
    u = _interp(x_clamped, x_grid, cdf_table)
    u = jnp.clip(u, 1e-05, 1.0 - 1e-05)
    z = jax.lax.erf_inv(2.0 * u - 1.0) * np.sqrt(2.0)
    p_basden = _interp(x_clamped, x_grid, pdf_table)
    dlog_p_basden = jnp.log(p_basden + 1e-08)
    log_p_gauss = -0.5 * z ** 2 - 0.5 * np.log(2.0 * np.pi)
    log_det_physics = dlog_p_basden - log_p_gauss
    log_det_norm = jnp.log(jnp.abs(jnp.asarray(norm_scale, dtype=jnp.float32)) + 1e-08)
    log_det_signal = jnp.log(scale_factor + 1e-08)
    total_dlogdet = log_det_physics + log_det_norm + log_det_signal
    return z, total_dlogdet.sum(axis=(1, 2, 3))

if __name__ == "__main__":
    import jax
    _d = setup_inputs()
    print(jax.jit(kernel)(*tuple(_d.values())))

</pallas_src>

<mosaic_0001>
#map = affine_map<(d0, d1) -> (0, 0, 0, 0)>
#map1 = affine_map<(d0, d1) -> (0)>
module attributes {stable_mosaic.version = 14 : i64} {
  func.func @_sc_body(%arg0: i32, %arg1: i32, %arg2: memref<16x1x512x512xf32, #tpu.memory_space<hbm>>, %arg3: memref<16x1x512x512xf32, #tpu.memory_space<hbm>>, %arg4: memref<30000xf32, #tpu.memory_space<hbm>>, %arg5: memref<30000xf32, #tpu.memory_space<hbm>>, %arg6: memref<30000xf32, #tpu.memory_space<hbm>>, %arg7: memref<30000xf32, #tpu.memory_space<hbm>>, %arg8: memref<4194304xf32, #tpu.memory_space<hbm>>, %arg9: memref<4194304xf32, #tpu.memory_space<hbm>>, %arg10: memref<30000xf32, #tpu.memory_space<vmem>>, %arg11: memref<30000xf32, #tpu.memory_space<vmem>>, %arg12: memref<30000xf32, #tpu.memory_space<vmem>>, %arg13: memref<30000xf32, #tpu.memory_space<vmem>>, %arg14: memref<8x128xf32, #tpu.memory_space<vmem>>, %arg15: memref<8x128xf32, #tpu.memory_space<vmem>>, %arg16: memref<1024xf32, #tpu.memory_space<vmem>>, %arg17: memref<1024xf32, #tpu.memory_space<vmem>>, %arg18: memref<8x128xf32, #tpu.memory_space<vmem>>, %arg19: memref<8x128xf32, #tpu.memory_space<vmem>>, %arg20: memref<1024xf32, #tpu.memory_space<vmem>>, %arg21: memref<1024xf32, #tpu.memory_space<vmem>>, %arg22: memref<!tpu.dma_semaphore, #tpu.memory_space<semaphore_mem>>, %arg23: memref<!tpu.dma_semaphore, #tpu.memory_space<semaphore_mem>>, %arg24: memref<!tpu.dma_semaphore, #tpu.memory_space<semaphore_mem>>, %arg25: memref<!tpu.dma_semaphore, #tpu.memory_space<semaphore_mem>>) attributes {dimension_semantics = [#tpu.dimension_semantics<core_parallel>, #tpu.dimension_semantics<subcore_parallel>], iteration_bounds = array<i64: 2, 16>, scalar_prefetch = 0 : i64, scratch_operands = 16 : i64, tpu.core_type = #tpu.core_type<sc_vector_subcore>, window_params = [{transform_indices = #map}, {transform_indices = #map}, {transform_indices = #map1}, {transform_indices = #map1}, {transform_indices = #map1}, {transform_indices = #map1}, {transform_indices = #map1}, {transform_indices = #map1}]} {
    %mul3A = arith.constant 2 : i32
    %mul3A_0 = arith.muli %arg1, %mul3A : i32
    %add3A = arith.addi %mul3A_0, %arg0 : i32
    %mul3A_1 = arith.constant 131072 : i32
    %mul3A_2 = arith.muli %add3A, %mul3A_1 : i32
    tpu.enqueue_dma source(%arg4 : memref<30000xf32, #tpu.memory_space<hbm>>) target(%arg10 : memref<30000xf32, #tpu.memory_space<vmem>>) target_semaphore(%arg22 : memref<!tpu.dma_semaphore, #tpu.memory_space<semaphore_mem>>)
    tpu.enqueue_dma source(%arg5 : memref<30000xf32, #tpu.memory_space<hbm>>) target(%arg11 : memref<30000xf32, #tpu.memory_space<vmem>>) target_semaphore(%arg22 : memref<!tpu.dma_semaphore, #tpu.memory_space<semaphore_mem>>)
    tpu.enqueue_dma source(%arg6 : memref<30000xf32, #tpu.memory_space<hbm>>) target(%arg12 : memref<30000xf32, #tpu.memory_space<vmem>>) target_semaphore(%arg22 : memref<!tpu.dma_semaphore, #tpu.memory_space<semaphore_mem>>)
    tpu.enqueue_dma source(%arg7 : memref<30000xf32, #tpu.memory_space<hbm>>) target(%arg13 : memref<30000xf32, #tpu.memory_space<vmem>>) target_semaphore(%arg22 : memref<!tpu.dma_semaphore, #tpu.memory_space<semaphore_mem>>)
    tpu.wait_dma2 semaphore(%arg22 : memref<!tpu.dma_semaphore, #tpu.memory_space<semaphore_mem>>) src(%arg4 : memref<30000xf32, #tpu.memory_space<hbm>>) dst(%arg10 : memref<30000xf32, #tpu.memory_space<vmem>>)
    tpu.wait_dma2 semaphore(%arg22 : memref<!tpu.dma_semaphore, #tpu.memory_space<semaphore_mem>>) src(%arg5 : memref<30000xf32, #tpu.memory_space<hbm>>) dst(%arg11 : memref<30000xf32, #tpu.memory_space<vmem>>)
    tpu.wait_dma2 semaphore(%arg22 : memref<!tpu.dma_semaphore, #tpu.memory_space<semaphore_mem>>) src(%arg6 : memref<30000xf32, #tpu.memory_space<hbm>>) dst(%arg12 : memref<30000xf32, #tpu.memory_space<vmem>>)
    tpu.wait_dma2 semaphore(%arg22 : memref<!tpu.dma_semaphore, #tpu.memory_space<semaphore_mem>>) src(%arg7 : memref<30000xf32, #tpu.memory_space<hbm>>) dst(%arg13 : memref<30000xf32, #tpu.memory_space<vmem>>)
    %jit3A = arith.constant 1024 : i32
    %div3A = arith.divsi %mul3A_2, %jit3A : i32
    %sign3A = arith.constant 0 : i32
    %sign3A_3 = arith.cmpi sgt, %mul3A_2, %sign3A : i32
    %sign3A_4 = arith.extui %sign3A_3 : i1 to i32
    %sign3A_5 = arith.constant 0 : i32
    %sign3A_6 = arith.cmpi slt, %mul3A_2, %sign3A_5 : i32
    %sign3A_7 = arith.extui %sign3A_6 : i1 to i32
    %sign3A_8 = arith.subi %sign3A_4, %sign3A_7 : i32
    %sign3A_9 = arith.constant 0 : i32
    %sign3A_10 = arith.cmpi sgt, %jit3A, %sign3A_9 : i32
    %sign3A_11 = arith.extui %sign3A_10 : i1 to i32
    %sign3A_12 = arith.constant 0 : i32
    %sign3A_13 = arith.cmpi slt, %jit3A, %sign3A_12 : i32
    %sign3A_14 = arith.extui %sign3A_13 : i1 to i32
    %sign3A_15 = arith.subi %sign3A_11, %sign3A_14 : i32
    %ne3A = arith.cmpi ne, %sign3A_8, %sign3A_15 : i32
    %rem3A = arith.remsi %mul3A_2, %jit3A : i32
    %ne3A_16 = arith.constant 0 : i32
    %ne3A_17 = arith.cmpi ne, %rem3A, %ne3A_16 : i32
    %and3A = arith.andi %ne3A, %ne3A_17 : i1
    %sub3A = arith.constant 1 : i32
    %sub3A_18 = arith.subi %div3A, %sub3A : i32
    %select_n3A = arith.select %and3A, %sub3A_18, %div3A : i32
    %add3A_19 = arith.constant 0 : i32
    %add3A_20 = arith.addi %select_n3A, %add3A_19 : i32
    %shift_right_logical3A = arith.constant 8 : i32
    %shift_right_logical3A_21 = arith.shrui %add3A_20, %shift_right_logical3A : i32
    %and3A_22 = arith.constant 255 : i32
    %and3A_23 = arith.andi %add3A_20, %and3A_22 : i32
    %shift_right_logical3A_24 = arith.constant 2 : i32
    %shift_right_logical3A_25 = arith.shrui %and3A_23, %shift_right_logical3A_24 : i32
    %and3A_26 = arith.constant 3 : i32
    %and3A_27 = arith.andi %and3A_23, %and3A_26 : i32
    %mul3A_28 = arith.constant 8 : i32
    %mul3A_29 = arith.muli %mul3A_28, %shift_right_logical3A_25 : i32
    %mul3A_30 = arith.constant 128 : i32
    %mul3A_31 = arith.muli %mul3A_30, %and3A_27 : i32
    %dma_start3A = arith.constant 0 : i32
    %dma_start3A_32 = tpu.memref_slice %arg2[%shift_right_logical3A_21, %dma_start3A, %mul3A_29, %mul3A_31] : memref<16x1x512x512xf32, #tpu.memory_space<hbm>> -> memref<1x1x8x128xf32, #tpu.memory_space<hbm>>
    %dma_start3A_33 = tpu.memref_squeeze %dma_start3A_32 : memref<1x1x8x128xf32, #tpu.memory_space<hbm>> -> memref<8x128xf32, #tpu.memory_space<hbm>>
    %dma_start3A_34 = tpu.memref_slice %arg2[%shift_right_logical3A_21, %dma_start3A, %mul3A_29, %mul3A_31] : memref<16x1x512x512xf32, #tpu.memory_space<hbm>> -> memref<1x1x8x128xf32, #tpu.memory_space<hbm>>
    %dma_start3A_35 = tpu.memref_squeeze %dma_start3A_34 : memref<1x1x8x128xf32, #tpu.memory_space<hbm>> -> memref<8x128xf32, #tpu.memory_space<hbm>>
    tpu.enqueue_dma source(%dma_start3A_35 : memref<8x128xf32, #tpu.memory_space<hbm>>) target(%arg14 : memref<8x128xf32, #tpu.memory_space<vmem>>) target_semaphore(%arg22 : memref<!tpu.dma_semaphore, #tpu.memory_space<semaphore_mem>>)
    %dma_start3A_36 = arith.constant 0 : i32
    %dma_start3A_37 = tpu.memref_slice %arg3[%shift_right_logical3A_21, %dma_start3A_36, %mul3A_29, %mul3A_31] : memref<16x1x512x512xf32, #tpu.memory_space<hbm>> -> memref<1x1x8x128xf32, #tpu.memory_space<hbm>>
    %dma_start3A_38 = tpu.memref_squeeze %dma_start3A_37 : memref<1x1x8x128xf32, #tpu.memory_space<hbm>> -> memref<8x128xf32, #tpu.memory_space<hbm>>
    %dma_start3A_39 = tpu.memref_slice %arg3[%shift_right_logical3A_21, %dma_start3A_36, %mul3A_29, %mul3A_31] : memref<16x1x512x512xf32, #tpu.memory_space<hbm>> -> memref<1x1x8x128xf32, #tpu.memory_space<hbm>>
    %dma_start3A_40 = tpu.memref_squeeze %dma_start3A_39 : memref<1x1x8x128xf32, #tpu.memory_space<hbm>> -> memref<8x128xf32, #tpu.memory_space<hbm>>
    tpu.enqueue_dma source(%dma_start3A_40 : memref<8x128xf32, #tpu.memory_space<hbm>>) target(%arg15 : memref<8x128xf32, #tpu.memory_space<vmem>>) target_semaphore(%arg22 : memref<!tpu.dma_semaphore, #tpu.memory_space<semaphore_mem>>)
    %scan3A = arith.constant 0 : i32
    %scan3A_41 = arith.constant 64 : i32
    %scan3A_42 = arith.addi %scan3A, %scan3A_41 : i32
    %scan3A_43 = arith.constant 1 : i32
    scf.for %scan3A_52 = %scan3A to %scan3A_42 step %scan3A_43  : i32 {
      %mul3A_53 = arith.constant 2 : i32
      %mul3A_54 = arith.muli %mul3A_53, %scan3A_52 : i32
      %add3A_55 = arith.constant 1 : i32
      %add3A_56 = arith.addi %mul3A_54, %add3A_55 : i32
      %jit3A_57 = arith.constant 1024 : i32
      %div3A_58 = arith.divsi %mul3A_2, %jit3A_57 : i32
      %sign3A_59 = arith.constant 0 : i32
      %sign3A_60 = arith.cmpi sgt, %mul3A_2, %sign3A_59 : i32
      %sign3A_61 = arith.extui %sign3A_60 : i1 to i32
      %sign3A_62 = arith.constant 0 : i32
      %sign3A_63 = arith.cmpi slt, %mul3A_2, %sign3A_62 : i32
      %sign3A_64 = arith.extui %sign3A_63 : i1 to i32
      %sign3A_65 = arith.subi %sign3A_61, %sign3A_64 : i32
      %sign3A_66 = arith.constant 0 : i32
      %sign3A_67 = arith.cmpi sgt, %jit3A_57, %sign3A_66 : i32
      %sign3A_68 = arith.extui %sign3A_67 : i1 to i32
      %sign3A_69 = arith.constant 0 : i32
      %sign3A_70 = arith.cmpi slt, %jit3A_57, %sign3A_69 : i32
      %sign3A_71 = arith.extui %sign3A_70 : i1 to i32
      %sign3A_72 = arith.subi %sign3A_68, %sign3A_71 : i32
      %ne3A_73 = arith.cmpi ne, %sign3A_65, %sign3A_72 : i32
      %rem3A_74 = arith.remsi %mul3A_2, %jit3A_57 : i32
      %ne3A_75 = arith.constant 0 : i32
      %ne3A_76 = arith.cmpi ne, %rem3A_74, %ne3A_75 : i32
      %and3A_77 = arith.andi %ne3A_73, %ne3A_76 : i1
      %sub3A_78 = arith.constant 1 : i32
      %sub3A_79 = arith.subi %div3A_58, %sub3A_78 : i32
      %select_n3A_80 = arith.select %and3A_77, %sub3A_79, %div3A_58 : i32
      %add3A_81 = arith.addi %select_n3A_80, %add3A_56 : i32
      %shift_right_logical3A_82 = arith.constant 8 : i32
      %shift_right_logical3A_83 = arith.shrui %add3A_81, %shift_right_logical3A_82 : i32
      %and3A_84 = arith.constant 255 : i32
      %and3A_85 = arith.andi %add3A_81, %and3A_84 : i32
      %shift_right_logical3A_86 = arith.constant 2 : i32
      %shift_right_logical3A_87 = arith.shrui %and3A_85, %shift_right_logical3A_86 : i32
      %and3A_88 = arith.constant 3 : i32
      %and3A_89 = arith.andi %and3A_85, %and3A_88 : i32
      %mul3A_90 = arith.constant 8 : i32
      %mul3A_91 = arith.muli %mul3A_90, %shift_right_logical3A_87 : i32
      %mul3A_92 = arith.constant 128 : i32
      %mul3A_93 = arith.muli %mul3A_92, %and3A_89 : i32
      %dma_start3A_94 = arith.constant 0 : i32
      %dma_start3A_95 = tpu.memref_slice %arg2[%shift_right_logical3A_83, %dma_start3A_94, %mul3A_91, %mul3A_93] : memref<16x1x512x512xf32, #tpu.memory_space<hbm>> -> memref<1x1x8x128xf32, #tpu.memory_space<hbm>>
      %dma_start3A_96 = tpu.memref_squeeze %dma_start3A_95 : memref<1x1x8x128xf32, #tpu.memory_space<hbm>> -> memref<8x128xf32, #tpu.memory_space<hbm>>
      %dma_start3A_97 = tpu.memref_slice %arg2[%shift_right_logical3A_83, %dma_start3A_94, %mul3A_91, %mul3A_93] : memref<16x1x512x512xf32, #tpu.memory_space<hbm>> -> memref<1x1x8x128xf32, #tpu.memory_space<hbm>>
      %dma_start3A_98 = tpu.memref_squeeze %dma_start3A_97 : memref<1x1x8x128xf32, #tpu.memory_space<hbm>> -> memref<8x128xf32, #tpu.memory_space<hbm>>
      tpu.enqueue_dma source(%dma_start3A_98 : memref<8x128xf32, #tpu.memory_space<hbm>>) target(%arg18 : memref<8x128xf32, #tpu.memory_space<vmem>>) target_semaphore(%arg23 : memref<!tpu.dma_semaphore, #tpu.memory_space<semaphore_mem>>)
      %dma_start3A_99 = arith.constant 0 : i32
      %dma_start3A_100 = tpu.memref_slice %arg3[%shift_right_logical3A_83, %dma_start3A_99, %mul3A_91, %mul3A_93] : memref<16x1x512x512xf32, #tpu.memory_space<hbm>> -> memref<1x1x8x128xf32, #tpu.memory_space<hbm>>
      %dma_start3A_101 = tpu.memref_squeeze %dma_start3A_100 : memref<1x1x8x128xf32, #tpu.memory_space<hbm>> -> memref<8x128xf32, #tpu.memory_space<hbm>>
      %dma_start3A_102 = tpu.memref_slice %arg3[%shift_right_logical3A_83, %dma_start3A_99, %mul3A_91, %mul3A_93] : memref<16x1x512x512xf32, #tpu.memory_space<hbm>> -> memref<1x1x8x128xf32, #tpu.memory_space<hbm>>
      %dma_start3A_103 = tpu.memref_squeeze %dma_start3A_102 : memref<1x1x8x128xf32, #tpu.memory_space<hbm>> -> memref<8x128xf32, #tpu.memory_space<hbm>>
      tpu.enqueue_dma source(%dma_start3A_103 : memref<8x128xf32, #tpu.memory_space<hbm>>) target(%arg19 : memref<8x128xf32, #tpu.memory_space<vmem>>) target_semaphore(%arg23 : memref<!tpu.dma_semaphore, #tpu.memory_space<semaphore_mem>>)
      %dma_wait3A_104 = arith.constant 0 : i32
      %dma_wait3A_105 = arith.constant 0 : i32
      %dma_wait3A_106 = arith.constant 0 : i32
      %dma_wait3A_107 = arith.constant 0 : i32
      %dma_wait3A_108 = tpu.memref_slice %arg2[%dma_wait3A_104, %dma_wait3A_105, %dma_wait3A_106, %dma_wait3A_107] : memref<16x1x512x512xf32, #tpu.memory_space<hbm>> -> memref<1x1x8x128xf32, #tpu.memory_space<hbm>>
      %dma_wait3A_109 = tpu.memref_squeeze %dma_wait3A_108 : memref<1x1x8x128xf32, #tpu.memory_space<hbm>> -> memref<8x128xf32, #tpu.memory_space<hbm>>
      %dma_wait3A_110 = arith.constant 0 : i32
      %dma_wait3A_111 = arith.constant 0 : i32
      %dma_wait3A_112 = tpu.memref_slice %arg2[%dma_wait3A_104, %dma_wait3A_105, %dma_wait3A_110, %dma_wait3A_111] : memref<16x1x512x512xf32, #tpu.memory_space<hbm>> -> memref<1x1x8x128xf32, #tpu.memory_space<hbm>>
      %dma_wait3A_113 = tpu.memref_squeeze %dma_wait3A_112 : memref<1x1x8x128xf32, #tpu.memory_space<hbm>> -> memref<8x128xf32, #tpu.memory_space<hbm>>
      tpu.wait_dma2 semaphore(%arg22 : memref<!tpu.dma_semaphore, #tpu.memory_space<semaphore_mem>>) src(%dma_wait3A_113 : memref<8x128xf32, #tpu.memory_space<hbm>>) dst(%arg14 : memref<8x128xf32, #tpu.memory_space<vmem>>)
      %dma_wait3A_114 = arith.constant 0 : i32
      %dma_wait3A_115 = arith.constant 0 : i32
      %dma_wait3A_116 = arith.constant 0 : i32
      %dma_wait3A_117 = arith.constant 0 : i32
      %dma_wait3A_118 = tpu.memref_slice %arg3[%dma_wait3A_114, %dma_wait3A_115, %dma_wait3A_116, %dma_wait3A_117] : memref<16x1x512x512xf32, #tpu.memory_space<hbm>> -> memref<1x1x8x128xf32, #tpu.memory_space<hbm>>
      %dma_wait3A_119 = tpu.memref_squeeze %dma_wait3A_118 : memref<1x1x8x128xf32, #tpu.memory_space<hbm>> -> memref<8x128xf32, #tpu.memory_space<hbm>>
      %dma_wait3A_120 = arith.constant 0 : i32
      %dma_wait3A_121 = arith.constant 0 : i32
      %dma_wait3A_122 = tpu.memref_slice %arg3[%dma_wait3A_114, %dma_wait3A_115, %dma_wait3A_120, %dma_wait3A_121] : memref<16x1x512x512xf32, #tpu.memory_space<hbm>> -> memref<1x1x8x128xf32, #tpu.memory_space<hbm>>
      %dma_wait3A_123 = tpu.memref_squeeze %dma_wait3A_122 : memref<1x1x8x128xf32, #tpu.memory_space<hbm>> -> memref<8x128xf32, #tpu.memory_space<hbm>>
      tpu.wait_dma2 semaphore(%arg22 : memref<!tpu.dma_semaphore, #tpu.memory_space<semaphore_mem>>) src(%dma_wait3A_123 : memref<8x128xf32, #tpu.memory_space<hbm>>) dst(%arg15 : memref<8x128xf32, #tpu.memory_space<vmem>>)
      %gt3A = arith.constant 0 : i32
      %gt3A_124 = arith.cmpi sgt, %scan3A_52, %gt3A : i32
      %convert_element_type3A = arith.extui %gt3A_124 : i1 to i32
      %cond3A = arith.constant 0 : i32
      %cond3A_125 = arith.cmpi ne, %convert_element_type3A, %cond3A : i32
      scf.if %cond3A_125 {
        %dma_wait3A_176 = tpu.memref_slice %arg8[%mul3A_2] : memref<4194304xf32, #tpu.memory_space<hbm>> -> memref<1024xf32, #tpu.memory_space<hbm>>
        %dma_wait3A_177 = tpu.memref_slice %arg8[%mul3A_2] : memref<4194304xf32, #tpu.memory_space<hbm>> -> memref<1024xf32, #tpu.memory_space<hbm>>
        tpu.wait_dma2 semaphore(%arg24 : memref<!tpu.dma_semaphore, #tpu.memory_space<semaphore_mem>>) src(%arg16 : memref<1024xf32, #tpu.memory_space<vmem>>) dst(%dma_wait3A_177 : memref<1024xf32, #tpu.memory_space<hbm>>)
        %dma_wait3A_178 = tpu.memref_slice %arg9[%mul3A_2] : memref<4194304xf32, #tpu.memory_space<hbm>> -> memref<1024xf32, #tpu.memory_space<hbm>>
        %dma_wait3A_179 = tpu.memref_slice %arg9[%mul3A_2] : memref<4194304xf32, #tpu.memory_space<hbm>> -> memref<1024xf32, #tpu.memory_space<hbm>>
        tpu.wait_dma2 semaphore(%arg24 : memref<!tpu.dma_semaphore, #tpu.memory_space<semaphore_mem>>) src(%arg17 : memref<1024xf32, #tpu.memory_space<vmem>>) dst(%dma_wait3A_179 : memref<1024xf32, #tpu.memory_space<hbm>>)
      } else {
      }
      %parallel_loop3A = arith.constant 0 : i32
      %parallel_loop3A_126 = arith.constant 64 : i32
      %parallel_loop3A_127 = arith.constant 1 : i32
      scf.for %parallel_loop3A_176 = %parallel_loop3A to %parallel_loop3A_126 step %parallel_loop3A_127  : i32 {
        %parallel_loop3A_177 = arith.constant 3 : i32
        %parallel_loop3A_178 = arith.shrui %parallel_loop3A_176, %parallel_loop3A_177 : i32
        %parallel_loop3A_179 = arith.constant 7 : i32
        %parallel_loop3A_180 = arith.andi %parallel_loop3A_176, %parallel_loop3A_179 : i32
        %parallel_loop3A_181 = arith.constant 16 : i32
        %parallel_loop3A_182 = arith.muli %parallel_loop3A_181, %parallel_loop3A_180 : i32
        %parallel_loop3A_183 = arith.constant 16 : i32
        %parallel_loop3A_184 = arith.muli %parallel_loop3A_183, %parallel_loop3A_176 : i32
        %parallel_loop3A_185 = arith.index_cast %parallel_loop3A_178 : i32 to index
        %parallel_loop3A_186 = arith.index_cast %parallel_loop3A_182 : i32 to index
        %parallel_loop3A_187 = tpu.vector_load %arg14[%parallel_loop3A_185, %parallel_loop3A_186] {strides = array<i32>} : memref<8x128xf32, #tpu.memory_space<vmem>>, vector<16xf32>,
        %parallel_loop3A_188 = arith.index_cast %parallel_loop3A_178 : i32 to index
        %parallel_loop3A_189 = arith.index_cast %parallel_loop3A_182 : i32 to index
        %parallel_loop3A_190 = tpu.vector_load %arg15[%parallel_loop3A_188, %parallel_loop3A_189] {strides = array<i32>} : memref<8x128xf32, #tpu.memory_space<vmem>>, vector<16xf32>,
        %parallel_loop3A_191 = arith.constant 2.000000e+03 : f32
        %parallel_loop3A_192 = vector.broadcast %parallel_loop3A_191 : f32 to vector<16xf32>
        %parallel_loop3A_193 = arith.mulf %parallel_loop3A_190, %parallel_loop3A_192 : vector<16xf32>
        %parallel_loop3A_194 = arith.constant 5.000000e+02 : f32
        %parallel_loop3A_195 = vector.broadcast %parallel_loop3A_194 : f32 to vector<16xf32>
        %parallel_loop3A_196 = arith.subf %parallel_loop3A_193, %parallel_loop3A_195 : vector<16xf32>
        %parallel_loop3A_197 = arith.constant 0.000000e+00 : f32
        %parallel_loop3A_198 = vector.broadcast %parallel_loop3A_197 : f32 to vector<16xf32>
        %parallel_loop3A_199 = arith.maximumf %parallel_loop3A_196, %parallel_loop3A_198 : vector<16xf32>
        %parallel_loop3A_200 = arith.constant 6.000000e+02 : f32
        %parallel_loop3A_201 = vector.broadcast %parallel_loop3A_200 : f32 to vector<16xf32>
        %parallel_loop3A_202 = arith.mulf %parallel_loop3A_201, %parallel_loop3A_199 : vector<16xf32>
        %parallel_loop3A_203 = arith.constant 4.000000e+02 : f32
        %parallel_loop3A_204 = vector.broadcast %parallel_loop3A_203 : f32 to vector<16xf32>
        %parallel_loop3A_205 = arith.addf %parallel_loop3A_202, %parallel_loop3A_204 : vector<16xf32>
        %parallel_loop3A_206 = tpu.bitcast %parallel_loop3A_205 : vector<16xf32> -> vector<16xi32>
        %parallel_loop3A_207 = arith.constant 1 : i32
        %parallel_loop3A_208 = vector.broadcast %parallel_loop3A_207 : i32 to vector<16xi32>
        %parallel_loop3A_209 = arith.shrsi %parallel_loop3A_206, %parallel_loop3A_208 : vector<16xi32>
        %parallel_loop3A_210 = arith.constant 1597463007 : i32
        %parallel_loop3A_211 = vector.broadcast %parallel_loop3A_210 : i32 to vector<16xi32>
        %parallel_loop3A_212 = arith.subi %parallel_loop3A_211, %parallel_loop3A_209 : vector<16xi32>
        %parallel_loop3A_213 = tpu.bitcast %parallel_loop3A_212 : vector<16xi32> -> vector<16xf32>
        %parallel_loop3A_214 = arith.constant 5.000000e-01 : f32
        %parallel_loop3A_215 = vector.broadcast %parallel_loop3A_214 : f32 to vector<16xf32>
        %parallel_loop3A_216 = arith.mulf %parallel_loop3A_215, %parallel_loop3A_205 : vector<16xf32>
        %parallel_loop3A_217 = arith.mulf %parallel_loop3A_216, %parallel_loop3A_213 : vector<16xf32>
        %parallel_loop3A_218 = arith.mulf %parallel_loop3A_217, %parallel_loop3A_213 : vector<16xf32>
        %parallel_loop3A_219 = arith.constant 1.500000e+00 : f32
        %parallel_loop3A_220 = vector.broadcast %parallel_loop3A_219 : f32 to vector<16xf32>
        %parallel_loop3A_221 = arith.subf %parallel_loop3A_220, %parallel_loop3A_218 : vector<16xf32>
        %parallel_loop3A_222 = arith.mulf %parallel_loop3A_213, %parallel_loop3A_221 : vector<16xf32>
        %parallel_loop3A_223 = arith.mulf %parallel_loop3A_216, %parallel_loop3A_222 : vector<16xf32>
        %parallel_loop3A_224 = arith.mulf %parallel_loop3A_223, %parallel_loop3A_222 : vector<16xf32>
        %parallel_loop3A_225 = arith.constant 1.500000e+00 : f32
        %parallel_loop3A_226 = vector.broadcast %parallel_loop3A_225 : f32 to vector<16xf32>
        %parallel_loop3A_227 = arith.subf %parallel_loop3A_226, %parallel_loop3A_224 : vector<16xf32>
        %parallel_loop3A_228 = arith.mulf %parallel_loop3A_222, %parallel_loop3A_227 : vector<16xf32>
        %parallel_loop3A_229 = arith.constant 2.000000e+01 : f32
        %parallel_loop3A_230 = vector.broadcast %parallel_loop3A_229 : f32 to vector<16xf32>
        %parallel_loop3A_231 = arith.mulf %parallel_loop3A_230, %parallel_loop3A_228 : vector<16xf32>
        %parallel_loop3A_232 = arith.constant 2.000000e+03 : f32
        %parallel_loop3A_233 = vector.broadcast %parallel_loop3A_232 : f32 to vector<16xf32>
        %parallel_loop3A_234 = arith.mulf %parallel_loop3A_187, %parallel_loop3A_233 : vector<16xf32>
        %parallel_loop3A_235 = arith.mulf %parallel_loop3A_234, %parallel_loop3A_231 : vector<16xf32>
        %parallel_loop3A_236 = arith.constant 5.000000e+02 : f32
        %parallel_loop3A_237 = vector.broadcast %parallel_loop3A_236 : f32 to vector<16xf32>
        %parallel_loop3A_238 = arith.addf %parallel_loop3A_235, %parallel_loop3A_237 : vector<16xf32>
        %parallel_loop3A_239 = arith.constant 3.800000e+02 : f32
        %parallel_loop3A_240 = vector.broadcast %parallel_loop3A_239 : f32 to vector<16xf32>
        %parallel_loop3A_241 = arith.maximumf %parallel_loop3A_238, %parallel_loop3A_240 : vector<16xf32>
        %parallel_loop3A_242 = arith.constant 6.553500e+04 : f32
        %parallel_loop3A_243 = vector.broadcast %parallel_loop3A_242 : f32 to vector<16xf32>
        %parallel_loop3A_244 = arith.minimumf %parallel_loop3A_241, %parallel_loop3A_243 : vector<16xf32>
        %parallel_loop3A_245 = arith.constant 3.800000e+02 : f32
        %parallel_loop3A_246 = vector.broadcast %parallel_loop3A_245 : f32 to vector<16xf32>
        %parallel_loop3A_247 = arith.subf %parallel_loop3A_244, %parallel_loop3A_246 : vector<16xf32>
        %parallel_loop3A_248 = arith.constant 0.460425138 : f32
        %parallel_loop3A_249 = vector.broadcast %parallel_loop3A_248 : f32 to vector<16xf32>
        %parallel_loop3A_250 = arith.mulf %parallel_loop3A_247, %parallel_loop3A_249 : vector<16xf32>
        %parallel_loop3A_251 = arith.fptosi %parallel_loop3A_250 : vector<16xf32> to vector<16xi32>
        %parallel_loop3A_252 = arith.constant 1 : i32
        %parallel_loop3A_253 = vector.broadcast %parallel_loop3A_252 : i32 to vector<16xi32>
        %parallel_loop3A_254 = arith.addi %parallel_loop3A_251, %parallel_loop3A_253 : vector<16xi32>
        %parallel_loop3A_255 = arith.constant 29999 : i32
        %parallel_loop3A_256 = vector.broadcast %parallel_loop3A_255 : i32 to vector<16xi32>
        %parallel_loop3A_257 = arith.minsi %parallel_loop3A_254, %parallel_loop3A_256 : vector<16xi32>
        %parallel_loop3A_258 = arith.constant 1 : i32
        %parallel_loop3A_259 = vector.broadcast %parallel_loop3A_258 : i32 to vector<16xi32>
        %parallel_loop3A_260 = arith.maxsi %parallel_loop3A_257, %parallel_loop3A_259 : vector<16xi32>
        %parallel_loop3A_261 = tpu.vector_load_idx %arg10[%parallel_loop3A_260] : memref<30000xf32, #tpu.memory_space<vmem>>[vector<16xi32>], vector<16xf32>,
        %parallel_loop3A_262 = tpu.vector_load_idx %arg11[%parallel_loop3A_260] : memref<30000xf32, #tpu.memory_space<vmem>>[vector<16xi32>], vector<16xf32>,
        %parallel_loop3A_263 = arith.mulf %parallel_loop3A_262, %parallel_loop3A_244 : vector<16xf32>
        %parallel_loop3A_264 = arith.addf %parallel_loop3A_261, %parallel_loop3A_263 : vector<16xf32>
        %parallel_loop3A_265 = arith.index_cast %parallel_loop3A_184 : i32 to index
        %parallel_loop3A_266 = tpu.vector_load %arg16[%parallel_loop3A_265] {strides = array<i32>} : memref<1024xf32, #tpu.memory_space<vmem>>, vector<16xf32>,
        tpu.vector_store %arg16[%parallel_loop3A_265], %parallel_loop3A_264 {strides = array<i32>} : memref<1024xf32, #tpu.memory_space<vmem>>, vector<16xf32>,
        %parallel_loop3A_267 = tpu.vector_load_idx %arg12[%parallel_loop3A_260] : memref<30000xf32, #tpu.memory_space<vmem>>[vector<16xi32>], vector<16xf32>,
        %parallel_loop3A_268 = tpu.vector_load_idx %arg13[%parallel_loop3A_260] : memref<30000xf32, #tpu.memory_space<vmem>>[vector<16xi32>], vector<16xf32>,
        %parallel_loop3A_269 = arith.mulf %parallel_loop3A_268, %parallel_loop3A_244 : vector<16xf32>
        %parallel_loop3A_270 = arith.addf %parallel_loop3A_267, %parallel_loop3A_269 : vector<16xf32>
        %parallel_loop3A_271 = arith.constant 9.99999993E-9 : f32
        %parallel_loop3A_272 = vector.broadcast %parallel_loop3A_271 : f32 to vector<16xf32>
        %parallel_loop3A_273 = arith.addf %parallel_loop3A_270, %parallel_loop3A_272 : vector<16xf32>
        %parallel_loop3A_274 = arith.mulf %parallel_loop3A_273, %parallel_loop3A_228 : vector<16xf32>
        %parallel_loop3A_275 = arith.index_cast %parallel_loop3A_184 : i32 to index
        %parallel_loop3A_276 = tpu.vector_load %arg17[%parallel_loop3A_275] {strides = array<i32>} : memref<1024xf32, #tpu.memory_space<vmem>>, vector<16xf32>,
        tpu.vector_store %arg17[%parallel_loop3A_275], %parallel_loop3A_274 {strides = array<i32>} : memref<1024xf32, #tpu.memory_space<vmem>>, vector<16xf32>,
      } {sc.loop_unroll_factor = 8 : i64, sc.parallel_access}
      %mul3A_128 = arith.constant 1024 : i32
      %mul3A_129 = arith.muli %mul3A_54, %mul3A_128 : i32
      %add3A_130 = arith.addi %mul3A_2, %mul3A_129 : i32
      %dma_start3A_131 = tpu.memref_slice %arg8[%add3A_130] : memref<4194304xf32, #tpu.memory_space<hbm>> -> memref<1024xf32, #tpu.memory_space<hbm>>
      %dma_start3A_132 = tpu.memref_slice %arg8[%add3A_130] : memref<4194304xf32, #tpu.memory_space<hbm>> -> memref<1024xf32, #tpu.memory_space<hbm>>
      tpu.enqueue_dma source(%arg16 : memref<1024xf32, #tpu.memory_space<vmem>>) target(%dma_start3A_132 : memref<1024xf32, #tpu.memory_space<hbm>>) target_semaphore(%arg24 : memref<!tpu.dma_semaphore, #tpu.memory_space<semaphore_mem>>)
      %dma_start3A_133 = tpu.memref_slice %arg9[%add3A_130] : memref<4194304xf32, #tpu.memory_space<hbm>> -> memref<1024xf32, #tpu.memory_space<hbm>>
      %dma_start3A_134 = tpu.memref_slice %arg9[%add3A_130] : memref<4194304xf32, #tpu.memory_space<hbm>> -> memref<1024xf32, #tpu.memory_space<hbm>>
      tpu.enqueue_dma source(%arg17 : memref<1024xf32, #tpu.memory_space<vmem>>) target(%dma_start3A_134 : memref<1024xf32, #tpu.memory_space<hbm>>) target_semaphore(%arg24 : memref<!tpu.dma_semaphore, #tpu.memory_space<semaphore_mem>>)
      %lt3A = arith.constant 63 : i32
      %lt3A_135 = arith.cmpi slt, %scan3A_52, %lt3A : i32
      %convert_element_type3A_136 = arith.extui %lt3A_135 : i1 to i32
      %cond3A_137 = arith.constant 0 : i32
      %cond3A_138 = arith.cmpi ne, %convert_element_type3A_136, %cond3A_137 : i32
      scf.if %cond3A_138 {
        %add3A_176 = arith.constant 2 : i32
        %add3A_177 = arith.addi %mul3A_54, %add3A_176 : i32
        %jit3A_178 = arith.constant 1024 : i32
        %div3A_179 = arith.divsi %mul3A_2, %jit3A_178 : i32
        %sign3A_180 = arith.constant 0 : i32
        %sign3A_181 = arith.cmpi sgt, %mul3A_2, %sign3A_180 : i32
        %sign3A_182 = arith.extui %sign3A_181 : i1 to i32
        %sign3A_183 = arith.constant 0 : i32
        %sign3A_184 = arith.cmpi slt, %mul3A_2, %sign3A_183 : i32
        %sign3A_185 = arith.extui %sign3A_184 : i1 to i32
        %sign3A_186 = arith.subi %sign3A_182, %sign3A_185 : i32
        %sign3A_187 = arith.constant 0 : i32
        %sign3A_188 = arith.cmpi sgt, %jit3A_178, %sign3A_187 : i32
        %sign3A_189 = arith.extui %sign3A_188 : i1 to i32
        %sign3A_190 = arith.constant 0 : i32
        %sign3A_191 = arith.cmpi slt, %jit3A_178, %sign3A_190 : i32
        %sign3A_192 = arith.extui %sign3A_191 : i1 to i32
        %sign3A_193 = arith.subi %sign3A_189, %sign3A_192 : i32
        %ne3A_194 = arith.cmpi ne, %sign3A_186, %sign3A_193 : i32
        %rem3A_195 = arith.remsi %mul3A_2, %jit3A_178 : i32
        %ne3A_196 = arith.constant 0 : i32
        %ne3A_197 = arith.cmpi ne, %rem3A_195, %ne3A_196 : i32
        %and3A_198 = arith.andi %ne3A_194, %ne3A_197 : i1
        %sub3A_199 = arith.constant 1 : i32
        %sub3A_200 = arith.subi %div3A_179, %sub3A_199 : i32
        %select_n3A_201 = arith.select %and3A_198, %sub3A_200, %div3A_179 : i32
        %add3A_202 = arith.addi %select_n3A_201, %add3A_177 : i32
        %shift_right_logical3A_203 = arith.constant 8 : i32
        %shift_right_logical3A_204 = arith.shrui %add3A_202, %shift_right_logical3A_203 : i32
        %and3A_205 = arith.constant 255 : i32
        %and3A_206 = arith.andi %add3A_202, %and3A_205 : i32
        %shift_right_logical3A_207 = arith.constant 2 : i32
        %shift_right_logical3A_208 = arith.shrui %and3A_206, %shift_right_logical3A_207 : i32
        %and3A_209 = arith.constant 3 : i32
        %and3A_210 = arith.andi %and3A_206, %and3A_209 : i32
        %mul3A_211 = arith.constant 8 : i32
        %mul3A_212 = arith.muli %mul3A_211, %shift_right_logical3A_208 : i32
        %mul3A_213 = arith.constant 128 : i32
        %mul3A_214 = arith.muli %mul3A_213, %and3A_210 : i32
        %dma_start3A_215 = arith.constant 0 : i32
        %dma_start3A_216 = tpu.memref_slice %arg2[%shift_right_logical3A_204, %dma_start3A_215, %mul3A_212, %mul3A_214] : memref<16x1x512x512xf32, #tpu.memory_space<hbm>> -> memref<1x1x8x128xf32, #tpu.memory_space<hbm>>
        %dma_start3A_217 = tpu.memref_squeeze %dma_start3A_216 : memref<1x1x8x128xf32, #tpu.memory_space<hbm>> -> memref<8x128xf32, #tpu.memory_space<hbm>>
        %dma_start3A_218 = tpu.memref_slice %arg2[%shift_right_logical3A_204, %dma_start3A_215, %mul3A_212, %mul3A_214] : memref<16x1x512x512xf32, #tpu.memory_space<hbm>> -> memref<1x1x8x128xf32, #tpu.memory_space<hbm>>
        %dma_start3A_219 = tpu.memref_squeeze %dma_start3A_218 : memref<1x1x8x128xf32, #tpu.memory_space<hbm>> -> memref<8x128xf32, #tpu.memory_space<hbm>>
        tpu.enqueue_dma source(%dma_start3A_219 : memref<8x128xf32, #tpu.memory_space<hbm>>) target(%arg14 : memref<8x128xf32, #tpu.memory_space<vmem>>) target_semaphore(%arg22 : memref<!tpu.dma_semaphore, #tpu.memory_space<semaphore_mem>>)
        %dma_start3A_220 = arith.constant 0 : i32
        %dma_start3A_221 = tpu.memref_slice %arg3[%shift_right_logical3A_204, %dma_start3A_220, %mul3A_212, %mul3A_214] : memref<16x1x512x512xf32, #tpu.memory_space<hbm>> -> memref<1x1x8x128xf32, #tpu.memory_space<hbm>>
        %dma_start3A_222 = tpu.memref_squeeze %dma_start3A_221 : memref<1x1x8x128xf32, #tpu.memory_space<hbm>> -> memref<8x128xf32, #tpu.memory_space<hbm>>
        %dma_start3A_223 = tpu.memref_slice %arg3[%shift_right_logical3A_204, %dma_start3A_220, %mul3A_212, %mul3A_214] : memref<16x1x512x512xf32, #tpu.memory_space<hbm>> -> memref<1x1x8x128xf32, #tpu.memory_space<hbm>>
        %dma_start3A_224 = tpu.memref_squeeze %dma_start3A_223 : memref<1x1x8x128xf32, #tpu.memory_space<hbm>> -> memref<8x128xf32, #tpu.memory_space<hbm>>
        tpu.enqueue_dma source(%dma_start3A_224 : memref<8x128xf32, #tpu.memory_space<hbm>>) target(%arg15 : memref<8x128xf32, #tpu.memory_space<vmem>>) target_semaphore(%arg22 : memref<!tpu.dma_semaphore, #tpu.memory_space<semaphore_mem>>)
      } else {
      }
      %dma_wait3A_139 = arith.constant 0 : i32
      %dma_wait3A_140 = arith.constant 0 : i32
      %dma_wait3A_141 = arith.constant 0 : i32
      %dma_wait3A_142 = arith.constant 0 : i32
      %dma_wait3A_143 = tpu.memref_slice %arg2[%dma_wait3A_139, %dma_wait3A_140, %dma_wait3A_141, %dma_wait3A_142] : memref<16x1x512x512xf32, #tpu.memory_space<hbm>> -> memref<1x1x8x128xf32, #tpu.memory_space<hbm>>
      %dma_wait3A_144 = tpu.memref_squeeze %dma_wait3A_143 : memref<1x1x8x128xf32, #tpu.memory_space<hbm>> -> memref<8x128xf32, #tpu.memory_space<hbm>>
      %dma_wait3A_145 = arith.constant 0 : i32
      %dma_wait3A_146 = arith.constant 0 : i32
      %dma_wait3A_147 = tpu.memref_slice %arg2[%dma_wait3A_139, %dma_wait3A_140, %dma_wait3A_145, %dma_wait3A_146] : memref<16x1x512x512xf32, #tpu.memory_space<hbm>> -> memref<1x1x8x128xf32, #tpu.memory_space<hbm>>
      %dma_wait3A_148 = tpu.memref_squeeze %dma_wait3A_147 : memref<1x1x8x128xf32, #tpu.memory_space<hbm>> -> memref<8x128xf32, #tpu.memory_space<hbm>>
      tpu.wait_dma2 semaphore(%arg23 : memref<!tpu.dma_semaphore, #tpu.memory_space<semaphore_mem>>) src(%dma_wait3A_148 : memref<8x128xf32, #tpu.memory_space<hbm>>) dst(%arg18 : memref<8x128xf32, #tpu.memory_space<vmem>>)
      %dma_wait3A_149 = arith.constant 0 : i32
      %dma_wait3A_150 = arith.constant 0 : i32
      %dma_wait3A_151 = arith.constant 0 : i32
      %dma_wait3A_152 = arith.constant 0 : i32
      %dma_wait3A_153 = tpu.memref_slice %arg3[%dma_wait3A_149, %dma_wait3A_150, %dma_wait3A_151, %dma_wait3A_152] : memref<16x1x512x512xf32, #tpu.memory_space<hbm>> -> memref<1x1x8x128xf32, #tpu.memory_space<hbm>>
      %dma_wait3A_154 = tpu.memref_squeeze %dma_wait3A_153 : memref<1x1x8x128xf32, #tpu.memory_space<hbm>> -> memref<8x128xf32, #tpu.memory_space<hbm>>
      %dma_wait3A_155 = arith.constant 0 : i32
      %dma_wait3A_156 = arith.constant 0 : i32
      %dma_wait3A_157 = tpu.memref_slice %arg3[%dma_wait3A_149, %dma_wait3A_150, %dma_wait3A_155, %dma_wait3A_156] : memref<16x1x512x512xf32, #tpu.memory_space<hbm>> -> memref<1x1x8x128xf32, #tpu.memory_space<hbm>>
      %dma_wait3A_158 = tpu.memref_squeeze %dma_wait3A_157 : memref<1x1x8x128xf32, #tpu.memory_space<hbm>> -> memref<8x128xf32, #tpu.memory_space<hbm>>
      tpu.wait_dma2 semaphore(%arg23 : memref<!tpu.dma_semaphore, #tpu.memory_space<semaphore_mem>>) src(%dma_wait3A_158 : memref<8x128xf32, #tpu.memory_space<hbm>>) dst(%arg19 : memref<8x128xf32, #tpu.memory_space<vmem>>)
      %gt3A_159 = arith.constant 0 : i32
      %gt3A_160 = arith.cmpi sgt, %scan3A_52, %gt3A_159 : i32
      %convert_element_type3A_161 = arith.extui %gt3A_160 : i1 to i32
      %cond3A_162 = arith.constant 0 : i32
      %cond3A_163 = arith.cmpi ne, %convert_element_type3A_161, %cond3A_162 : i32
      scf.if %cond3A_163 {
        %dma_wait3A_176 = tpu.memref_slice %arg8[%mul3A_2] : memref<4194304xf32, #tpu.memory_space<hbm>> -> memref<1024xf32, #tpu.memory_space<hbm>>
        %dma_wait3A_177 = tpu.memref_slice %arg8[%mul3A_2] : memref<4194304xf32, #tpu.memory_space<hbm>> -> memref<1024xf32, #tpu.memory_space<hbm>>
        tpu.wait_dma2 semaphore(%arg25 : memref<!tpu.dma_semaphore, #tpu.memory_space<semaphore_mem>>) src(%arg20 : memref<1024xf32, #tpu.memory_space<vmem>>) dst(%dma_wait3A_177 : memref<1024xf32, #tpu.memory_space<hbm>>)
        %dma_wait3A_178 = tpu.memref_slice %arg9[%mul3A_2] : memref<4194304xf32, #tpu.memory_space<hbm>> -> memref<1024xf32, #tpu.memory_space<hbm>>
        %dma_wait3A_179 = tpu.memref_slice %arg9[%mul3A_2] : memref<4194304xf32, #tpu.memory_space<hbm>> -> memref<1024xf32, #tpu.memory_space<hbm>>
        tpu.wait_dma2 semaphore(%arg25 : memref<!tpu.dma_semaphore, #tpu.memory_space<semaphore_mem>>) src(%arg21 : memref<1024xf32, #tpu.memory_space<vmem>>) dst(%dma_wait3A_179 : memref<1024xf32, #tpu.memory_space<hbm>>)
      } else {
      }
      %parallel_loop3A_164 = arith.constant 0 : i32
      %parallel_loop3A_165 = arith.constant 64 : i32
      %parallel_loop3A_166 = arith.constant 1 : i32
      scf.for %parallel_loop3A_176 = %parallel_loop3A_164 to %parallel_loop3A_165 step %parallel_loop3A_166  : i32 {
        %parallel_loop3A_177 = arith.constant 3 : i32
        %parallel_loop3A_178 = arith.shrui %parallel_loop3A_176, %parallel_loop3A_177 : i32
        %parallel_loop3A_179 = arith.constant 7 : i32
        %parallel_loop3A_180 = arith.andi %parallel_loop3A_176, %parallel_loop3A_179 : i32
        %parallel_loop3A_181 = arith.constant 16 : i32
        %parallel_loop3A_182 = arith.muli %parallel_loop3A_181, %parallel_loop3A_180 : i32
        %parallel_loop3A_183 = arith.constant 16 : i32
        %parallel_loop3A_184 = arith.muli %parallel_loop3A_183, %parallel_loop3A_176 : i32
        %parallel_loop3A_185 = arith.index_cast %parallel_loop3A_178 : i32 to index
        %parallel_loop3A_186 = arith.index_cast %parallel_loop3A_182 : i32 to index
        %parallel_loop3A_187 = tpu.vector_load %arg18[%parallel_loop3A_185, %parallel_loop3A_186] {strides = array<i32>} : memref<8x128xf32, #tpu.memory_space<vmem>>, vector<16xf32>,
        %parallel_loop3A_188 = arith.index_cast %parallel_loop3A_178 : i32 to index
        %parallel_loop3A_189 = arith.index_cast %parallel_loop3A_182 : i32 to index
        %parallel_loop3A_190 = tpu.vector_load %arg19[%parallel_loop3A_188, %parallel_loop3A_189] {strides = array<i32>} : memref<8x128xf32, #tpu.memory_space<vmem>>, vector<16xf32>,
        %parallel_loop3A_191 = arith.constant 2.000000e+03 : f32
        %parallel_loop3A_192 = vector.broadcast %parallel_loop3A_191 : f32 to vector<16xf32>
        %parallel_loop3A_193 = arith.mulf %parallel_loop3A_190, %parallel_loop3A_192 : vector<16xf32>
        %parallel_loop3A_194 = arith.constant 5.000000e+02 : f32
        %parallel_loop3A_195 = vector.broadcast %parallel_loop3A_194 : f32 to vector<16xf32>
        %parallel_loop3A_196 = arith.subf %parallel_loop3A_193, %parallel_loop3A_195 : vector<16xf32>
        %parallel_loop3A_197 = arith.constant 0.000000e+00 : f32
        %parallel_loop3A_198 = vector.broadcast %parallel_loop3A_197 : f32 to vector<16xf32>
        %parallel_loop3A_199 = arith.maximumf %parallel_loop3A_196, %parallel_loop3A_198 : vector<16xf32>
        %parallel_loop3A_200 = arith.constant 6.000000e+02 : f32
        %parallel_loop3A_201 = vector.broadcast %parallel_loop3A_200 : f32 to vector<16xf32>
        %parallel_loop3A_202 = arith.mulf %parallel_loop3A_201, %parallel_loop3A_199 : vector<16xf32>
        %parallel_loop3A_203 = arith.constant 4.000000e+02 : f32
        %parallel_loop3A_204 = vector.broadcast %parallel_loop3A_203 : f32 to vector<16xf32>
        %parallel_loop3A_205 = arith.addf %parallel_loop3A_202, %parallel_loop3A_204 : vector<16xf32>
        %parallel_loop3A_206 = tpu.bitcast %parallel_loop3A_205 : vector<16xf32> -> vector<16xi32>
        %parallel_loop3A_207 = arith.constant 1 : i32
        %parallel_loop3A_208 = vector.broadcast %parallel_loop3A_207 : i32 to vector<16xi32>
        %parallel_loop3A_209 = arith.shrsi %parallel_loop3A_206, %parallel_loop3A_208 : vector<16xi32>
        %parallel_loop3A_210 = arith.constant 1597463007 : i32
        %parallel_loop3A_211 = vector.broadcast %parallel_loop3A_210 : i32 to vector<16xi32>
        %parallel_loop3A_212 = arith.subi %parallel_loop3A_211, %parallel_loop3A_209 : vector<16xi32>
        %parallel_loop3A_213 = tpu.bitcast %parallel_loop3A_212 : vector<16xi32> -> vector<16xf32>
        %parallel_loop3A_214 = arith.constant 5.000000e-01 : f32
        %parallel_loop3A_215 = vector.broadcast %parallel_loop3A_214 : f32 to vector<16xf32>
        %parallel_loop3A_216 = arith.mulf %parallel_loop3A_215, %parallel_loop3A_205 : vector<16xf32>
        %parallel_loop3A_217 = arith.mulf %parallel_loop3A_216, %parallel_loop3A_213 : vector<16xf32>
        %parallel_loop3A_218 = arith.mulf %parallel_loop3A_217, %parallel_loop3A_213 : vector<16xf32>
        %parallel_loop3A_219 = arith.constant 1.500000e+00 : f32
        %parallel_loop3A_220 = vector.broadcast %parallel_loop3A_219 : f32 to vector<16xf32>
        %parallel_loop3A_221 = arith.subf %parallel_loop3A_220, %parallel_loop3A_218 : vector<16xf32>
        %parallel_loop3A_222 = arith.mulf %parallel_loop3A_213, %parallel_loop3A_221 : vector<16xf32>
        %parallel_loop3A_223 = arith.mulf %parallel_loop3A_216, %parallel_loop3A_222 : vector<16xf32>
        %parallel_loop3A_224 = arith.mulf %parallel_loop3A_223, %parallel_loop3A_222 : vector<16xf32>
        %parallel_loop3A_225 = arith.constant 1.500000e+00 : f32
        %parallel_loop3A_226 = vector.broadcast %parallel_loop3A_225 : f32 to vector<16xf32>
        %parallel_loop3A_227 = arith.subf %parallel_loop3A_226, %parallel_loop3A_224 : vector<16xf32>
        %parallel_loop3A_228 = arith.mulf %parallel_loop3A_222, %parallel_loop3A_227 : vector<16xf32>
        %parallel_loop3A_229 = arith.constant 2.000000e+01 : f32
        %parallel_loop3A_230 = vector.broadcast %parallel_loop3A_229 : f32 to vector<16xf32>
        %parallel_loop3A_231 = arith.mulf %parallel_loop3A_230, %parallel_loop3A_228 : vector<16xf32>
        %parallel_loop3A_232 = arith.constant 2.000000e+03 : f32
        %parallel_loop3A_233 = vector.broadcast %parallel_loop3A_232 : f32 to vector<16xf32>
        %parallel_loop3A_234 = arith.mulf %parallel_loop3A_187, %parallel_loop3A_233 : vector<16xf32>
        %parallel_loop3A_235 = arith.mulf %parallel_loop3A_234, %parallel_loop3A_231 : vector<16xf32>
        %parallel_loop3A_236 = arith.constant 5.000000e+02 : f32
        %parallel_loop3A_237 = vector.broadcast %parallel_loop3A_236 : f32 to vector<16xf32>
        %parallel_loop3A_238 = arith.addf %parallel_loop3A_235, %parallel_loop3A_237 : vector<16xf32>
        %parallel_loop3A_239 = arith.constant 3.800000e+02 : f32
        %parallel_loop3A_240 = vector.broadcast %parallel_loop3A_239 : f32 to vector<16xf32>
        %parallel_loop3A_241 = arith.maximumf %parallel_loop3A_238, %parallel_loop3A_240 : vector<16xf32>
        %parallel_loop3A_242 = arith.constant 6.553500e+04 : f32
        %parallel_loop3A_243 = vector.broadcast %parallel_loop3A_242 : f32 to vector<16xf32>
        %parallel_loop3A_244 = arith.minimumf %parallel_loop3A_241, %parallel_loop3A_243 : vector<16xf32>
        %parallel_loop3A_245 = arith.constant 3.800000e+02 : f32
        %parallel_loop3A_246 = vector.broadcast %parallel_loop3A_245 : f32 to vector<16xf32>
        %parallel_loop3A_247 = arith.subf %parallel_loop3A_244, %parallel_loop3A_246 : vector<16xf32>
        %parallel_loop3A_248 = arith.constant 0.460425138 : f32
        %parallel_loop3A_249 = vector.broadcast %parallel_loop3A_248 : f32 to vector<16xf32>
        %parallel_loop3A_250 = arith.mulf %parallel_loop3A_247, %parallel_loop3A_249 : vector<16xf32>
        %parallel_loop3A_251 = arith.fptosi %parallel_loop3A_250 : vector<16xf32> to vector<16xi32>
        %parallel_loop3A_252 = arith.constant 1 : i32
        %parallel_loop3A_253 = vector.broadcast %parallel_loop3A_252 : i32 to vector<16xi32>
        %parallel_loop3A_254 = arith.addi %parallel_loop3A_251, %parallel_loop3A_253 : vector<16xi32>
        %parallel_loop3A_255 = arith.constant 29999 : i32
        %parallel_loop3A_256 = vector.broadcast %parallel_loop3A_255 : i32 to vector<16xi32>
        %parallel_loop3A_257 = arith.minsi %parallel_loop3A_254, %parallel_loop3A_256 : vector<16xi32>
        %parallel_loop3A_258 = arith.constant 1 : i32
        %parallel_loop3A_259 = vector.broadcast %parallel_loop3A_258 : i32 to vector<16xi32>
        %parallel_loop3A_260 = arith.maxsi %parallel_loop3A_257, %parallel_loop3A_259 : vector<16xi32>
        %parallel_loop3A_261 = tpu.vector_load_idx %arg10[%parallel_loop3A_260] : memref<30000xf32, #tpu.memory_space<vmem>>[vector<16xi32>], vector<16xf32>,
        %parallel_loop3A_262 = tpu.vector_load_idx %arg11[%parallel_loop3A_260] : memref<30000xf32, #tpu.memory_space<vmem>>[vector<16xi32>], vector<16xf32>,
        %parallel_loop3A_263 = arith.mulf %parallel_loop3A_262, %parallel_loop3A_244 : vector<16xf32>
        %parallel_loop3A_264 = arith.addf %parallel_loop3A_261, %parallel_loop3A_263 : vector<16xf32>
        %parallel_loop3A_265 = arith.index_cast %parallel_loop3A_184 : i32 to index
        %parallel_loop3A_266 = tpu.vector_load %arg20[%parallel_loop3A_265] {strides = array<i32>} : memref<1024xf32, #tpu.memory_space<vmem>>, vector<16xf32>,
        tpu.vector_store %arg20[%parallel_loop3A_265], %parallel_loop3A_264 {strides = array<i32>} : memref<1024xf32, #tpu.memory_space<vmem>>, vector<16xf32>,
        %parallel_loop3A_267 = tpu.vector_load_idx %arg12[%parallel_loop3A_260] : memref<30000xf32, #tpu.memory_space<vmem>>[vector<16xi32>], vector<16xf32>,
        %parallel_loop3A_268 = tpu.vector_load_idx %arg13[%parallel_loop3A_260] : memref<30000xf32, #tpu.memory_space<vmem>>[vector<16xi32>], vector<16xf32>,
        %parallel_loop3A_269 = arith.mulf %parallel_loop3A_268, %parallel_loop3A_244 : vector<16xf32>
        %parallel_loop3A_270 = arith.addf %parallel_loop3A_267, %parallel_loop3A_269 : vector<16xf32>
        %parallel_loop3A_271 = arith.constant 9.99999993E-9 : f32
        %parallel_loop3A_272 = vector.broadcast %parallel_loop3A_271 : f32 to vector<16xf32>
        %parallel_loop3A_273 = arith.addf %parallel_loop3A_270, %parallel_loop3A_272 : vector<16xf32>
        %parallel_loop3A_274 = arith.mulf %parallel_loop3A_273, %parallel_loop3A_228 : vector<16xf32>
        %parallel_loop3A_275 = arith.index_cast %parallel_loop3A_184 : i32 to index
        %parallel_loop3A_276 = tpu.vector_load %arg21[%parallel_loop3A_275] {strides = array<i32>} : memref<1024xf32, #tpu.memory_space<vmem>>, vector<16xf32>,
        tpu.vector_store %arg21[%parallel_loop3A_275], %parallel_loop3A_274 {strides = array<i32>} : memref<1024xf32, #tpu.memory_space<vmem>>, vector<16xf32>,
      } {sc.loop_unroll_factor = 8 : i64, sc.parallel_access}
      %add3A_167 = arith.constant 1 : i32
      %add3A_168 = arith.addi %mul3A_54, %add3A_167 : i32
      %mul3A_169 = arith.constant 1024 : i32
      %mul3A_170 = arith.muli %add3A_168, %mul3A_169 : i32
      %add3A_171 = arith.addi %mul3A_2, %mul3A_170 : i32
      %dma_start3A_172 = tpu.memref_slice %arg8[%add3A_171] : memref<4194304xf32, #tpu.memory_space<hbm>> -> memref<1024xf32, #tpu.memory_space<hbm>>
      %dma_start3A_173 = tpu.memref_slice %arg8[%add3A_171] : memref<4194304xf32, #tpu.memory_space<hbm>> -> memref<1024xf32, #tpu.memory_space<hbm>>
      tpu.enqueue_dma source(%arg20 : memref<1024xf32, #tpu.memory_space<vmem>>) target(%dma_start3A_173 : memref<1024xf32, #tpu.memory_space<hbm>>) target_semaphore(%arg25 : memref<!tpu.dma_semaphore, #tpu.memory_space<semaphore_mem>>)
      %dma_start3A_174 = tpu.memref_slice %arg9[%add3A_171] : memref<4194304xf32, #tpu.memory_space<hbm>> -> memref<1024xf32, #tpu.memory_space<hbm>>
      %dma_start3A_175 = tpu.memref_slice %arg9[%add3A_171] : memref<4194304xf32, #tpu.memory_space<hbm>> -> memref<1024xf32, #tpu.memory_space<hbm>>
      tpu.enqueue_dma source(%arg21 : memref<1024xf32, #tpu.memory_space<vmem>>) target(%dma_start3A_175 : memref<1024xf32, #tpu.memory_space<hbm>>) target_semaphore(%arg25 : memref<!tpu.dma_semaphore, #tpu.memory_space<semaphore_mem>>)
    }
    %scan3A_44 = arith.constant 64 : i32
    %dma_wait3A = tpu.memref_slice %arg8[%mul3A_2] : memref<4194304xf32, #tpu.memory_space<hbm>> -> memref<1024xf32, #tpu.memory_space<hbm>>
    %dma_wait3A_45 = tpu.memref_slice %arg8[%mul3A_2] : memref<4194304xf32, #tpu.memory_space<hbm>> -> memref<1024xf32, #tpu.memory_space<hbm>>
    tpu.wait_dma2 semaphore(%arg24 : memref<!tpu.dma_semaphore, #tpu.memory_space<semaphore_mem>>) src(%arg16 : memref<1024xf32, #tpu.memory_space<vmem>>) dst(%dma_wait3A_45 : memref<1024xf32, #tpu.memory_space<hbm>>)
    %dma_wait3A_46 = tpu.memref_slice %arg9[%mul3A_2] : memref<4194304xf32, #tpu.memory_space<hbm>> -> memref<1024xf32, #tpu.memory_space<hbm>>
    %dma_wait3A_47 = tpu.memref_slice %arg9[%mul3A_2] : memref<4194304xf32, #tpu.memory_space<hbm>> -> memref<1024xf32, #tpu.memory_space<hbm>>
    tpu.wait_dma2 semaphore(%arg24 : memref<!tpu.dma_semaphore, #tpu.memory_space<semaphore_mem>>) src(%arg17 : memref<1024xf32, #tpu.memory_space<vmem>>) dst(%dma_wait3A_47 : memref<1024xf32, #tpu.memory_space<hbm>>)
    %dma_wait3A_48 = tpu.memref_slice %arg8[%mul3A_2] : memref<4194304xf32, #tpu.memory_space<hbm>> -> memref<1024xf32, #tpu.memory_space<hbm>>
    %dma_wait3A_49 = tpu.memref_slice %arg8[%mul3A_2] : memref<4194304xf32, #tpu.memory_space<hbm>> -> memref<1024xf32, #tpu.memory_space<hbm>>
    tpu.wait_dma2 semaphore(%arg25 : memref<!tpu.dma_semaphore, #tpu.memory_space<semaphore_mem>>) src(%arg20 : memref<1024xf32, #tpu.memory_space<vmem>>) dst(%dma_wait3A_49 : memref<1024xf32, #tpu.memory_space<hbm>>)
    %dma_wait3A_50 = tpu.memref_slice %arg9[%mul3A_2] : memref<4194304xf32, #tpu.memory_space<hbm>> -> memref<1024xf32, #tpu.memory_space<hbm>>
    %dma_wait3A_51 = tpu.memref_slice %arg9[%mul3A_2] : memref<4194304xf32, #tpu.memory_space<hbm>> -> memref<1024xf32, #tpu.memory_space<hbm>>
    tpu.wait_dma2 semaphore(%arg25 : memref<!tpu.dma_semaphore, #tpu.memory_space<semaphore_mem>>) src(%arg21 : memref<1024xf32, #tpu.memory_space<vmem>>) dst(%dma_wait3A_51 : memref<1024xf32, #tpu.memory_space<hbm>>)
    return
  }
}

module attributes {stable_mosaic.version = 14 : i64} {
  func.func @_tc_body(%arg0: i32, %arg1: memref<1x512x128xf32, #tpu.memory_space<vmem>>, %arg2: memref<1x512x128xf32, #tpu.memory_space<vmem>>, %arg3: memref<1x1x128x512xf32, #tpu.memory_space<vmem>>, %arg4: memref<1x1x1xf32, #tpu.memory_space<vmem>>) attributes {dimension_semantics = [#tpu.dimension_semantics<arbitrary>], iteration_bounds = array<i64: 64>, scalar_prefetch = 0 : i64, scratch_operands = 0 : i64, tpu.core_type = #tpu.core_type<tc>, window_params = [{transform_indices = @transform_0, window_bounds = array<i64: 1, 512, 128>}, {transform_indices = @transform_1, window_bounds = array<i64: 1, 512, 128>}, {transform_indices = @transform_2, window_bounds = array<i64: 1, 1, 128, 512>}, {transform_indices = @transform_3, window_bounds = array<i64: 1, 1, 1>}]} {
    %jit3A = arith.constant 4 : i32
    %eq3A = arith.constant 0 : i32
    %eq3A_0 = arith.cmpi eq, %jit3A, %eq3A : i32
    %jit3A_1 = arith.constant 1 : i32
    %select_n3A = arith.select %eq3A_0, %jit3A_1, %jit3A : i32
    %rem3A = arith.remsi %arg0, %select_n3A : i32
    %ne3A = arith.constant 0 : i32
    %ne3A_2 = arith.cmpi ne, %rem3A, %ne3A : i32
    %lt3A = arith.constant 0 : i32
    %lt3A_3 = arith.cmpi slt, %rem3A, %lt3A : i32
    %lt3A_4 = arith.constant 0 : i32
    %lt3A_5 = arith.cmpi slt, %select_n3A, %lt3A_4 : i32
    %ne3A_6 = arith.xori %lt3A_3, %lt3A_5 : i1
    %and3A = arith.andi %ne3A_6, %ne3A_2 : i1
    %add3A = arith.addi %rem3A, %select_n3A : i32
    %select_n3A_7 = arith.select %and3A, %add3A, %rem3A : i32
    %eq3A_8 = arith.constant 0 : i32
    %eq3A_9 = arith.cmpi eq, %select_n3A_7, %eq3A_8 : i32
    %convert_element_type3A = arith.extui %eq3A_9 : i1 to i32
    %cond3A = arith.constant 0 : i32
    %cond3A_10 = arith.cmpi ne, %convert_element_type3A, %cond3A : i32
    scf.if %cond3A_10 {
      %broadcast_in_dim3A_30 = arith.constant 0.000000e+00 : f32
      %broadcast_in_dim3A_31 = vector.broadcast %broadcast_in_dim3A_30 : f32 to vector<1x1x1xf32>
      %swap3A_32 = arith.constant 0 : index
      %swap3A_33 = arith.constant 0 : index
      %swap3A_34 = arith.constant 0 : index
      %swap3A_35 = vector.load %arg4[%swap3A_32, %swap3A_33, %swap3A_34] : memref<1x1x1xf32, #tpu.memory_space<vmem>>, vector<1x1x1xf32>
      tpu.vector_store %arg4[%swap3A_32, %swap3A_33, %swap3A_34], %broadcast_in_dim3A_31 {strides = array<i32>} : memref<1x1x1xf32, #tpu.memory_space<vmem>>, vector<1x1x1xf32>,
    } else {
    }
    %broadcast_in_dim3A = arith.constant 0.000000e+00 : f32
    %broadcast_in_dim3A_11 = vector.broadcast %broadcast_in_dim3A : f32 to vector<32x128xf32>
    %scan3A = arith.constant 0 : i32
    %scan3A_12 = arith.constant 16 : i32
    %scan3A_13 = arith.addi %scan3A, %scan3A_12 : i32
    %scan3A_14 = arith.constant 4 : i32
    %scan3A_15 = scf.for %scan3A_30 = %scan3A to %scan3A_13 step %scan3A_14 iter_args(%scan3A_31 = %broadcast_in_dim3A_11) -> (vector<32x128xf32>)  : i32 {
      %mul3A = arith.constant 32 : i32
      %mul3A_32 = arith.muli %scan3A_30, %mul3A : i32
      %get3A_33 = arith.constant 0 : index
      %get3A_34 = arith.index_cast %mul3A_32 : i32 to index
      %get3A_35 = arith.constant 0 : index
      %get3A_36 = vector.load %arg1[%get3A_33, %get3A_34, %get3A_35] : memref<1x512x128xf32, #tpu.memory_space<vmem>>, vector<1x32x128xf32>
      %get3A_37 = vector.shape_cast %get3A_36 : vector<1x32x128xf32> to vector<32x128xf32>
      %jit3A_38 = arith.constant 9.99999974E-6 : f32
      %jit3A_39 = arith.constant 0.999989986 : f32
      %max3A = vector.broadcast %jit3A_38 : f32 to vector<32x128xf32>
      %max3A_40 = arith.maximumf %max3A, %get3A_37 : vector<32x128xf32>
      %min3A = vector.broadcast %jit3A_39 : f32 to vector<32x128xf32>
      %min3A_41 = arith.minimumf %min3A, %max3A_40 : vector<32x128xf32>
      %mul3A_42 = arith.constant 2.000000e+00 : f32
      %mul3A_43 = vector.broadcast %mul3A_42 : f32 to vector<32x128xf32>
      %mul3A_44 = arith.mulf %mul3A_43, %min3A_41 : vector<32x128xf32>
      %sub3A = arith.constant 1.000000e+00 : f32
      %sub3A_45 = vector.broadcast %sub3A : f32 to vector<32x128xf32>
      %sub3A_46 = arith.subf %mul3A_44, %sub3A_45 : vector<32x128xf32>
      %neg3A = arith.constant 0.000000e+00 : f32
      %neg3A_47 = vector.broadcast %neg3A : f32 to vector<32x128xf32>
      %neg3A_48 = arith.subf %neg3A_47, %sub3A_46 : vector<32x128xf32>
      %mul3A_49 = arith.mulf %neg3A_48, %sub3A_46 : vector<32x128xf32>
      %log1p3A = math.log1p %mul3A_49 : vector<32x128xf32>
      %neg3A_50 = arith.constant 0.000000e+00 : f32
      %neg3A_51 = vector.broadcast %neg3A_50 : f32 to vector<32x128xf32>
      %neg3A_52 = arith.subf %neg3A_51, %log1p3A : vector<32x128xf32>
      %sub3A_53 = arith.constant 2.500000e+00 : f32
      %sub3A_54 = vector.broadcast %sub3A_53 : f32 to vector<32x128xf32>
      %sub3A_55 = arith.subf %neg3A_52, %sub3A_54 : vector<32x128xf32>
      %mul3A_56 = arith.constant 2.81022636E-8 : f32
      %mul3A_57 = vector.broadcast %mul3A_56 : f32 to vector<32x128xf32>
      %mul3A_58 = arith.mulf %mul3A_57, %sub3A_55 : vector<32x128xf32>
      %add3A_59 = arith.constant 3.43273939E-7 : f32
      %add3A_60 = vector.broadcast %add3A_59 : f32 to vector<32x128xf32>
      %add3A_61 = arith.addf %mul3A_58, %add3A_60 : vector<32x128xf32>
      %mul3A_62 = arith.mulf %add3A_61, %sub3A_55 : vector<32x128xf32>
      %add3A_63 = arith.constant -3.5233877E-6 : f32
      %add3A_64 = vector.broadcast %add3A_63 : f32 to vector<32x128xf32>
      %add3A_65 = arith.addf %mul3A_62, %add3A_64 : vector<32x128xf32>
      %mul3A_66 = arith.mulf %add3A_65, %sub3A_55 : vector<32x128xf32>
      %add3A_67 = arith.constant -4.39150654E-6 : f32
      %add3A_68 = vector.broadcast %add3A_67 : f32 to vector<32x128xf32>
      %add3A_69 = arith.addf %mul3A_66, %add3A_68 : vector<32x128xf32>
      %mul3A_70 = arith.mulf %add3A_69, %sub3A_55 : vector<32x128xf32>
      %add3A_71 = arith.constant 2.1858087E-4 : f32
      %add3A_72 = vector.broadcast %add3A_71 : f32 to vector<32x128xf32>
      %add3A_73 = arith.addf %mul3A_70, %add3A_72 : vector<32x128xf32>
      %mul3A_74 = arith.mulf %add3A_73, %sub3A_55 : vector<32x128xf32>
      %add3A_75 = arith.constant -0.00125372503 : f32
      %add3A_76 = vector.broadcast %add3A_75 : f32 to vector<32x128xf32>
      %add3A_77 = arith.addf %mul3A_74, %add3A_76 : vector<32x128xf32>
      %mul3A_78 = arith.mulf %add3A_77, %sub3A_55 : vector<32x128xf32>
      %add3A_79 = arith.constant -0.00417768164 : f32
      %add3A_80 = vector.broadcast %add3A_79 : f32 to vector<32x128xf32>
      %add3A_81 = arith.addf %mul3A_78, %add3A_80 : vector<32x128xf32>
      %mul3A_82 = arith.mulf %add3A_81, %sub3A_55 : vector<32x128xf32>
      %add3A_83 = arith.constant 0.246640727 : f32
      %add3A_84 = vector.broadcast %add3A_83 : f32 to vector<32x128xf32>
      %add3A_85 = arith.addf %mul3A_82, %add3A_84 : vector<32x128xf32>
      %mul3A_86 = arith.mulf %add3A_85, %sub3A_55 : vector<32x128xf32>
      %add3A_87 = arith.constant 1.50140941 : f32
      %add3A_88 = vector.broadcast %add3A_87 : f32 to vector<32x128xf32>
      %add3A_89 = arith.addf %mul3A_86, %add3A_88 : vector<32x128xf32>
      %sqrt3A = math.sqrt %neg3A_52 : vector<32x128xf32>
      %sub3A_90 = arith.constant 3.000000e+00 : f32
      %sub3A_91 = vector.broadcast %sub3A_90 : f32 to vector<32x128xf32>
      %sub3A_92 = arith.subf %sqrt3A, %sub3A_91 : vector<32x128xf32>
      %mul3A_93 = arith.constant -2.00214257E-4 : f32
      %mul3A_94 = vector.broadcast %mul3A_93 : f32 to vector<32x128xf32>
      %mul3A_95 = arith.mulf %mul3A_94, %sub3A_92 : vector<32x128xf32>
      %add3A_96 = arith.constant 1.00950558E-4 : f32
      %add3A_97 = vector.broadcast %add3A_96 : f32 to vector<32x128xf32>
      %add3A_98 = arith.addf %mul3A_95, %add3A_97 : vector<32x128xf32>
      %mul3A_99 = arith.mulf %add3A_98, %sub3A_92 : vector<32x128xf32>
      %add3A_100 = arith.constant 0.00134934322 : f32
      %add3A_101 = vector.broadcast %add3A_100 : f32 to vector<32x128xf32>
      %add3A_102 = arith.addf %mul3A_99, %add3A_101 : vector<32x128xf32>
      %mul3A_103 = arith.mulf %add3A_102, %sub3A_92 : vector<32x128xf32>
      %add3A_104 = arith.constant -0.00367342844 : f32
      %add3A_105 = vector.broadcast %add3A_104 : f32 to vector<32x128xf32>
      %add3A_106 = arith.addf %mul3A_103, %add3A_105 : vector<32x128xf32>
      %mul3A_107 = arith.mulf %add3A_106, %sub3A_92 : vector<32x128xf32>
      %add3A_108 = arith.constant 0.00573950773 : f32
      %add3A_109 = vector.broadcast %add3A_108 : f32 to vector<32x128xf32>
      %add3A_110 = arith.addf %mul3A_107, %add3A_109 : vector<32x128xf32>
      %mul3A_111 = arith.mulf %add3A_110, %sub3A_92 : vector<32x128xf32>
      %add3A_112 = arith.constant -0.0076224613 : f32
      %add3A_113 = vector.broadcast %add3A_112 : f32 to vector<32x128xf32>
      %add3A_114 = arith.addf %mul3A_111, %add3A_113 : vector<32x128xf32>
      %mul3A_115 = arith.mulf %add3A_114, %sub3A_92 : vector<32x128xf32>
      %add3A_116 = arith.constant 0.00943887047 : f32
      %add3A_117 = vector.broadcast %add3A_116 : f32 to vector<32x128xf32>
      %add3A_118 = arith.addf %mul3A_115, %add3A_117 : vector<32x128xf32>
      %mul3A_119 = arith.mulf %add3A_118, %sub3A_92 : vector<32x128xf32>
      %add3A_120 = arith.constant 1.00167406 : f32
      %add3A_121 = vector.broadcast %add3A_120 : f32 to vector<32x128xf32>
      %add3A_122 = arith.addf %mul3A_119, %add3A_121 : vector<32x128xf32>
      %mul3A_123 = arith.mulf %add3A_122, %sub3A_92 : vector<32x128xf32>
      %add3A_124 = arith.constant 2.83297682 : f32
      %add3A_125 = vector.broadcast %add3A_124 : f32 to vector<32x128xf32>
      %add3A_126 = arith.addf %mul3A_123, %add3A_125 : vector<32x128xf32>
      %lt3A_127 = arith.constant 5.000000e+00 : f32
      %lt3A_128 = vector.broadcast %lt3A_127 : f32 to vector<32x128xf32>
      %lt3A_129 = arith.cmpf olt, %neg3A_52, %lt3A_128 : vector<32x128xf32>
      %select_n3A_130 = arith.select %lt3A_129, %add3A_89, %add3A_126 : vector<32x128xi1>, vector<32x128xf32>
      %mul3A_131 = arith.mulf %select_n3A_130, %sub3A_46 : vector<32x128xf32>
      %mul3A_132 = arith.constant 1.41421354 : f32
      %mul3A_133 = vector.broadcast %mul3A_132 : f32 to vector<32x128xf32>
      %mul3A_134 = arith.mulf %mul3A_131, %mul3A_133 : vector<32x128xf32>
      %reshape3A_135 = vector.shape_cast %mul3A_134 : vector<32x128xf32> to vector<4x8x128xf32>
      %transpose3A = tpu.transpose %reshape3A_135, [1, 0, 2] : vector<4x8x128xf32> -> vector<8x4x128xf32>
      %reshape3A_136 = vector.shape_cast %transpose3A : vector<8x4x128xf32> to vector<8x512xf32>
      %mul3A_137 = arith.constant 8 : i32
      %mul3A_138 = arith.muli %scan3A_30, %mul3A_137 : i32
      %swap3A_139 = arith.constant 0 : index
      %swap3A_140 = arith.constant 0 : index
      %swap3A_141 = arith.index_cast %mul3A_138 : i32 to index
      %swap3A_142 = arith.constant 0 : index
      %swap3A_143 = vector.load %arg3[%swap3A_139, %swap3A_140, %swap3A_141, %swap3A_142] : memref<1x1x128x512xf32, #tpu.memory_space<vmem>>, vector<1x1x8x512xf32>
      %swap3A_144 = vector.shape_cast %swap3A_143 : vector<1x1x8x512xf32> to vector<8x512xf32>
      %swap3A_145 = vector.shape_cast %reshape3A_136 : vector<8x512xf32> to vector<1x1x8x512xf32>
      tpu.vector_store %arg3[%swap3A_139, %swap3A_140, %swap3A_141, %swap3A_142], %swap3A_145 {strides = array<i32>} : memref<1x1x128x512xf32, #tpu.memory_space<vmem>>, vector<1x1x8x512xf32>,
      %get3A_146 = arith.constant 0 : index
      %get3A_147 = arith.index_cast %mul3A_32 : i32 to index
      %get3A_148 = arith.constant 0 : index
      %get3A_149 = vector.load %arg2[%get3A_146, %get3A_147, %get3A_148] : memref<1x512x128xf32, #tpu.memory_space<vmem>>, vector<1x32x128xf32>
      %get3A_150 = vector.shape_cast %get3A_149 : vector<1x32x128xf32> to vector<32x128xf32>
      %log3A = math.log %get3A_150 : vector<32x128xf32>
      %mul3A_151 = arith.mulf %mul3A_134, %mul3A_134 : vector<32x128xf32>
      %mul3A_152 = arith.constant 5.000000e-01 : f32
      %mul3A_153 = vector.broadcast %mul3A_152 : f32 to vector<32x128xf32>
      %mul3A_154 = arith.mulf %mul3A_153, %mul3A_151 : vector<32x128xf32>
      %add3A_155 = arith.addf %log3A, %mul3A_154 : vector<32x128xf32>
      %add3A_156 = arith.addf %scan3A_31, %add3A_155 : vector<32x128xf32>
      %scan3A_157 = arith.constant 1 : i32
      %scan3A_158 = arith.addi %scan3A_30, %scan3A_157 : i32
      %mul3A_159 = arith.constant 32 : i32
      %mul3A_160 = arith.muli %scan3A_158, %mul3A_159 : i32
      %get3A_161 = arith.constant 0 : index
      %get3A_162 = arith.index_cast %mul3A_160 : i32 to index
      %get3A_163 = arith.constant 0 : index
      %get3A_164 = vector.load %arg1[%get3A_161, %get3A_162, %get3A_163] : memref<1x512x128xf32, #tpu.memory_space<vmem>>, vector<1x32x128xf32>
      %get3A_165 = vector.shape_cast %get3A_164 : vector<1x32x128xf32> to vector<32x128xf32>
      %jit3A_166 = arith.constant 9.99999974E-6 : f32
      %jit3A_167 = arith.constant 0.999989986 : f32
      %max3A_168 = vector.broadcast %jit3A_166 : f32 to vector<32x128xf32>
      %max3A_169 = arith.maximumf %max3A_168, %get3A_165 : vector<32x128xf32>
      %min3A_170 = vector.broadcast %jit3A_167 : f32 to vector<32x128xf32>
      %min3A_171 = arith.minimumf %min3A_170, %max3A_169 : vector<32x128xf32>
      %mul3A_172 = arith.constant 2.000000e+00 : f32
      %mul3A_173 = vector.broadcast %mul3A_172 : f32 to vector<32x128xf32>
      %mul3A_174 = arith.mulf %mul3A_173, %min3A_171 : vector<32x128xf32>
      %sub3A_175 = arith.constant 1.000000e+00 : f32
      %sub3A_176 = vector.broadcast %sub3A_175 : f32 to vector<32x128xf32>
      %sub3A_177 = arith.subf %mul3A_174, %sub3A_176 : vector<32x128xf32>
      %neg3A_178 = arith.constant 0.000000e+00 : f32
      %neg3A_179 = vector.broadcast %neg3A_178 : f32 to vector<32x128xf32>
      %neg3A_180 = arith.subf %neg3A_179, %sub3A_177 : vector<32x128xf32>
      %mul3A_181 = arith.mulf %neg3A_180, %sub3A_177 : vector<32x128xf32>
      %log1p3A_182 = math.log1p %mul3A_181 : vector<32x128xf32>
      %neg3A_183 = arith.constant 0.000000e+00 : f32
      %neg3A_184 = vector.broadcast %neg3A_183 : f32 to vector<32x128xf32>
      %neg3A_185 = arith.subf %neg3A_184, %log1p3A_182 : vector<32x128xf32>
      %sub3A_186 = arith.constant 2.500000e+00 : f32
      %sub3A_187 = vector.broadcast %sub3A_186 : f32 to vector<32x128xf32>
      %sub3A_188 = arith.subf %neg3A_185, %sub3A_187 : vector<32x128xf32>
      %mul3A_189 = arith.constant 2.81022636E-8 : f32
      %mul3A_190 = vector.broadcast %mul3A_189 : f32 to vector<32x128xf32>
      %mul3A_191 = arith.mulf %mul3A_190, %sub3A_188 : vector<32x128xf32>
      %add3A_192 = arith.constant 3.43273939E-7 : f32
      %add3A_193 = vector.broadcast %add3A_192 : f32 to vector<32x128xf32>
      %add3A_194 = arith.addf %mul3A_191, %add3A_193 : vector<32x128xf32>
      %mul3A_195 = arith.mulf %add3A_194, %sub3A_188 : vector<32x128xf32>
      %add3A_196 = arith.constant -3.5233877E-6 : f32
      %add3A_197 = vector.broadcast %add3A_196 : f32 to vector<32x128xf32>
      %add3A_198 = arith.addf %mul3A_195, %add3A_197 : vector<32x128xf32>
      %mul3A_199 = arith.mulf %add3A_198, %sub3A_188 : vector<32x128xf32>
      %add3A_200 = arith.constant -4.39150654E-6 : f32
      %add3A_201 = vector.broadcast %add3A_200 : f32 to vector<32x128xf32>
      %add3A_202 = arith.addf %mul3A_199, %add3A_201 : vector<32x128xf32>
      %mul3A_203 = arith.mulf %add3A_202, %sub3A_188 : vector<32x128xf32>
      %add3A_204 = arith.constant 2.1858087E-4 : f32
      %add3A_205 = vector.broadcast %add3A_204 : f32 to vector<32x128xf32>
      %add3A_206 = arith.addf %mul3A_203, %add3A_205 : vector<32x128xf32>
      %mul3A_207 = arith.mulf %add3A_206, %sub3A_188 : vector<32x128xf32>
      %add3A_208 = arith.constant -0.00125372503 : f32
      %add3A_209 = vector.broadcast %add3A_208 : f32 to vector<32x128xf32>
      %add3A_210 = arith.addf %mul3A_207, %add3A_209 : vector<32x128xf32>
      %mul3A_211 = arith.mulf %add3A_210, %sub3A_188 : vector<32x128xf32>
      %add3A_212 = arith.constant -0.00417768164 : f32
      %add3A_213 = vector.broadcast %add3A_212 : f32 to vector<32x128xf32>
      %add3A_214 = arith.addf %mul3A_211, %add3A_213 : vector<32x128xf32>
      %mul3A_215 = arith.mulf %add3A_214, %sub3A_188 : vector<32x128xf32>
      %add3A_216 = arith.constant 0.246640727 : f32
      %add3A_217 = vector.broadcast %add3A_216 : f32 to vector<32x128xf32>
      %add3A_218 = arith.addf %mul3A_215, %add3A_217 : vector<32x128xf32>
      %mul3A_219 = arith.mulf %add3A_218, %sub3A_188 : vector<32x128xf32>
      %add3A_220 = arith.constant 1.50140941 : f32
      %add3A_221 = vector.broadcast %add3A_220 : f32 to vector<32x128xf32>
      %add3A_222 = arith.addf %mul3A_219, %add3A_221 : vector<32x128xf32>
      %sqrt3A_223 = math.sqrt %neg3A_185 : vector<32x128xf32>
      %sub3A_224 = arith.constant 3.000000e+00 : f32
      %sub3A_225 = vector.broadcast %sub3A_224 : f32 to vector<32x128xf32>
      %sub3A_226 = arith.subf %sqrt3A_223, %sub3A_225 : vector<32x128xf32>
      %mul3A_227 = arith.constant -2.00214257E-4 : f32
      %mul3A_228 = vector.broadcast %mul3A_227 : f32 to vector<32x128xf32>
      %mul3A_229 = arith.mulf %mul3A_228, %sub3A_226 : vector<32x128xf32>
      %add3A_230 = arith.constant 1.00950558E-4 : f32
      %add3A_231 = vector.broadcast %add3A_230 : f32 to vector<32x128xf32>
      %add3A_232 = arith.addf %mul3A_229, %add3A_231 : vector<32x128xf32>
      %mul3A_233 = arith.mulf %add3A_232, %sub3A_226 : vector<32x128xf32>
      %add3A_234 = arith.constant 0.00134934322 : f32
      %add3A_235 = vector.broadcast %add3A_234 : f32 to vector<32x128xf32>
      %add3A_236 = arith.addf %mul3A_233, %add3A_235 : vector<32x128xf32>
      %mul3A_237 = arith.mulf %add3A_236, %sub3A_226 : vector<32x128xf32>
      %add3A_238 = arith.constant -0.00367342844 : f32
      %add3A_239 = vector.broadcast %add3A_238 : f32 to vector<32x128xf32>
      %add3A_240 = arith.addf %mul3A_237, %add3A_239 : vector<32x128xf32>
      %mul3A_241 = arith.mulf %add3A_240, %sub3A_226 : vector<32x128xf32>
      %add3A_242 = arith.constant 0.00573950773 : f32
      %add3A_243 = vector.broadcast %add3A_242 : f32 to vector<32x128xf32>
      %add3A_244 = arith.addf %mul3A_241, %add3A_243 : vector<32x128xf32>
      %mul3A_245 = arith.mulf %add3A_244, %sub3A_226 : vector<32x128xf32>
      %add3A_246 = arith.constant -0.0076224613 : f32
      %add3A_247 = vector.broadcast %add3A_246 : f32 to vector<32x128xf32>
      %add3A_248 = arith.addf %mul3A_245, %add3A_247 : vector<32x128xf32>
      %mul3A_249 = arith.mulf %add3A_248, %sub3A_226 : vector<32x128xf32>
      %add3A_250 = arith.constant 0.00943887047 : f32
      %add3A_251 = vector.broadcast %add3A_250 : f32 to vector<32x128xf32>
      %add3A_252 = arith.addf %mul3A_249, %add3A_251 : vector<32x128xf32>
      %mul3A_253 = arith.mulf %add3A_252, %sub3A_226 : vector<32x128xf32>
      %add3A_254 = arith.constant 1.00167406 : f32
      %add3A_255 = vector.broadcast %add3A_254 : f32 to vector<32x128xf32>
      %add3A_256 = arith.addf %mul3A_253, %add3A_255 : vector<32x128xf32>
      %mul3A_257 = arith.mulf %add3A_256, %sub3A_226 : vector<32x128xf32>
      %add3A_258 = arith.constant 2.83297682 : f32
      %add3A_259 = vector.broadcast %add3A_258 : f32 to vector<32x128xf32>
      %add3A_260 = arith.addf %mul3A_257, %add3A_259 : vector<32x128xf32>
      %lt3A_261 = arith.constant 5.000000e+00 : f32
      %lt3A_262 = vector.broadcast %lt3A_261 : f32 to vector<32x128xf32>
      %lt3A_263 = arith.cmpf olt, %neg3A_185, %lt3A_262 : vector<32x128xf32>
      %select_n3A_264 = arith.select %lt3A_263, %add3A_222, %add3A_260 : vector<32x128xi1>, vector<32x128xf32>
      %mul3A_265 = arith.mulf %select_n3A_264, %sub3A_177 : vector<32x128xf32>
      %mul3A_266 = arith.constant 1.41421354 : f32
      %mul3A_267 = vector.broadcast %mul3A_266 : f32 to vector<32x128xf32>
      %mul3A_268 = arith.mulf %mul3A_265, %mul3A_267 : vector<32x128xf32>
      %reshape3A_269 = vector.shape_cast %mul3A_268 : vector<32x128xf32> to vector<4x8x128xf32>
      %transpose3A_270 = tpu.transpose %reshape3A_269, [1, 0, 2] : vector<4x8x128xf32> -> vector<8x4x128xf32>
      %reshape3A_271 = vector.shape_cast %transpose3A_270 : vector<8x4x128xf32> to vector<8x512xf32>
      %mul3A_272 = arith.constant 8 : i32
      %mul3A_273 = arith.muli %scan3A_158, %mul3A_272 : i32
      %swap3A_274 = arith.constant 0 : index
      %swap3A_275 = arith.constant 0 : index
      %swap3A_276 = arith.index_cast %mul3A_273 : i32 to index
      %swap3A_277 = arith.constant 0 : index
      %swap3A_278 = vector.load %arg3[%swap3A_274, %swap3A_275, %swap3A_276, %swap3A_277] : memref<1x1x128x512xf32, #tpu.memory_space<vmem>>, vector<1x1x8x512xf32>
      %swap3A_279 = vector.shape_cast %swap3A_278 : vector<1x1x8x512xf32> to vector<8x512xf32>
      %swap3A_280 = vector.shape_cast %reshape3A_271 : vector<8x512xf32> to vector<1x1x8x512xf32>
      tpu.vector_store %arg3[%swap3A_274, %swap3A_275, %swap3A_276, %swap3A_277], %swap3A_280 {strides = array<i32>} : memref<1x1x128x512xf32, #tpu.memory_space<vmem>>, vector<1x1x8x512xf32>,
      %get3A_281 = arith.constant 0 : index
      %get3A_282 = arith.index_cast %mul3A_160 : i32 to index
      %get3A_283 = arith.constant 0 : index
      %get3A_284 = vector.load %arg2[%get3A_281, %get3A_282, %get3A_283] : memref<1x512x128xf32, #tpu.memory_space<vmem>>, vector<1x32x128xf32>
      %get3A_285 = vector.shape_cast %get3A_284 : vector<1x32x128xf32> to vector<32x128xf32>
      %log3A_286 = math.log %get3A_285 : vector<32x128xf32>
      %mul3A_287 = arith.mulf %mul3A_268, %mul3A_268 : vector<32x128xf32>
      %mul3A_288 = arith.constant 5.000000e-01 : f32
      %mul3A_289 = vector.broadcast %mul3A_288 : f32 to vector<32x128xf32>
      %mul3A_290 = arith.mulf %mul3A_289, %mul3A_287 : vector<32x128xf32>
      %add3A_291 = arith.addf %log3A_286, %mul3A_290 : vector<32x128xf32>
      %add3A_292 = arith.addf %add3A_156, %add3A_291 : vector<32x128xf32>
      %scan3A_293 = arith.constant 2 : i32
      %scan3A_294 = arith.addi %scan3A_30, %scan3A_293 : i32
      %mul3A_295 = arith.constant 32 : i32
      %mul3A_296 = arith.muli %scan3A_294, %mul3A_295 : i32
      %get3A_297 = arith.constant 0 : index
      %get3A_298 = arith.index_cast %mul3A_296 : i32 to index
      %get3A_299 = arith.constant 0 : index
      %get3A_300 = vector.load %arg1[%get3A_297, %get3A_298, %get3A_299] : memref<1x512x128xf32, #tpu.memory_space<vmem>>, vector<1x32x128xf32>
      %get3A_301 = vector.shape_cast %get3A_300 : vector<1x32x128xf32> to vector<32x128xf32>
      %jit3A_302 = arith.constant 9.99999974E-6 : f32
      %jit3A_303 = arith.constant 0.999989986 : f32
      %max3A_304 = vector.broadcast %jit3A_302 : f32 to vector<32x128xf32>
      %max3A_305 = arith.maximumf %max3A_304, %get3A_301 : vector<32x128xf32>
      %min3A_306 = vector.broadcast %jit3A_303 : f32 to vector<32x128xf32>
      %min3A_307 = arith.minimumf %min3A_306, %max3A_305 : vector<32x128xf32>
      %mul3A_308 = arith.constant 2.000000e+00 : f32
      %mul3A_309 = vector.broadcast %mul3A_308 : f32 to vector<32x128xf32>
      %mul3A_310 = arith.mulf %mul3A_309, %min3A_307 : vector<32x128xf32>
      %sub3A_311 = arith.constant 1.000000e+00 : f32
      %sub3A_312 = vector.broadcast %sub3A_311 : f32 to vector<32x128xf32>
      %sub3A_313 = arith.subf %mul3A_310, %sub3A_312 : vector<32x128xf32>
      %neg3A_314 = arith.constant 0.000000e+00 : f32
      %neg3A_315 = vector.broadcast %neg3A_314 : f32 to vector<32x128xf32>
      %neg3A_316 = arith.subf %neg3A_315, %sub3A_313 : vector<32x128xf32>
      %mul3A_317 = arith.mulf %neg3A_316, %sub3A_313 : vector<32x128xf32>
      %log1p3A_318 = math.log1p %mul3A_317 : vector<32x128xf32>
      %neg3A_319 = arith.constant 0.000000e+00 : f32
      %neg3A_320 = vector.broadcast %neg3A_319 : f32 to vector<32x128xf32>
      %neg3A_321 = arith.subf %neg3A_320, %log1p3A_318 : vector<32x128xf32>
      %sub3A_322 = arith.constant 2.500000e+00 : f32
      %sub3A_323 = vector.broadcast %sub3A_322 : f32 to vector<32x128xf32>
      %sub3A_324 = arith.subf %neg3A_321, %sub3A_323 : vector<32x128xf32>
      %mul3A_325 = arith.constant 2.81022636E-8 : f32
      %mul3A_326 = vector.broadcast %mul3A_325 : f32 to vector<32x128xf32>
      %mul3A_327 = arith.mulf %mul3A_326, %sub3A_324 : vector<32x128xf32>
      %add3A_328 = arith.constant 3.43273939E-7 : f32
      %add3A_329 = vector.broadcast %add3A_328 : f32 to vector<32x128xf32>
      %add3A_330 = arith.addf %mul3A_327, %add3A_329 : vector<32x128xf32>
      %mul3A_331 = arith.mulf %add3A_330, %sub3A_324 : vector<32x128xf32>
      %add3A_332 = arith.constant -3.5233877E-6 : f32
      %add3A_333 = vector.broadcast %add3A_332 : f32 to vector<32x128xf32>
      %add3A_334 = arith.addf %mul3A_331, %add3A_333 : vector<32x128xf32>
      %mul3A_335 = arith.mulf %add3A_334, %sub3A_324 : vector<32x128xf32>
      %add3A_336 = arith.constant -4.39150654E-6 : f32
      %add3A_337 = vector.broadcast %add3A_336 : f32 to vector<32x128xf32>
      %add3A_338 = arith.addf %mul3A_335, %add3A_337 : vector<32x128xf32>
      %mul3A_339 = arith.mulf %add3A_338, %sub3A_324 : vector<32x128xf32>
      %add3A_340 = arith.constant 2.1858087E-4 : f32
      %add3A_341 = vector.broadcast %add3A_340 : f32 to vector<32x128xf32>
      %add3A_342 = arith.addf %mul3A_339, %add3A_341 : vector<32x128xf32>
      %mul3A_343 = arith.mulf %add3A_342, %sub3A_324 : vector<32x128xf32>
      %add3A_344 = arith.constant -0.00125372503 : f32
      %add3A_345 = vector.broadcast %add3A_344 : f32 to vector<32x128xf32>
      %add3A_346 = arith.addf %mul3A_343, %add3A_345 : vector<32x128xf32>
      %mul3A_347 = arith.mulf %add3A_346, %sub3A_324 : vector<32x128xf32>
      %add3A_348 = arith.constant -0.00417768164 : f32
      %add3A_349 = vector.broadcast %add3A_348 : f32 to vector<32x128xf32>
      %add3A_350 = arith.addf %mul3A_347, %add3A_349 : vector<32x128xf32>
      %mul3A_351 = arith.mulf %add3A_350, %sub3A_324 : vector<32x128xf32>
      %add3A_352 = arith.constant 0.246640727 : f32
      %add3A_353 = vector.broadcast %add3A_352 : f32 to vector<32x128xf32>
      %add3A_354 = arith.addf %mul3A_351, %add3A_353 : vector<32x128xf32>
      %mul3A_355 = arith.mulf %add3A_354, %sub3A_324 : vector<32x128xf32>
      %add3A_356 = arith.constant 1.50140941 : f32
      %add3A_357 = vector.broadcast %add3A_356 : f32 to vector<32x128xf32>
      %add3A_358 = arith.addf %mul3A_355, %add3A_357 : vector<32x128xf32>
      %sqrt3A_359 = math.sqrt %neg3A_321 : vector<32x128xf32>
      %sub3A_360 = arith.constant 3.000000e+00 : f32
      %sub3A_361 = vector.broadcast %sub3A_360 : f32 to vector<32x128xf32>
      %sub3A_362 = arith.subf %sqrt3A_359, %sub3A_361 : vector<32x128xf32>
      %mul3A_363 = arith.constant -2.00214257E-4 : f32
      %mul3A_364 = vector.broadcast %mul3A_363 : f32 to vector<32x128xf32>
      %mul3A_365 = arith.mulf %mul3A_364, %sub3A_362 : vector<32x128xf32>
      %add3A_366 = arith.constant 1.00950558E-4 : f32
      %add3A_367 = vector.broadcast %add3A_366 : f32 to vector<32x128xf32>
      %add3A_368 = arith.addf %mul3A_365, %add3A_367 : vector<32x128xf32>
      %mul3A_369 = arith.mulf %add3A_368, %sub3A_362 : vector<32x128xf32>
      %add3A_370 = arith.constant 0.00134934322 : f32
      %add3A_371 = vector.broadcast %add3A_370 : f32 to vector<32x128xf32>
      %add3A_372 = arith.addf %mul3A_369, %add3A_371 : vector<32x128xf32>
      %mul3A_373 = arith.mulf %add3A_372, %sub3A_362 : vector<32x128xf32>
      %add3A_374 = arith.constant -0.00367342844 : f32
      %add3A_375 = vector.broadcast %add3A_374 : f32 to vector<32x128xf32>
      %add3A_376 = arith.addf %mul3A_373, %add3A_375 : vector<32x128xf32>
      %mul3A_377 = arith.mulf %add3A_376, %sub3A_362 : vector<32x128xf32>
      %add3A_378 = arith.constant 0.00573950773 : f32
      %add3A_379 = vector.broadcast %add3A_378 : f32 to vector<32x128xf32>
      %add3A_380 = arith.addf %mul3A_377, %add3A_379 : vector<32x128xf32>
      %mul3A_381 = arith.mulf %add3A_380, %sub3A_362 : vector<32x128xf32>
      %add3A_382 = arith.constant -0.0076224613 : f32
      %add3A_383 = vector.broadcast %add3A_382 : f32 to vector<32x128xf32>
      %add3A_384 = arith.addf %mul3A_381, %add3A_383 : vector<32x128xf32>
      %mul3A_385 = arith.mulf %add3A_384, %sub3A_362 : vector<32x128xf32>
      %add3A_386 = arith.constant 0.00943887047 : f32
      %add3A_387 = vector.broadcast %add3A_386 : f32 to vector<32x128xf32>
      %add3A_388 = arith.addf %mul3A_385, %add3A_387 : vector<32x128xf32>
      %mul3A_389 = arith.mulf %add3A_388, %sub3A_362 : vector<32x128xf32>
      %add3A_390 = arith.constant 1.00167406 : f32
      %add3A_391 = vector.broadcast %add3A_390 : f32 to vector<32x128xf32>
      %add3A_392 = arith.addf %mul3A_389, %add3A_391 : vector<32x128xf32>
      %mul3A_393 = arith.mulf %add3A_392, %sub3A_362 : vector<32x128xf32>
      %add3A_394 = arith.constant 2.83297682 : f32
      %add3A_395 = vector.broadcast %add3A_394 : f32 to vector<32x128xf32>
      %add3A_396 = arith.addf %mul3A_393, %add3A_395 : vector<32x128xf32>
      %lt3A_397 = arith.constant 5.000000e+00 : f32
      %lt3A_398 = vector.broadcast %lt3A_397 : f32 to vector<32x128xf32>
      %lt3A_399 = arith.cmpf olt, %neg3A_321, %lt3A_398 : vector<32x128xf32>
      %select_n3A_400 = arith.select %lt3A_399, %add3A_358, %add3A_396 : vector<32x128xi1>, vector<32x128xf32>
      %mul3A_401 = arith.mulf %select_n3A_400, %sub3A_313 : vector<32x128xf32>
      %mul3A_402 = arith.constant 1.41421354 : f32
      %mul3A_403 = vector.broadcast %mul3A_402 : f32 to vector<32x128xf32>
      %mul3A_404 = arith.mulf %mul3A_401, %mul3A_403 : vector<32x128xf32>
      %reshape3A_405 = vector.shape_cast %mul3A_404 : vector<32x128xf32> to vector<4x8x128xf32>
      %transpose3A_406 = tpu.transpose %reshape3A_405, [1, 0, 2] : vector<4x8x128xf32> -> vector<8x4x128xf32>
      %reshape3A_407 = vector.shape_cast %transpose3A_406 : vector<8x4x128xf32> to vector<8x512xf32>
      %mul3A_408 = arith.constant 8 : i32
      %mul3A_409 = arith.muli %scan3A_294, %mul3A_408 : i32
      %swap3A_410 = arith.constant 0 : index
      %swap3A_411 = arith.constant 0 : index
      %swap3A_412 = arith.index_cast %mul3A_409 : i32 to index
      %swap3A_413 = arith.constant 0 : index
      %swap3A_414 = vector.load %arg3[%swap3A_410, %swap3A_411, %swap3A_412, %swap3A_413] : memref<1x1x128x512xf32, #tpu.memory_space<vmem>>, vector<1x1x8x512xf32>
      %swap3A_415 = vector.shape_cast %swap3A_414 : vector<1x1x8x512xf32> to vector<8x512xf32>
      %swap3A_416 = vector.shape_cast %reshape3A_407 : vector<8x512xf32> to vector<1x1x8x512xf32>
      tpu.vector_store %arg3[%swap3A_410, %swap3A_411, %swap3A_412, %swap3A_413], %swap3A_416 {strides = array<i32>} : memref<1x1x128x512xf32, #tpu.memory_space<vmem>>, vector<1x1x8x512xf32>,
      %get3A_417 = arith.constant 0 : index
      %get3A_418 = arith.index_cast %mul3A_296 : i32 to index
      %get3A_419 = arith.constant 0 : index
      %get3A_420 = vector.load %arg2[%get3A_417, %get3A_418, %get3A_419] : memref<1x512x128xf32, #tpu.memory_space<vmem>>, vector<1x32x128xf32>
      %get3A_421 = vector.shape_cast %get3A_420 : vector<1x32x128xf32> to vector<32x128xf32>
      %log3A_422 = math.log %get3A_421 : vector<32x128xf32>
      %mul3A_423 = arith.mulf %mul3A_404, %mul3A_404 : vector<32x128xf32>
      %mul3A_424 = arith.constant 5.000000e-01 : f32
      %mul3A_425 = vector.broadcast %mul3A_424 : f32 to vector<32x128xf32>
      %mul3A_426 = arith.mulf %mul3A_425, %mul3A_423 : vector<32x128xf32>
      %add3A_427 = arith.addf %log3A_422, %mul3A_426 : vector<32x128xf32>
      %add3A_428 = arith.addf %add3A_292, %add3A_427 : vector<32x128xf32>
      %scan3A_429 = arith.constant 3 : i32
      %scan3A_430 = arith.addi %scan3A_30, %scan3A_429 : i32
      %mul3A_431 = arith.constant 32 : i32
      %mul3A_432 = arith.muli %scan3A_430, %mul3A_431 : i32
      %get3A_433 = arith.constant 0 : index
      %get3A_434 = arith.index_cast %mul3A_432 : i32 to index
      %get3A_435 = arith.constant 0 : index
      %get3A_436 = vector.load %arg1[%get3A_433, %get3A_434, %get3A_435] : memref<1x512x128xf32, #tpu.memory_space<vmem>>, vector<1x32x128xf32>
      %get3A_437 = vector.shape_cast %get3A_436 : vector<1x32x128xf32> to vector<32x128xf32>
      %jit3A_438 = arith.constant 9.99999974E-6 : f32
      %jit3A_439 = arith.constant 0.999989986 : f32
      %max3A_440 = vector.broadcast %jit3A_438 : f32 to vector<32x128xf32>
      %max3A_441 = arith.maximumf %max3A_440, %get3A_437 : vector<32x128xf32>
      %min3A_442 = vector.broadcast %jit3A_439 : f32 to vector<32x128xf32>
      %min3A_443 = arith.minimumf %min3A_442, %max3A_441 : vector<32x128xf32>
      %mul3A_444 = arith.constant 2.000000e+00 : f32
      %mul3A_445 = vector.broadcast %mul3A_444 : f32 to vector<32x128xf32>
      %mul3A_446 = arith.mulf %mul3A_445, %min3A_443 : vector<32x128xf32>
      %sub3A_447 = arith.constant 1.000000e+00 : f32
      %sub3A_448 = vector.broadcast %sub3A_447 : f32 to vector<32x128xf32>
      %sub3A_449 = arith.subf %mul3A_446, %sub3A_448 : vector<32x128xf32>
      %neg3A_450 = arith.constant 0.000000e+00 : f32
      %neg3A_451 = vector.broadcast %neg3A_450 : f32 to vector<32x128xf32>
      %neg3A_452 = arith.subf %neg3A_451, %sub3A_449 : vector<32x128xf32>
      %mul3A_453 = arith.mulf %neg3A_452, %sub3A_449 : vector<32x128xf32>
      %log1p3A_454 = math.log1p %mul3A_453 : vector<32x128xf32>
      %neg3A_455 = arith.constant 0.000000e+00 : f32
      %neg3A_456 = vector.broadcast %neg3A_455 : f32 to vector<32x128xf32>
      %neg3A_457 = arith.subf %neg3A_456, %log1p3A_454 : vector<32x128xf32>
      %sub3A_458 = arith.constant 2.500000e+00 : f32
      %sub3A_459 = vector.broadcast %sub3A_458 : f32 to vector<32x128xf32>
      %sub3A_460 = arith.subf %neg3A_457, %sub3A_459 : vector<32x128xf32>
      %mul3A_461 = arith.constant 2.81022636E-8 : f32
      %mul3A_462 = vector.broadcast %mul3A_461 : f32 to vector<32x128xf32>
      %mul3A_463 = arith.mulf %mul3A_462, %sub3A_460 : vector<32x128xf32>
      %add3A_464 = arith.constant 3.43273939E-7 : f32
      %add3A_465 = vector.broadcast %add3A_464 : f32 to vector<32x128xf32>
      %add3A_466 = arith.addf %mul3A_463, %add3A_465 : vector<32x128xf32>
      %mul3A_467 = arith.mulf %add3A_466, %sub3A_460 : vector<32x128xf32>
      %add3A_468 = arith.constant -3.5233877E-6 : f32
      %add3A_469 = vector.broadcast %add3A_468 : f32 to vector<32x128xf32>
      %add3A_470 = arith.addf %mul3A_467, %add3A_469 : vector<32x128xf32>
      %mul3A_471 = arith.mulf %add3A_470, %sub3A_460 : vector<32x128xf32>
      %add3A_472 = arith.constant -4.39150654E-6 : f32
      %add3A_473 = vector.broadcast %add3A_472 : f32 to vector<32x128xf32>
      %add3A_474 = arith.addf %mul3A_471, %add3A_473 : vector<32x128xf32>
      %mul3A_475 = arith.mulf %add3A_474, %sub3A_460 : vector<32x128xf32>
      %add3A_476 = arith.constant 2.1858087E-4 : f32
      %add3A_477 = vector.broadcast %add3A_476 : f32 to vector<32x128xf32>
      %add3A_478 = arith.addf %mul3A_475, %add3A_477 : vector<32x128xf32>
      %mul3A_479 = arith.mulf %add3A_478, %sub3A_460 : vector<32x128xf32>
      %add3A_480 = arith.constant -0.00125372503 : f32
      %add3A_481 = vector.broadcast %add3A_480 : f32 to vector<32x128xf32>
      %add3A_482 = arith.addf %mul3A_479, %add3A_481 : vector<32x128xf32>
      %mul3A_483 = arith.mulf %add3A_482, %sub3A_460 : vector<32x128xf32>
      %add3A_484 = arith.constant -0.00417768164 : f32
      %add3A_485 = vector.broadcast %add3A_484 : f32 to vector<32x128xf32>
      %add3A_486 = arith.addf %mul3A_483, %add3A_485 : vector<32x128xf32>
      %mul3A_487 = arith.mulf %add3A_486, %sub3A_460 : vector<32x128xf32>
      %add3A_488 = arith.constant 0.246640727 : f32
      %add3A_489 = vector.broadcast %add3A_488 : f32 to vector<32x128xf32>
      %add3A_490 = arith.addf %mul3A_487, %add3A_489 : vector<32x128xf32>
      %mul3A_491 = arith.mulf %add3A_490, %sub3A_460 : vector<32x128xf32>
      %add3A_492 = arith.constant 1.50140941 : f32
      %add3A_493 = vector.broadcast %add3A_492 : f32 to vector<32x128xf32>
      %add3A_494 = arith.addf %mul3A_491, %add3A_493 : vector<32x128xf32>
      %sqrt3A_495 = math.sqrt %neg3A_457 : vector<32x128xf32>
      %sub3A_496 = arith.constant 3.000000e+00 : f32
      %sub3A_497 = vector.broadcast %sub3A_496 : f32 to vector<32x128xf32>
      %sub3A_498 = arith.subf %sqrt3A_495, %sub3A_497 : vector<32x128xf32>
      %mul3A_499 = arith.constant -2.00214257E-4 : f32
      %mul3A_500 = vector.broadcast %mul3A_499 : f32 to vector<32x128xf32>
      %mul3A_501 = arith.mulf %mul3A_500, %sub3A_498 : vector<32x128xf32>
      %add3A_502 = arith.constant 1.00950558E-4 : f32
      %add3A_503 = vector.broadcast %add3A_502 : f32 to vector<32x128xf32>
      %add3A_504 = arith.addf %mul3A_501, %add3A_503 : vector<32x128xf32>
      %mul3A_505 = arith.mulf %add3A_504, %sub3A_498 : vector<32x128xf32>
      %add3A_506 = arith.constant 0.00134934322 : f32
      %add3A_507 = vector.broadcast %add3A_506 : f32 to vector<32x128xf32>
      %add3A_508 = arith.addf %mul3A_505, %add3A_507 : vector<32x128xf32>
      %mul3A_509 = arith.mulf %add3A_508, %sub3A_498 : vector<32x128xf32>
      %add3A_510 = arith.constant -0.00367342844 : f32
      %add3A_511 = vector.broadcast %add3A_510 : f32 to vector<32x128xf32>
      %add3A_512 = arith.addf %mul3A_509, %add3A_511 : vector<32x128xf32>
      %mul3A_513 = arith.mulf %add3A_512, %sub3A_498 : vector<32x128xf32>
      %add3A_514 = arith.constant 0.00573950773 : f32
      %add3A_515 = vector.broadcast %add3A_514 : f32 to vector<32x128xf32>
      %add3A_516 = arith.addf %mul3A_513, %add3A_515 : vector<32x128xf32>
      %mul3A_517 = arith.mulf %add3A_516, %sub3A_498 : vector<32x128xf32>
      %add3A_518 = arith.constant -0.0076224613 : f32
      %add3A_519 = vector.broadcast %add3A_518 : f32 to vector<32x128xf32>
      %add3A_520 = arith.addf %mul3A_517, %add3A_519 : vector<32x128xf32>
      %mul3A_521 = arith.mulf %add3A_520, %sub3A_498 : vector<32x128xf32>
      %add3A_522 = arith.constant 0.00943887047 : f32
      %add3A_523 = vector.broadcast %add3A_522 : f32 to vector<32x128xf32>
      %add3A_524 = arith.addf %mul3A_521, %add3A_523 : vector<32x128xf32>
      %mul3A_525 = arith.mulf %add3A_524, %sub3A_498 : vector<32x128xf32>
      %add3A_526 = arith.constant 1.00167406 : f32
      %add3A_527 = vector.broadcast %add3A_526 : f32 to vector<32x128xf32>
      %add3A_528 = arith.addf %mul3A_525, %add3A_527 : vector<32x128xf32>
      %mul3A_529 = arith.mulf %add3A_528, %sub3A_498 : vector<32x128xf32>
      %add3A_530 = arith.constant 2.83297682 : f32
      %add3A_531 = vector.broadcast %add3A_530 : f32 to vector<32x128xf32>
      %add3A_532 = arith.addf %mul3A_529, %add3A_531 : vector<32x128xf32>
      %lt3A_533 = arith.constant 5.000000e+00 : f32
      %lt3A_534 = vector.broadcast %lt3A_533 : f32 to vector<32x128xf32>
      %lt3A_535 = arith.cmpf olt, %neg3A_457, %lt3A_534 : vector<32x128xf32>
      %select_n3A_536 = arith.select %lt3A_535, %add3A_494, %add3A_532 : vector<32x128xi1>, vector<32x128xf32>
      %mul3A_537 = arith.mulf %select_n3A_536, %sub3A_449 : vector<32x128xf32>
      %mul3A_538 = arith.constant 1.41421354 : f32
      %mul3A_539 = vector.broadcast %mul3A_538 : f32 to vector<32x128xf32>
      %mul3A_540 = arith.mulf %mul3A_537, %mul3A_539 : vector<32x128xf32>
      %reshape3A_541 = vector.shape_cast %mul3A_540 : vector<32x128xf32> to vector<4x8x128xf32>
      %transpose3A_542 = tpu.transpose %reshape3A_541, [1, 0, 2] : vector<4x8x128xf32> -> vector<8x4x128xf32>
      %reshape3A_543 = vector.shape_cast %transpose3A_542 : vector<8x4x128xf32> to vector<8x512xf32>
      %mul3A_544 = arith.constant 8 : i32
      %mul3A_545 = arith.muli %scan3A_430, %mul3A_544 : i32
      %swap3A_546 = arith.constant 0 : index
      %swap3A_547 = arith.constant 0 : index
      %swap3A_548 = arith.index_cast %mul3A_545 : i32 to index
      %swap3A_549 = arith.constant 0 : index
      %swap3A_550 = vector.load %arg3[%swap3A_546, %swap3A_547, %swap3A_548, %swap3A_549] : memref<1x1x128x512xf32, #tpu.memory_space<vmem>>, vector<1x1x8x512xf32>
      %swap3A_551 = vector.shape_cast %swap3A_550 : vector<1x1x8x512xf32> to vector<8x512xf32>
      %swap3A_552 = vector.shape_cast %reshape3A_543 : vector<8x512xf32> to vector<1x1x8x512xf32>
      tpu.vector_store %arg3[%swap3A_546, %swap3A_547, %swap3A_548, %swap3A_549], %swap3A_552 {strides = array<i32>} : memref<1x1x128x512xf32, #tpu.memory_space<vmem>>, vector<1x1x8x512xf32>,
      %get3A_553 = arith.constant 0 : index
      %get3A_554 = arith.index_cast %mul3A_432 : i32 to index
      %get3A_555 = arith.constant 0 : index
      %get3A_556 = vector.load %arg2[%get3A_553, %get3A_554, %get3A_555] : memref<1x512x128xf32, #tpu.memory_space<vmem>>, vector<1x32x128xf32>
      %get3A_557 = vector.shape_cast %get3A_556 : vector<1x32x128xf32> to vector<32x128xf32>
      %log3A_558 = math.log %get3A_557 : vector<32x128xf32>
      %mul3A_559 = arith.mulf %mul3A_540, %mul3A_540 : vector<32x128xf32>
      %mul3A_560 = arith.constant 5.000000e-01 : f32
      %mul3A_561 = vector.broadcast %mul3A_560 : f32 to vector<32x128xf32>
      %mul3A_562 = arith.mulf %mul3A_561, %mul3A_559 : vector<32x128xf32>
      %add3A_563 = arith.addf %log3A_558, %mul3A_562 : vector<32x128xf32>
      %add3A_564 = arith.addf %add3A_428, %add3A_563 : vector<32x128xf32>
      scf.yield %add3A_564 : vector<32x128xf32>
    }
    %scan3A_16 = arith.constant 16 : i32
    %reduce_sum3A = vector.shape_cast %scan3A_15 : vector<32x128xf32> to vector<1x32x128xf32>
    %reduce_sum3A_17 = arith.constant dense<0.000000e+00> : vector<1xf32>
    %reduce_sum3A_18 = vector.multi_reduction <add>, %reduce_sum3A, %reduce_sum3A_17 [1, 2] : vector<1x32x128xf32> to vector<1xf32>
    %reduce_sum3A_19 = vector.shape_cast %reduce_sum3A_18 : vector<1xf32> to vector<1x1x1xf32>
    %reduce_sum3A_20 = vector.extract %reduce_sum3A_19[0, 0, 0] : f32 from vector<1x1x1xf32>
    %add3A_21 = arith.constant 754684.625 : f32
    %add3A_22 = arith.addf %reduce_sum3A_20, %add3A_21 : f32
    %get3A = arith.constant 0 : index
    %get3A_23 = arith.constant 0 : index
    %get3A_24 = arith.constant 0 : index
    %get3A_25 = vector.load %arg4[%get3A, %get3A_23, %get3A_24] : memref<1x1x1xf32, #tpu.memory_space<vmem>>, vector<1x1x1xf32>
    %reshape3A = vector.broadcast %add3A_22 : f32 to vector<1x1x1xf32>
    %add3A_26 = arith.addf %get3A_25, %reshape3A : vector<1x1x1xf32>
    %swap3A = arith.constant 0 : index
    %swap3A_27 = arith.constant 0 : index
    %swap3A_28 = arith.constant 0 : index
    %swap3A_29 = vector.load %arg4[%swap3A, %swap3A_27, %swap3A_28] : memref<1x1x1xf32, #tpu.memory_space<vmem>>, vector<1x1x1xf32>
    tpu.vector_store %arg4[%swap3A, %swap3A_27, %swap3A_28], %add3A_26 {strides = array<i32>} : memref<1x1x1xf32, #tpu.memory_space<vmem>>, vector<1x1x1xf32>,
    return
  }
  func.func @transform_0(%arg0: i32) -> (i32, i32, i32) {
    %jit3A = arith.constant 4 : i32
    %div3A = arith.divsi %arg0, %jit3A : i32
    %sign3A = arith.constant 0 : i32
    %sign3A_0 = arith.cmpi sgt, %arg0, %sign3A : i32
    %sign3A_1 = arith.extui %sign3A_0 : i1 to i32
    %sign3A_2 = arith.constant 0 : i32
    %sign3A_3 = arith.cmpi slt, %arg0, %sign3A_2 : i32
    %sign3A_4 = arith.extui %sign3A_3 : i1 to i32
    %sign3A_5 = arith.subi %sign3A_1, %sign3A_4 : i32
    %sign3A_6 = arith.constant 0 : i32
    %sign3A_7 = arith.cmpi sgt, %jit3A, %sign3A_6 : i32
    %sign3A_8 = arith.extui %sign3A_7 : i1 to i32
    %sign3A_9 = arith.constant 0 : i32
    %sign3A_10 = arith.cmpi slt, %jit3A, %sign3A_9 : i32
    %sign3A_11 = arith.extui %sign3A_10 : i1 to i32
    %sign3A_12 = arith.subi %sign3A_8, %sign3A_11 : i32
    %ne3A = arith.cmpi ne, %sign3A_5, %sign3A_12 : i32
    %rem3A = arith.remsi %arg0, %jit3A : i32
    %ne3A_13 = arith.constant 0 : i32
    %ne3A_14 = arith.cmpi ne, %rem3A, %ne3A_13 : i32
    %and3A = arith.andi %ne3A, %ne3A_14 : i1
    %sub3A = arith.constant 1 : i32
    %sub3A_15 = arith.subi %div3A, %sub3A : i32
    %select_n3A = arith.select %and3A, %sub3A_15, %div3A : i32
    %jit3A_16 = arith.constant 4 : i32
    %eq3A = arith.constant 0 : i32
    %eq3A_17 = arith.cmpi eq, %jit3A_16, %eq3A : i32
    %jit3A_18 = arith.constant 1 : i32
    %select_n3A_19 = arith.select %eq3A_17, %jit3A_18, %jit3A_16 : i32
    %rem3A_20 = arith.remsi %arg0, %select_n3A_19 : i32
    %ne3A_21 = arith.constant 0 : i32
    %ne3A_22 = arith.cmpi ne, %rem3A_20, %ne3A_21 : i32
    %lt3A = arith.constant 0 : i32
    %lt3A_23 = arith.cmpi slt, %rem3A_20, %lt3A : i32
    %lt3A_24 = arith.constant 0 : i32
    %lt3A_25 = arith.cmpi slt, %select_n3A_19, %lt3A_24 : i32
    %ne3A_26 = arith.xori %lt3A_23, %lt3A_25 : i1
    %and3A_27 = arith.andi %ne3A_26, %ne3A_22 : i1
    %add3A = arith.addi %rem3A_20, %select_n3A_19 : i32
    %select_n3A_28 = arith.select %and3A_27, %add3A, %rem3A_20 : i32
    %c0_i32 = arith.constant 0 : i32
    %c0_i32_29 = arith.constant 0 : i32
    return %select_n3A, %select_n3A_28, %c0_i32 : i32, i32, i32
  }
  func.func @transform_1(%arg0: i32) -> (i32, i32, i32) {
    %jit3A = arith.constant 4 : i32
    %div3A = arith.divsi %arg0, %jit3A : i32
    %sign3A = arith.constant 0 : i32
    %sign3A_0 = arith.cmpi sgt, %arg0, %sign3A : i32
    %sign3A_1 = arith.extui %sign3A_0 : i1 to i32
    %sign3A_2 = arith.constant 0 : i32
    %sign3A_3 = arith.cmpi slt, %arg0, %sign3A_2 : i32
    %sign3A_4 = arith.extui %sign3A_3 : i1 to i32
    %sign3A_5 = arith.subi %sign3A_1, %sign3A_4 : i32
    %sign3A_6 = arith.constant 0 : i32
    %sign3A_7 = arith.cmpi sgt, %jit3A, %sign3A_6 : i32
    %sign3A_8 = arith.extui %sign3A_7 : i1 to i32
    %sign3A_9 = arith.constant 0 : i32
    %sign3A_10 = arith.cmpi slt, %jit3A, %sign3A_9 : i32
    %sign3A_11 = arith.extui %sign3A_10 : i1 to i32
    %sign3A_12 = arith.subi %sign3A_8, %sign3A_11 : i32
    %ne3A = arith.cmpi ne, %sign3A_5, %sign3A_12 : i32
    %rem3A = arith.remsi %arg0, %jit3A : i32
    %ne3A_13 = arith.constant 0 : i32
    %ne3A_14 = arith.cmpi ne, %rem3A, %ne3A_13 : i32
    %and3A = arith.andi %ne3A, %ne3A_14 : i1
    %sub3A = arith.constant 1 : i32
    %sub3A_15 = arith.subi %div3A, %sub3A : i32
    %select_n3A = arith.select %and3A, %sub3A_15, %div3A : i32
    %jit3A_16 = arith.constant 4 : i32
    %eq3A = arith.constant 0 : i32
    %eq3A_17 = arith.cmpi eq, %jit3A_16, %eq3A : i32
    %jit3A_18 = arith.constant 1 : i32
    %select_n3A_19 = arith.select %eq3A_17, %jit3A_18, %jit3A_16 : i32
    %rem3A_20 = arith.remsi %arg0, %select_n3A_19 : i32
    %ne3A_21 = arith.constant 0 : i32
    %ne3A_22 = arith.cmpi ne, %rem3A_20, %ne3A_21 : i32
    %lt3A = arith.constant 0 : i32
    %lt3A_23 = arith.cmpi slt, %rem3A_20, %lt3A : i32
    %lt3A_24 = arith.constant 0 : i32
    %lt3A_25 = arith.cmpi slt, %select_n3A_19, %lt3A_24 : i32
    %ne3A_26 = arith.xori %lt3A_23, %lt3A_25 : i1
    %and3A_27 = arith.andi %ne3A_26, %ne3A_22 : i1
    %add3A = arith.addi %rem3A_20, %select_n3A_19 : i32
    %select_n3A_28 = arith.select %and3A_27, %add3A, %rem3A_20 : i32
    %c0_i32 = arith.constant 0 : i32
    %c0_i32_29 = arith.constant 0 : i32
    return %select_n3A, %select_n3A_28, %c0_i32 : i32, i32, i32
  }
  func.func @transform_2(%arg0: i32) -> (i32, i32, i32, i32) {
    %jit3A = arith.constant 4 : i32
    %div3A = arith.divsi %arg0, %jit3A : i32
    %sign3A = arith.constant 0 : i32
    %sign3A_0 = arith.cmpi sgt, %arg0, %sign3A : i32
    %sign3A_1 = arith.extui %sign3A_0 : i1 to i32
    %sign3A_2 = arith.constant 0 : i32
    %sign3A_3 = arith.cmpi slt, %arg0, %sign3A_2 : i32
    %sign3A_4 = arith.extui %sign3A_3 : i1 to i32
    %sign3A_5 = arith.subi %sign3A_1, %sign3A_4 : i32
    %sign3A_6 = arith.constant 0 : i32
    %sign3A_7 = arith.cmpi sgt, %jit3A, %sign3A_6 : i32
    %sign3A_8 = arith.extui %sign3A_7 : i1 to i32
    %sign3A_9 = arith.constant 0 : i32
    %sign3A_10 = arith.cmpi slt, %jit3A, %sign3A_9 : i32
    %sign3A_11 = arith.extui %sign3A_10 : i1 to i32
    %sign3A_12 = arith.subi %sign3A_8, %sign3A_11 : i32
    %ne3A = arith.cmpi ne, %sign3A_5, %sign3A_12 : i32
    %rem3A = arith.remsi %arg0, %jit3A : i32
    %ne3A_13 = arith.constant 0 : i32
    %ne3A_14 = arith.cmpi ne, %rem3A, %ne3A_13 : i32
    %and3A = arith.andi %ne3A, %ne3A_14 : i1
    %sub3A = arith.constant 1 : i32
    %sub3A_15 = arith.subi %div3A, %sub3A : i32
    %select_n3A = arith.select %and3A, %sub3A_15, %div3A : i32
    %jit3A_16 = arith.constant 4 : i32
    %eq3A = arith.constant 0 : i32
    %eq3A_17 = arith.cmpi eq, %jit3A_16, %eq3A : i32
    %jit3A_18 = arith.constant 1 : i32
    %select_n3A_19 = arith.select %eq3A_17, %jit3A_18, %jit3A_16 : i32
    %rem3A_20 = arith.remsi %arg0, %select_n3A_19 : i32
    %ne3A_21 = arith.constant 0 : i32
    %ne3A_22 = arith.cmpi ne, %rem3A_20, %ne3A_21 : i32
    %lt3A = arith.constant 0 : i32
    %lt3A_23 = arith.cmpi slt, %rem3A_20, %lt3A : i32
    %lt3A_24 = arith.constant 0 : i32
    %lt3A_25 = arith.cmpi slt, %select_n3A_19, %lt3A_24 : i32
    %ne3A_26 = arith.xori %lt3A_23, %lt3A_25 : i1
    %and3A_27 = arith.andi %ne3A_26, %ne3A_22 : i1
    %add3A = arith.addi %rem3A_20, %select_n3A_19 : i32
    %select_n3A_28 = arith.select %and3A_27, %add3A, %rem3A_20 : i32
    %c0_i32 = arith.constant 0 : i32
    %c0_i32_29 = arith.constant 0 : i32
    %c0_i32_30 = arith.constant 0 : i32
    return %select_n3A, %c0_i32, %select_n3A_28, %c0_i32_29 : i32, i32, i32, i32
  }
  func.func @transform_3(%arg0: i32) -> (i32, i32, i32) {
    %jit3A = arith.constant 4 : i32
    %div3A = arith.divsi %arg0, %jit3A : i32
    %sign3A = arith.constant 0 : i32
    %sign3A_0 = arith.cmpi sgt, %arg0, %sign3A : i32
    %sign3A_1 = arith.extui %sign3A_0 : i1 to i32
    %sign3A_2 = arith.constant 0 : i32
    %sign3A_3 = arith.cmpi slt, %arg0, %sign3A_2 : i32
    %sign3A_4 = arith.extui %sign3A_3 : i1 to i32
    %sign3A_5 = arith.subi %sign3A_1, %sign3A_4 : i32
    %sign3A_6 = arith.constant 0 : i32
    %sign3A_7 = arith.cmpi sgt, %jit3A, %sign3A_6 : i32
    %sign3A_8 = arith.extui %sign3A_7 : i1 to i32
    %sign3A_9 = arith.constant 0 : i32
    %sign3A_10 = arith.cmpi slt, %jit3A, %sign3A_9 : i32
    %sign3A_11 = arith.extui %sign3A_10 : i1 to i32
    %sign3A_12 = arith.subi %sign3A_8, %sign3A_11 : i32
    %ne3A = arith.cmpi ne, %sign3A_5, %sign3A_12 : i32
    %rem3A = arith.remsi %arg0, %jit3A : i32
    %ne3A_13 = arith.constant 0 : i32
    %ne3A_14 = arith.cmpi ne, %rem3A, %ne3A_13 : i32
    %and3A = arith.andi %ne3A, %ne3A_14 : i1
    %sub3A = arith.constant 1 : i32
    %sub3A_15 = arith.subi %div3A, %sub3A : i32
    %select_n3A = arith.select %and3A, %sub3A_15, %div3A : i32
    %c0_i32 = arith.constant 0 : i32
    %c0_i32_16 = arith.constant 0 : i32
    %c0_i32_17 = arith.constant 0 : i32
    return %select_n3A, %c0_i32, %c0_i32_16 : i32, i32, i32
  }
}

</mosaic_0001>

<sc_bundles>
// kernel: kernel.4.cloned.1.call-start
scs
__scs_entry_jumppad:
0x0: {  	(pc) =	sbr.rel $0x88, $3  }
0x1: {  	(tag) =	ssettag $0x0;
	lr =	simm.s32 $0x1  }
0x2: {  	[smem:$0x3F9C] =	sst lr;
	_ =	strace $0xD0000000  }
0x3: {  	_ = 	snop  }
0x4: {  	_ = 	snop  }
0x5: {  	_ = 	snop  }
0x6: {  	_ = 	snop  }
0x7: {  	_ = 	snop  }
__scs_overlays_trampoline_lowered:
0x8: {  	[smem:$0x3FAB] =	sst s0  }
0x9: {  	[smem:$0x3FAC] =	sst s1  }
0xa: {  	[smem:$0x3FAD] =	sst s2  }
0xb: {  	[smem:$0x3FAE] =	sst s3  }
0xc: {  	[smem:$0x3FAF] =	sst s4  }
0xd: {  	[smem:$0x3FB0] =	sst s5  }
0xe: {  	[smem:$0x3FB1] =	sst s6  }
0xf: {  	[smem:$0x3FB2] =	sst s7  }
0x10: {  	[smem:$0x3FB3] =	sst s8  }
0x11: {  	[smem:$0x3FB4] =	sst s9;
	s0 =	simm.s32 @!p0 $0x0  }
0x12: {  	s1 =	sld [smem:$0x3F9A];
	s0 =	simm.s32 @p0 $0x1  }
0x13: {  	[smem:$0x3FB5] =	sst s0;
	s0 =	simm.s32 @!p1 $0x0  }
0x14: {  	s2 =	sld [smem:$0x3F99];
	s0 =	simm.s32 @p1 $0x1  }
0x15: {  	[smem:$0x3FB6] =	sst s0;
	s0 =	simm.s32 @!p2 $0x0  }
0x16: {  	s3 =	sld [smem:$0x3FDB];
	s0 =	simm.s32 @p2 $0x1  }
0x17: {  	s4 =	simm.s32 $0x1BF5;
	[smem:$0x3FB8] =	sst s0  }
0x18: {  	s0 =	sld [smem:$0x3F9B];
	_ =	swait.ge [sflag:s4], $0x0  }
0x19: {  	s7 =	sld [smem:$0x3F9C]  }
0x1a: {  	s8 =	sadd.s32 $0xFFFFE003, lr  }
0x1b: {  	s9 =	sadd.s32 $0xFFFFFEF7, lr;
	s5 =	simm.s32 $0xFFFFFFFF;
	p2 =	slt.u32 s8, $0xFFFFF086  }
0x1c: {  	p1 =	slt.u32 s9, $0xF7A;
	s5 =	simm.s32 @!p2 $0x0  }
0x1d: {  	s5 =	simm.s32 @p1 $0x1;
	p0 =	seq.s32 s7, s2  }
0x1e: {  	s7 =	smul.u32 @!p0 $0xF7A, s2;
	p2 =	seq.s32 @!p0 s5, $0x0  }
0x1f: {  	s9 =	smul.u32 $0xF7A, s1;
	s8 =	simm.s32 @!p0 $0x1BF5;
	p2 =	por !p2, p0  }
0x20: {  	[sflag:s8] =	ssyncset.s32 @!p0 $0xFFFFF086;
	s6 =	sadd.s32 @!p0 s3, s7;
	s7 =	simm.s32 @!p0 $0x108  }
0x21: {  	s3 =	sadd.s32 s3, s9;
	s6 =	sadd.s32 @!p0 $0x88, s6;
	s7 =	simm.s32 @p2 $0x1082  }
0x22: {  	[simem:s7], [sflag:s8] =	dma.local @!p0 [hbm:s6], $0xF7A  }
0x23: {  	s9 =	sor.u32 $0xD0000000, s2;
	s6 =	simm.s32 $0x108;
	_ =	swait.ge @!p0 [sflag:s8], $0x0  }
0x24: {  	s3 =	sadd.s32 $0x88, s3;
	s6 =	simm.s32 @!p1 $0x1082;
	[sflag:s4] =	ssyncset.s32 $0xFFFFF086  }
0x25: {  	[simem:s6], [sflag:s4] =	dma.local [hbm:s3], $0xF7A  }
0x26: {  	[smem:$0x3F9C] =	sst s1;
	(tag) =	ssettag s2;
	_ =	strace s9  }
0x27: {  	s1 =	sld [smem:$0x3FAC]  }
0x28: {  	s2 =	sld [smem:$0x3FAD]  }
0x29: {  	s4 =	sld [smem:$0x3FAF]  }
0x2a: {  	p0 =	seq.s32 s5, $0x0;
	s5 =	sld [smem:$0x3FB0]  }
0x2b: {  	s6 =	sld [smem:$0x3FB1]  }
0x2c: {  	s7 =	sld [smem:$0x3FB2]  }
0x2d: {  	s3 =	simm.s32 $0x108;
	s8 =	sld [smem:$0x3FB3]  }
0x2e: {  	s3 =	simm.s32 @!p0 $0x1082;
	s9 =	sld [smem:$0x3FB4]  }
0x2f: {  	lr =	sadd.s32 s0, s3;
	s0 =	sld [smem:$0x3FAB]  }
0x30: {  	s3 =	sld [smem:$0x3FAE]  }
0x31: {  	[smem:$0x3FB7] =	sst s10  }
0x32: {  	s10 =	sld [smem:$0x3FB5];
	_ =	sdelay $0x3  }
0x33: {  	p0 =	seq.s32 s10, $0x1;
	s10 =	sld [smem:$0x3FB7];
	_ =	sdelay $0x3  }
0x34: {  	[smem:$0x3FB7] =	sst s10  }
0x35: {  	s10 =	sld [smem:$0x3FB6];
	_ =	sdelay $0x3  }
0x36: {  	p1 =	seq.s32 s10, $0x1;
	s10 =	sld [smem:$0x3FB7];
	_ =	sdelay $0x3  }
0x37: {  	[smem:$0x3FB7] =	sst s10  }
0x38: {  	s10 =	sld [smem:$0x3FB8]  }
0x39: {  	_ = 	snop;
	(pc) =	sbr.ind lr, $3  }
0x3a: {  	_ = 	snop  }
0x3b: {  	_ = 	snop  }
0x3c: {  	p2 =	seq.s32 s10, $0x1;
	s10 =	sld [smem:$0x3FB7]  }
0x3d: {  	_ =	shalt  }
0x3e: {  	_ =	shalt  }
0x3f: {  	_ =	shalt  }
0x40: {  	_ =	shalt  }
0x41: {  	_ =	shalt  }
0x42: {  	_ =	shalt  }
0x43: {  	_ =	shalt  }
0x44: {  	_ =	shalt  }
0x45: {  	_ =	shalt  }
0x46: {  	_ =	shalt  }
0x47: {  	_ =	shalt  }
0x48: {  	_ =	shalt  }
0x49: {  	_ =	shalt  }
0x4a: {  	_ =	shalt  }
0x4b: {  	_ =	shalt  }
0x4c: {  	_ =	shalt  }
0x4d: {  	_ =	shalt  }
0x4e: {  	_ =	shalt  }
0x4f: {  	_ =	shalt  }
0x50: {  	_ =	shalt  }
0x51: {  	_ =	shalt  }
0x52: {  	_ =	shalt  }
0x53: {  	_ =	shalt  }
0x54: {  	_ =	shalt  }
0x55: {  	_ =	shalt  }
0x56: {  	_ =	shalt  }
0x57: {  	_ =	shalt  }
0x58: {  	_ =	shalt  }
0x59: {  	_ =	shalt  }
0x5a: {  	_ =	shalt  }
0x5b: {  	_ =	shalt  }
0x5c: {  	_ =	shalt  }
0x5d: {  	_ =	shalt  }
0x5e: {  	_ =	shalt  }
0x5f: {  	_ =	shalt  }
0x60: {  	_ =	shalt  }
0x61: {  	_ =	shalt  }
0x62: {  	_ =	shalt  }
0x63: {  	_ =	shalt  }
0x64: {  	_ =	shalt  }
0x65: {  	_ =	shalt  }
0x66: {  	_ =	shalt  }
0x67: {  	_ =	shalt  }
0x68: {  	_ =	shalt  }
0x69: {  	_ =	shalt  }
0x6a: {  	_ =	shalt  }
0x6b: {  	_ =	shalt  }
0x6c: {  	_ =	shalt  }
0x6d: {  	_ =	shalt  }
0x6e: {  	_ =	shalt  }
0x6f: {  	_ =	shalt  }
0x70: {  	_ =	shalt  }
0x71: {  	_ =	shalt  }
0x72: {  	_ =	shalt  }
0x73: {  	_ =	shalt  }
0x74: {  	_ =	shalt  }
0x75: {  	_ =	shalt  }
0x76: {  	_ =	shalt  }
0x77: {  	_ =	shalt  }
0x78: {  	_ =	shalt  }
0x79: {  	_ =	shalt  }
0x7a: {  	_ =	shalt  }
0x7b: {  	_ =	shalt  }
0x7c: {  	_ =	shalt  }
0x7d: {  	_ =	shalt  }
0x7e: {  	_ =	shalt  }
0x7f: {  	_ =	shalt  }
0x80: {  	_ =	shalt  }
0x81: {  	_ =	shalt  }
0x82: {  	_ =	shalt  }
0x83: {  	_ =	shalt  }
0x84: {  	_ =	shalt  }
0x85: {  	_ =	shalt  }
0x86: {  	_ =	shalt  }
0x87: {  	_ =	shalt  }
.Lfunc_end0:
.L_simem_size_0:
called_computation_lowered:
.L_overlay_start_0:
0x88: {  	s2 =	sld [smem:$0x3FD9]  }
0x89: {  	s3 =	sld [smem:$0x3FFE];
	_ =	sdelay $0x1  }
0x8a: {  	s1 =	srdreg.scid  }
0x8b: {  	s0 =	sand.u32 $0x1, s1  }
0x8c: {  	s14 =	sshll.u32 s0, $0xA;
	s2 =	sadd.s32 s3, s2  }
0x8d: {  	s2 =	sadd.s32 s2, s14  }
0x8e: {  	[smem:$0x3FC3] =	sst s2  }
0x8f: {  	_ = 	snop  }
0x90: {  	s2 =	sld [smem:$0x3FD0];
	_ =	sdelay $0x1  }
0x91: {  	s15 =	sld [smem:$0x3FC9]  }
0x92: {  	s5 =	simm.s32 $0xA;
	s6 =	simm.s32 $0x10;
	s4 =	sld [smem:$0x3FC8]  }
0x93: {  	[smem:s6], [sflag:s5] =	dma.local [hbm:s2], $0x1  }
0x94: {  	_ =	swait.eq [sflag:s5], $0x1  }
0x95: {  	[sflag:s5] =	ssyncset.done $0x0  }
0x96: {  	[sflag:s5] =	ssyncadd.s32 $0xFFFFFFFF  }
0x97: {  	s16 =	sld [smem:$0x10];
	(tm) =	ssettm $0x1  }
0x98: {  	s17 =	sld [smem:$0x3FFB];
	_ =	sdelay $0x3  }
0x99: {  	_ =	strace s17  }
0x9a: {  	s5 =	sld [smem:$0x3FFC];
	_ =	sdelay $0x3  }
0x9b: {  	_ =	strace s5  }
0x9c: {  	s5 =	sld [smem:$0x3FFD];
	_ =	sdelay $0x3  }
0x9d: {  	_ =	strace s5  }
0x9e: {  	_ =	strace $0x8FFFFFFF  }
0x9f: {  	s18 =	sld [smem:$0x3FDB];
	_ =	sdelay $0x1  }
0xa0: {  	s19 =	simm.s32 $_scs_section_size  }
0xa1: {  	s7 =	simm.s32 $_size__tile_overlayer_lowered;
	s8 =	simm.s32 $_tile_overlayer_lowered  }
0xa2: {  	s22 =	simm.s32 $0x1BFF;
	s21 =	sshll.u32 s8, $0x1;
	s5 =	sadd.s32 s19, s18  }
0xa3: {  	s9 =	simm.s32 $0x0;
	s20 =	sshll.u32 s7, $0x1;
	s7 =	sadd.s32 s21, s5  }
0xa4: {  	[timem:s9], [sflag:s22] =	dma.local [hbm:s7], s20  }
0xa5: {  	_ =	swait.ge [sflag:s22], s20  }
0xa6: {  	s6 =	ssub.s32 $0x0, s20;
	[sflag:s22] =	ssyncset.done $0x0  }
0xa7: {  	[sflag:s22] =	ssyncadd.s32 s6;
	_ =	sdelay $0x1  }
0xa8: {  	s23 =	simm.s32 $0x1B8B  }
0xa9: {  	_ =	swait.ge [sflag:s23], $0x1  }
0xaa: {  	[sflag:s23] =	ssyncset.done $0x0  }
0xab: {  	s25 =	simm.s32 $0x1B8E;
	s24 =	sld [smem:$0x3FFE];
	[sflag:s23] =	ssyncadd.s32 $0xFFFFFFFF  }
0xac: {  	s26 =	simm.s32 $execute0_lowered;
	[smem:$0x3FD2] =	sst s25  }
0xad: {  	s7 =	sshll.u32 s26, $0x1;
	_ =	strace $0x80000046;
	[dreg:$0x1] =	wrdreg $0xFFFFFFFF  }
0xae: {  	s28 =	simm.s32 $_size_execute0_lowered;
	s5 =	sadd.s32 s5, s7;
	[dreg:$0x0] =	wrdreg $0x0  }
0xaf: {  	s7 =	sshll.u32 s28, $0x1;
	[dreg:$0x2] =	wrdreg s5  }
0xb0: {  	[dreg:$0x3] =	wrdreg s7  }
0xb1: {  	[dreg:$0x4] =	wrdreg $0xC0  }
0xb2: {  	_ =	task [dreg:s9], $0x5FFFF  }
0xb3: {  	[dreg:$0x1] =	wrdreg $0xFFFFFFFF  }
0xb4: {  	[dreg:$0x0] =	wrdreg $0x60  }
0xb5: {  	[dreg:$0x2] =	wrdreg s15  }
0xb6: {  	[dreg:$0x3] =	wrdreg s4  }
0xb7: {  	[dreg:$0x4] =	wrdreg s24  }
0xb8: {  	[dreg:$0x5] =	wrdreg s16  }
0xb9: {  	[dreg:$0x6] =	wrdreg $0x9  }
0xba: {  	_ =	task.clear_ibuf [dreg:s9], $0x7FFFF;
	_ =	strace $0x90000046  }
0xbb: {  	s29 =	simm.s32 $0x9;
	_ =	strace $0x80000048  }
0xbc: {  	_ =	swait.ge [sflag:s29], $0x1  }
0xbd: {  	[sflag:s29] =	ssyncadd.s32 $0xFFFFFFFF  }
0xbe: {  	_ =	strace $0x90000048  }
0xbf: {  	_ =	sfence  }
0xc0: {  	s30 =	sld [smem:$0x0];
	_ =	sdelay $0x2  }
0xc1: {  	s31 =	sshll.u32 s1, $0xD;
	s1 =	sshrl.u32 s1, $0x2  }
0xc2: {  	s3 =	sand.u32 $0x4000, s31;
	s1 =	sadd.s32 s1, s30  }
0xc3: {  	s0 =	sor.u32 s3, s0;
	s1 =	sshll.u32 s1, $0x11  }
0xc4: {  	s0 =	sor.u32 s1, s0  }
0xc5: {  	s0 =	sadd.s32 $0x8F2B, s0  }
0xc6: {  	[sflag:s0] =	ssyncadd.remote.s32 $0x1  }
0xc7: {  	_ =	sfence.sel $0xFFFF  }
0xc8: {  	[dreg:$0x0] =	wrdreg $0xFFFFFFFF;
	(pc) =	sbr.abs _section_cstart, $3  }
0xc9: {  	[dreg:$0x1] =	wrdreg $0xFFFFFFFF  }
0xca: {  	_ =	task.clear_ibuf [dreg:s9], $0x2FFFF;
	_ =	strace $0x9FFFFFFF  }
0xcb: {  	(tm) =	ssettm $0x7FFFFFFF  }
tec
execute0_lowered:
.L_overlay_start_1:
0x0: {  	(tag) =	ssettag $0x1  }
0x1: {  	s1 =	rddreg [dreg:$0x0]  }
0x2: {  	s2 =	rddreg [dreg:$0x1]  }
0x3: {  	s0 =	rddreg [dreg:$0x2]  }
0x4: {  	s3 =	rddreg [dreg:$0x3];
	s4 =	simm.s32 $0x0  }
0x5: {  	s21 =	srdreg.scid;
	s22 =	stileid.u32;
	s17 =	simm.s32 $0x7580  }
0x6: {  	s18 =	simm.s32 $0xEB00;
	s19 =	simm.s32 $0x16080;
	s20 =	simm.s32 $0x1  }
0x7: {  	s28 =	simm.s32 $0x2;
	s29 =	simm.s32 $0x1EE00;
	s30 =	simm.s32 $0x1F200  }
0x8: {  	[smem:$0x7FF] =	sst s4;
	s5 =	sadd.s32 $0x3E00, s0;
	s6 =	sadd.s32 $0x2E00, s0  }
0x9: {  	s7 =	sadd.s32 $0x1E00, s0;
	s9 =	sshll.u32 s22, $0x12;
	s24 =	sadd.s32 $0xE00, s0  }
0xa: {  	_ =	strace $0x80000047;
	[dreg:$0x5] =	wrdreg s5;
	s5 =	sand.u32 $0x1, s21  }
0xb: {  	s12 =	sadd.s32 $0x4E00, s0;
	[dreg:$0x6] =	wrdreg s6;
	s23 =	sshll.u32 s5, $0x11  }
0xc: {  	[dreg:$0x7] =	wrdreg s7;
	s5 =	ssub.s32 $0x2, s5;
	s11 =	sor.u32 s23, s9  }
0xd: {  	[dreg:$0x8] =	wrdreg s24;
	s25 =	sshrl.u32 s5, $0x1;
	s6 =	sshrl.u32 s11, $0x3  }
0xe: {  	s24 =	simm.s32 $0x1EA00;
	s0 =	ssub.s32 s5, s25;
	s26 =	sadd.s32 s1, s6  }
0xf: {  	s13 =	sshrl.u32 s11, $0xA;
	s31 =	sadd.s32 s2, s6;
	[dreg:$0x9] =	wrdreg s26  }
0x10: {  	s25 =	simm.s32 $0x1DE00;
	s0 =	smax.u32 s0, $0x1;
	[dreg:$0xa] =	wrdreg s31  }
0x11: {  	s6 =	simm.s32 $0x0;
	[dreg:$0xb] =	wrdreg s0;
	s26 =	simm.s32 $0x1E200  }
.LBB2_1:
0x12: {  	[dreg:$0xc] =	wrdreg s6  }
0x13: {  	s0 =	rddreg [dreg:$0x5]  }
0x14: {  	[tilespmem:s4], [sflag:$0x1] =	stream.linear.gather [hbm4b:s0+s4], $0x7580, $0x38;
	[tilespmem:$0x1F600] =	vst v63  }
0x15: {  	s15 =	rddreg [dreg:$0x6]  }
0x16: {  	[tilespmem:s17], [sflag:$0x1] =	stream.linear.gather [hbm4b:s15+s4], $0x7580, $0x38;
	[tilespmem:$0x1F600] =	vst v63  }
0x17: {  	s16 =	rddreg [dreg:$0x7]  }
0x18: {  	[tilespmem:s18], [sflag:$0x1] =	stream.linear.gather [hbm4b:s16+s4], $0x7580, $0x38;
	[tilespmem:$0x1F600] =	vst v63  }
0x19: {  	s21 =	rddreg [dreg:$0x8]  }
0x1a: {  	[tilespmem:s19], [sflag:$0x1] =	stream.linear.gather [hbm4b:s21+s4], $0x7580, $0x38;
	[tilespmem:$0x1F600] =	vst v63  }
0x1b: {  	_ =	swait.ge [sflag:s20], $0x7580  }
0x1c: {  	[sflag:s20] =	ssyncset.done $0x0  }
0x1d: {  	[sflag:s20] =	ssyncadd.s32 $0xFFFF8A80  }
0x1e: {  	_ =	swait.ge [sflag:s20], $0x7580  }
0x1f: {  	[sflag:s20] =	ssyncset.done $0x0  }
0x20: {  	[sflag:s20] =	ssyncadd.s32 $0xFFFF8A80  }
0x21: {  	_ =	swait.ge [sflag:s20], $0x7580  }
0x22: {  	[sflag:s20] =	ssyncset.done $0x0  }
0x23: {  	[sflag:s20] =	ssyncadd.s32 $0xFFFF8A80  }
0x24: {  	_ =	swait.ge [sflag:s20], $0x7580  }
0x25: {  	[sflag:s20] =	ssyncset.done $0x0  }
0x26: {  	s5 =	simm.s32 $0x1D600;
	s22 =	rddreg [dreg:$0x9];
	[sflag:s20] =	ssyncadd.s32 $0xFFFF8A80  }
0x27: {  	[tilespmem:s5], [sflag:$0x1] =	stream.linear.gather [hbm4b:s22+s4], $0x400, $0x38;
	[tilespmem:$0x1F600] =	vst v63  }
0x28: {  	s31 =	simm.s32 $0x1DA00;
	s21 =	simm.s32 $0x0;
	s23 =	rddreg [dreg:$0xa]  }
0x29: {  	[tilespmem:s31], [sflag:$0x1] =	stream.linear.gather [hbm4b:s23+s4], $0x400, $0x38;
	[tilespmem:$0x1F600] =	vst v63  }
.LBB2_2:
0x2a: {  	s6 =	sshll.u32 s21, $0x1  }
0x2b: {  	s7 =	sshll.u32 s21, $0xB;
	s0 =	sadd.s32 s13, s6  }
0x2c: {  	s22 =	sor.u32 $0x400, s7;
	s0 =	sshll.u32 s0, $0xA  }
0x2d: {  	s5 =	sand.u32 $0xC00, s22;
	s0 =	sand.u32 $0x3F000, s0  }
0x2e: {  	s0 =	sor.u32 s0, s5  }
0x2f: {  	s0 =	sor.u32 s9, s0  }
0x30: {  	s0 =	sshrl.u32 s0, $0x3  }
0x31: {  	s8 =	simm.s32 $0x1E600;
	s15 =	sadd.s32 s1, s0  }
0x32: {  	[tilespmem:s8], [sflag:$0x2] =	stream.linear.gather [hbm4b:s15+s4], $0x400, $0x38;
	[tilespmem:$0x1F600] =	vst v63  }
0x33: {  	s0 =	sadd.s32 s2, s0  }
0x34: {  	[tilespmem:s24], [sflag:$0x2] =	stream.linear.gather [hbm4b:s0+s4], $0x400, $0x38;
	[tilespmem:$0x1F600] =	vst v63  }
0x35: {  	_ =	swait.ge [sflag:s20], $0x400  }
0x36: {  	[sflag:s20] =	ssyncset.done $0x0  }
0x37: {  	[sflag:s20] =	ssyncadd.s32 $0xFFFFFC00  }
0x38: {  	_ =	swait.ge [sflag:s20], $0x400  }
0x39: {  	p0 =	seq.s32 s21, $0x0;
	[sflag:s20] =	ssyncset.done $0x0  }
0x3a: {  	s0 =	simm.s32 @!p0 $0x3;
	[sflag:s20] =	ssyncadd.s32 $0xFFFFFC00  }
0x3b: {  	_ =	swait.ge @!p0 [sflag:s0], $0x400  }
0x3c: {  	[sflag:s0] =	ssyncset.done @!p0 $0x0  }
0x3d: {  	[sflag:s0] =	ssyncadd.s32 @!p0 $0xFFFFFC00  }
0x3e: {  	_ =	swait.ge @!p0 [sflag:s0], $0x400  }
0x3f: {  	[sflag:s0] =	ssyncset.done @!p0 $0x0  }
0x40: {  	s16 =	simm.s32 $0x1DA40;
	[sflag:s0] =	ssyncadd.s32 @!p0 $0xFFFFFC00  }
0x41: {  	v0 =	vld [tilespmem:s16+$0x30]  }
0x42: {  	v1 =	vld [tilespmem:s16+$0xFFFFFFC0]  }
0x43: {  	v2 =	vld [tilespmem:s16+$0xFFFFFFD0]  }
0x44: {  	v3 =	vld [tilespmem:s16+$0xFFFFFFE0]  }
0x45: {  	v4 =	vld [tilespmem:s16+$0xFFFFFFF0]  }
0x46: {  	v5 =	vld [tilespmem:s16+$0x0]  }
0x47: {  	v6 =	vld [tilespmem:s16+$0x10]  }
0x48: {  	s23 =	simm.s32 $0x1D640;
	v7 =	vld [tilespmem:s16+$0x20]  }
0x49: {  	v12 =	vld [tilespmem:s23+$0x30];
	v0 =	vmul.f32 $2.000000000e+03, v0  }
0x4a: {  	v20 =	vld [tilespmem:s23+$0xFFFFFFC0];
	v1 =	vmul.f32 $2.000000000e+03, v1;
	v2 =	vmul.f32 $2.000000000e+03, v2  }
0x4b: {  	v3 =	vmul.f32 $2.000000000e+03, v3;
	v4 =	vmul.f32 $2.000000000e+03, v4  }
0x4c: {  	v5 =	vmul.f32 $2.000000000e+03, v5;
	v6 =	vmul.f32 $2.000000000e+03, v6  }
0x4d: {  	v7 =	vmul.f32 $2.000000000e+03, v7;
	v0 =	vadd.f32 $-5.000000000e+02, v0;
	v1 =	vadd.f32 $-5.000000000e+02, v1  }
0x4e: {  	v12 =	vmul.f32 $2.000000000e+03, v12;
	v2 =	vadd.f32 $-5.000000000e+02, v2;
	v3 =	vadd.f32 $-5.000000000e+02, v3  }
0x4f: {  	v20 =	vmul.f32 $2.000000000e+03, v20;
	v4 =	vadd.f32 $-5.000000000e+02, v4;
	v5 =	vadd.f32 $-5.000000000e+02, v5  }
0x50: {  	v6 =	vadd.f32 $-5.000000000e+02, v6;
	v7 =	vadd.f32 $-5.000000000e+02, v7;
	v0 =	vmax.f32 v0, $0.0e+00  }
0x51: {  	v1 =	vmax.f32 v1, $0.0e+00;
	v2 =	vmax.f32 v2, $0.0e+00;
	v3 =	vmax.f32 v3, $0.0e+00  }
0x52: {  	v4 =	vmax.f32 v4, $0.0e+00;
	v5 =	vmax.f32 v5, $0.0e+00;
	v0 =	vmul.f32 $6.000000000e+02, v0  }
0x53: {  	v6 =	vmax.f32 v6, $0.0e+00;
	v1 =	vmul.f32 $6.000000000e+02, v1;
	v2 =	vmul.f32 $6.000000000e+02, v2  }
0x54: {  	v3 =	vmul.f32 $6.000000000e+02, v3;
	v4 =	vmul.f32 $6.000000000e+02, v4;
	v0 =	vadd.f32 $4.000000000e+02, v0  }
0x55: {  	v7 =	vmax.f32 v7, $0.0e+00;
	v5 =	vmul.f32 $6.000000000e+02, v5;
	v6 =	vmul.f32 $6.000000000e+02, v6  }
0x56: {  	v7 =	vmul.f32 $6.000000000e+02, v7;
	v8 =	vshra.s32 v0, $0x1;
	v0 =	vmul.f32 $5.000000000e-01, v0  }
0x57: {  	v2 =	vadd.f32 $4.000000000e+02, v2;
	v3 =	vadd.f32 $4.000000000e+02, v3;
	v8 =	vsub.s32 $0x5F3759DF, v8  }
0x58: {  	v4 =	vadd.f32 $4.000000000e+02, v4;
	v5 =	vadd.f32 $4.000000000e+02, v5;
	v9 =	vmul.f32 v8, v0  }
0x59: {  	v6 =	vadd.f32 $4.000000000e+02, v6;
	v10 =	vshra.s32 v2, $0x1;
	v2 =	vmul.f32 $5.000000000e-01, v2  }
0x5a: {  	v11 =	vshra.s32 v3, $0x1;
	v3 =	vmul.f32 $5.000000000e-01, v3;
	v9 =	vmul.f32 v8, v9  }
0x5b: {  	v13 =	vshra.s32 v4, $0x1;
	v4 =	vmul.f32 $5.000000000e-01, v4;
	v14 =	vshra.s32 v5, $0x1  }
0x5c: {  	v5 =	vmul.f32 $5.000000000e-01, v5;
	v15 =	vshra.s32 v6, $0x1;
	v9 =	vsub.f32 $1.500000000e+00, v9  }
0x5d: {  	v6 =	vmul.f32 $5.000000000e-01, v6;
	v10 =	vsub.s32 $0x5F3759DF, v10;
	v13 =	vsub.s32 $0x5F3759DF, v13  }
0x5e: {  	v14 =	vsub.s32 $0x5F3759DF, v14;
	v18 =	vmul.f32 v10, v2;
	v8 =	vmul.f32 v8, v9  }
0x5f: {  	v15 =	vsub.s32 $0x5F3759DF, v15;
	v19 =	vmul.f32 v13, v4;
	v21 =	vmul.f32 v14, v5  }
0x60: {  	v7 =	vadd.f32 $4.000000000e+02, v7;
	v22 =	vmul.f32 v15, v6;
	v0 =	vmul.f32 v8, v0  }
0x61: {  	v1 =	vadd.f32 $4.000000000e+02, v1;
	v18 =	vmul.f32 v10, v18;
	v19 =	vmul.f32 v13, v19  }
0x62: {  	v16 =	vshra.s32 v7, $0x1;
	v21 =	vmul.f32 v14, v21;
	v0 =	vmul.f32 v0, v8  }
0x63: {  	v7 =	vmul.f32 $5.000000000e-01, v7;
	v18 =	vsub.f32 $1.500000000e+00, v18;
	v19 =	vsub.f32 $1.500000000e+00, v19  }
0x64: {  	v22 =	vmul.f32 v15, v22;
	v21 =	vsub.f32 $1.500000000e+00, v21;
	v0 =	vsub.f32 $1.500000000e+00, v0  }
0x65: {  	v9 =	vshra.s32 v1, $0x1;
	v1 =	vmul.f32 $5.000000000e-01, v1;
	v10 =	vmul.f32 v10, v18  }
0x66: {  	v13 =	vmul.f32 v13, v19;
	v0 =	vmul.f32 v0, v8;
	v8 =	vsub.s32 $0x5F3759DF, v9  }
0x67: {  	v14 =	vmul.f32 v14, v21;
	v17 =	vmul.f32 v8, v1  }
0x68: {  	v2 =	vmul.f32 v10, v2;
	v9 =	vmul.f32 $2.000000000e+01, v0  }
0x69: {  	v11 =	vsub.s32 $0x5F3759DF, v11;
	v4 =	vmul.f32 v13, v4;
	v17 =	vmul.f32 v8, v17  }
0x6a: {  	v9 =	vmul.f32 v9, v12;
	v12 =	vsub.s32 $0x5F3759DF, v16;
	v16 =	vmul.f32 v11, v3  }
0x6b: {  	v5 =	vmul.f32 v14, v5;
	v24 =	vmul.f32 v12, v7;
	v17 =	vsub.f32 $1.500000000e+00, v17  }
0x6c: {  	v2 =	vmul.f32 v2, v10;
	v9 =	vadd.f32 $5.000000000e+02, v9;
	v16 =	vmul.f32 v11, v16  }
0x6d: {  	v24 =	vmul.f32 v12, v24;
	v8 =	vmul.f32 v8, v17;
	v17 =	vsub.f32 $1.500000000e+00, v22  }
0x6e: {  	v4 =	vmul.f32 v4, v13;
	v9 =	vmax.f32 v9, $3.800000000e+02;
	v16 =	vsub.f32 $1.500000000e+00, v16  }
0x6f: {  	v9 =	vmin.f32 v9, $6.553500000e+04;
	v22 =	vsub.f32 $1.500000000e+00, v24;
	v15 =	vmul.f32 v15, v17  }
0x70: {  	v1 =	vmul.f32 v8, v1;
	v17 =	vmul.f32 v5, v14;
	v25 =	vadd.f32 $-3.800000000e+02, v9  }
0x71: {  	v11 =	vmul.f32 v11, v16;
	v12 =	vmul.f32 v12, v22  }
0x72: {  	v1 =	vmul.f32 v1, v8;
	v25 =	vmul.f32 $4.604251380e-01, v25  }
0x73: {  	v6 =	vmul.f32 v15, v6;
	v3 =	vmul.f32 v11, v3  }
0x74: {  	v7 =	vmul.f32 v12, v7;
	v1 =	vsub.f32 $1.500000000e+00, v1;
	v18 =	vtrunc.f32 v25  }
0x75: {  	v23 =	vld [tilespmem:s23+$0xFFFFFFD0];
	v3 =	vmul.f32 v3, v11;
	v16 =	vcvt.f32.s32 v18  }
0x76: {  	v2 =	vsub.f32 $1.500000000e+00, v2;
	v18 =	vmul.f32 v6, v15;
	v5 =	vmul.f32 v1, v8  }
0x77: {  	v1 =	vsub.f32 $1.500000000e+00, v3;
	v3 =	vsub.f32 $1.500000000e+00, v4;
	v16 =	vadd.s32 $0x1, v16  }
0x78: {  	v19 =	vld [tilespmem:s23+$0xFFFFFFE0];
	v6 =	vmul.f32 v2, v10;
	v2 =	vsub.f32 $1.500000000e+00, v17;
	vm0 =	vgt.s32 v16, $0x1  }
0x79: {  	v3 =	vmul.f32 v3, v13;
	v13 =	vmul.f32 $2.000000000e+01, v5;
	v16 =	vnsel vm0, $0x1, v16  }
0x7a: {  	v23 =	vmul.f32 $2.000000000e+03, v23;
	v7 =	vmul.f32 v7, v12;
	v16 =	vmin.u32 v16, $0x752F  }
0x7b: {  	v17 =	vld [tilespmem:s23+$0xFFFFFFF0];
	v10 =	vsub.f32 $1.500000000e+00, v18;
	v2 =	vmul.f32 v2, v14;
	v13 =	vmul.f32 v13, v20  }
0x7c: {  	v14 =	vmul.f32 $2.000000000e+01, v6;
	v4 =	vmul.f32 v1, v11;
	v1 =	vsub.f32 $1.500000000e+00, v7  }
0x7d: {  	v19 =	vmul.f32 $2.000000000e+03, v19;
	v7 =	vld [tilespmem:s23+$0x0];
	v11 =	vmul.f32 v10, v15;
	v13 =	vadd.f32 $5.000000000e+02, v13  }
0x7e: {  	v10 =	vld [tilespmem:s23+$0x10];
	v14 =	vmul.f32 v14, v23;
	v1 =	vmul.f32 v1, v12  }
0x7f: {  	v15 =	vmul.f32 $2.000000000e+01, v4;
	v18 =	vmul.f32 $2.000000000e+01, v3;
	v13 =	vmax.f32 v13, $3.800000000e+02;
	v8 =	vld.idx.msk [tilespmem:v16+s17+$0x0], $0xffff  }
0x80: {  	v17 =	vmul.f32 $2.000000000e+03, v17;
	v21 =	vmul.f32 $2.000000000e+01, v11;
	[tilespmem:$0x1FFF0] =	vst v1;
	v23 =	vmin.f32 v13, $6.553500000e+04  }
0x81: {  	v22 =	vmul.f32 $2.000000000e+01, v1;
	v15 =	vmul.f32 v15, v19;
	v12 =	vld [tilespmem:s23+$0x20];
	v13 =	vadd.f32 $-3.800000000e+02, v23  }
0x82: {  	v17 =	vmul.f32 v18, v17;
	v7 =	vmul.f32 $2.000000000e+03, v7  }
0x83: {  	v10 =	vmul.f32 $2.000000000e+03, v10;
	v13 =	vmul.f32 $4.604251380e-01, v13  }
0x84: {  	v24 =	vmul.f32 v9, v8;
	v8 =	vmul.f32 $2.000000000e+01, v2  }
0x85: {  	v10 =	vmul.f32 v21, v10;
	v13 =	vtrunc.f32 v13  }
0x86: {  	v12 =	vmul.f32 $2.000000000e+03, v12;
	v7 =	vmul.f32 v8, v7;
	v8 =	vadd.f32 $5.000000000e+02, v14  }
0x87: {  	v13 =	vcvt.f32.s32 v13;
	v14 =	vadd.f32 $5.000000000e+02, v15;
	v15 =	vadd.f32 $5.000000000e+02, v17  }
0x88: {  	v12 =	vmul.f32 v22, v12;
	v7 =	vadd.f32 $5.000000000e+02, v7;
	v8 =	vmax.f32 v8, $3.800000000e+02  }
0x89: {  	v17 =	vld.idx.msk [tilespmem:v16+s4+$0x0], $0xffff;
	v14 =	vmax.f32 v14, $3.800000000e+02;
	v15 =	vmax.f32 v15, $3.800000000e+02;
	v21 =	vmin.f32 v8, $6.553500000e+04  }
0x8a: {  	v22 =	vmin.f32 v14, $6.553500000e+04;
	v8 =	vmin.f32 v15, $6.553500000e+04;
	v7 =	vmax.f32 v7, $3.800000000e+02  }
0x8b: {  	v14 =	vadd.f32 $-3.800000000e+02, v21;
	v15 =	vadd.f32 $-3.800000000e+02, v22;
	v7 =	vmin.f32 v7, $6.553500000e+04  }
0x8c: {  	v18 =	vadd.f32 $-3.800000000e+02, v8;
	v19 =	vadd.f32 $-3.800000000e+02, v7  }
0x8d: {  	v13 =	vadd.s32 $0x1, v13;
	v14 =	vmul.f32 $4.604251380e-01, v14;
	v15 =	vmul.f32 $4.604251380e-01, v15  }
0x8e: {  	v17 =	vadd.f32 v24, v17;
	v18 =	vmul.f32 $4.604251380e-01, v18;
	v19 =	vmul.f32 $4.604251380e-01, v19  }
0x8f: {  	s5 =	simm.s32 $0x1DE40;
	vm11 =	vgt.s32 v13, $0x1;
	v14 =	vtrunc.f32 v14;
	v15 =	vtrunc.f32 v15  }
0x90: {  	v13 =	vnsel vm11, $0x1, v13;
	[tilespmem:s5+$0x30] =	vst v17;
	v18 =	vtrunc.f32 v18;
	v14 =	vcvt.f32.s32 v14  }
0x91: {  	v34 =	vmin.u32 v13, $0x752F;
	v13 =	vld.idx.msk [tilespmem:v16+s19+$0x0], $0xffff;
	v15 =	vcvt.f32.s32 v15;
	v18 =	vcvt.f32.s32 v18  }
0x92: {  	v19 =	vtrunc.f32 v19  }
0x93: {  	v14 =	vadd.s32 $0x1, v14;
	v15 =	vadd.s32 $0x1, v15;
	v17 =	vadd.s32 $0x1, v18;
	v18 =	vld.idx.msk [tilespmem:v16+s18+$0x0], $0xffff  }
0x94: {  	v19 =	vcvt.f32.s32 v19;
	vm1 =	vgt.s32 v14, $0x1;
	vm12 =	vgt.s32 v15, $0x1  }
0x95: {  	vm13 =	vgt.s32 v17, $0x1;
	v14 =	vnsel vm1, $0x1, v14;
	v15 =	vnsel vm12, $0x1, v15  }
0x96: {  	v9 =	vmul.f32 v9, v13;
	v35 =	vmin.u32 v14, $0x752F;
	v14 =	vadd.s32 $0x1, v19  }
0x97: {  	s10 =	simm.s32 $0x1DAC0;
	v16 =	vnsel vm13, $0x1, v17;
	v32 =	vmin.u32 v15, $0x752F;
	vm14 =	vgt.s32 v14, $0x1  }
0x98: {  	v26 =	vld [tilespmem:s10+$0xFFFFFFC0];
	v25 =	vmin.u32 v16, $0x752F;
	v14 =	vnsel vm14, $0x1, v14;
	v9 =	vadd.f32 v9, v18  }
0x99: {  	v10 =	vadd.f32 $5.000000000e+02, v10;
	v15 =	vld [tilespmem:s10+$0x30];
	v16 =	vmin.u32 v14, $0x752F  }
0x9a: {  	v14 =	vld.idx.msk [tilespmem:v34+s17+$0x0], $0xffff;
	v9 =	vadd.f32 $9.999999930e-09, v9  }
0x9b: {  	v10 =	vmax.f32 v10, $3.800000000e+02;
	v12 =	vadd.f32 $5.000000000e+02, v12;
	v13 =	vld.idx.msk [tilespmem:v35+s17+$0x0], $0xffff  }
0x9c: {  	v24 =	vmin.f32 v10, $6.553500000e+04;
	v10 =	vld.idx.msk [tilespmem:v32+s17+$0x0], $0xffff;
	v0 =	vmul.f32 v9, v0  }
0x9d: {  	v12 =	vmax.f32 v12, $3.800000000e+02;
	v19 =	vld.idx.msk [tilespmem:v25+s17+$0x0], $0xffff  }
0x9e: {  	v12 =	vmin.f32 v12, $6.553500000e+04;
	v15 =	vmul.f32 $2.000000000e+03, v15;
	v20 =	vld.idx.msk [tilespmem:v16+s17+$0x0], $0xffff;
	[tilespmem:$0x1FFA0] =	vst v0  }
0x9f: {  	v17 =	vadd.f32 $-3.800000000e+02, v24;
	v18 =	vadd.f32 $-3.800000000e+02, v12;
	v0 =	vld [tilespmem:s10+$0xFFFFFFD0]  }
0xa0: {  	v31 =	vadd.f32 $-5.000000000e+02, v15;
	v27 =	vld [tilespmem:s10+$0xFFFFFFE0]  }
0xa1: {  	v17 =	vmul.f32 $4.604251380e-01, v17;
	v18 =	vmul.f32 $4.604251380e-01, v18;
	v30 =	vld [tilespmem:s10+$0xFFFFFFF0]  }
0xa2: {  	s14 =	simm.s32 $0x1D6C0;
	v29 =	vmul.f32 v23, v14;
	v14 =	vmax.f32 v31, $0.0e+00;
	v31 =	vld [tilespmem:s10+$0x10]  }
0xa3: {  	v17 =	vtrunc.f32 v17;
	v18 =	vtrunc.f32 v18;
	v40 =	vld [tilespmem:s14+$0x30]  }
0xa4: {  	v17 =	vcvt.f32.s32 v17;
	v18 =	vcvt.f32.s32 v18;
	v47 =	vld [tilespmem:s14+$0xFFFFFFC0]  }
0xa5: {  	v50 =	vld [tilespmem:s14+$0xFFFFFFD0];
	v28 =	vmul.f32 v21, v13;
	v14 =	vmul.f32 $6.000000000e+02, v14  }
0xa6: {  	v13 =	vld [tilespmem:s10+$0x0];
	v15 =	vmul.f32 v22, v10;
	v10 =	vmul.f32 $2.000000000e+03, v26  }
0xa7: {  	v26 =	vmul.f32 v8, v19;
	v19 =	vld [tilespmem:s10+$0x20];
	v14 =	vadd.f32 $4.000000000e+02, v14;
	v0 =	vmul.f32 $2.000000000e+03, v0  }
0xa8: {  	v10 =	vadd.f32 $-5.000000000e+02, v10;
	v33 =	vmul.f32 $2.000000000e+03, v27;
	v27 =	vmul.f32 v7, v20  }
0xa9: {  	v20 =	vmul.f32 $2.000000000e+03, v30;
	v56 =	vshra.s32 v14, $0x1;
	v14 =	vmul.f32 $5.000000000e-01, v14  }
0xaa: {  	v31 =	vmul.f32 $2.000000000e+03, v31;
	v59 =	vmul.f32 $2.000000000e+03, v40  }
0xab: {  	v10 =	vmax.f32 v10, $0.0e+00;
	v47 =	vmul.f32 $2.000000000e+03, v47;
	v50 =	vmul.f32 $2.000000000e+03, v50  }
0xac: {  	v13 =	vmul.f32 $2.000000000e+03, v13;
	v19 =	vmul.f32 $2.000000000e+03, v19;
	v0 =	vadd.f32 $-5.000000000e+02, v0  }
0xad: {  	v10 =	vmul.f32 $6.000000000e+02, v10;
	v30 =	vadd.f32 $-5.000000000e+02, v33;
	v20 =	vadd.f32 $-5.000000000e+02, v20  }
0xae: {  	v33 =	vsub.s32 $0x5F3759DF, v56;
	v31 =	vadd.f32 $-5.000000000e+02, v31;
	v13 =	vadd.f32 $-5.000000000e+02, v13  }
0xaf: {  	v36 =	vmul.f32 v33, v14;
	v19 =	vadd.f32 $-5.000000000e+02, v19;
	v10 =	vadd.f32 $4.000000000e+02, v10  }
0xb0: {  	v0 =	vmax.f32 v0, $0.0e+00;
	v30 =	vmax.f32 v30, $0.0e+00;
	v20 =	vmax.f32 v20, $0.0e+00  }
0xb1: {  	v31 =	vmax.f32 v31, $0.0e+00;
	v36 =	vmul.f32 v33, v36;
	v0 =	vmul.f32 $6.000000000e+02, v0  }
0xb2: {  	v13 =	vmax.f32 v13, $0.0e+00;
	v30 =	vmul.f32 $6.000000000e+02, v30;
	v20 =	vmul.f32 $6.000000000e+02, v20  }
0xb3: {  	v19 =	vmax.f32 v19, $0.0e+00;
	v31 =	vmul.f32 $6.000000000e+02, v31;
	v37 =	vshra.s32 v10, $0x1  }
0xb4: {  	v13 =	vmul.f32 $6.000000000e+02, v13;
	v36 =	vsub.f32 $1.500000000e+00, v36;
	v0 =	vadd.f32 $4.000000000e+02, v0  }
0xb5: {  	v19 =	vmul.f32 $6.000000000e+02, v19;
	v30 =	vadd.f32 $4.000000000e+02, v30;
	v20 =	vadd.f32 $4.000000000e+02, v20  }
0xb6: {  	v10 =	vmul.f32 $5.000000000e-01, v10;
	v31 =	vadd.f32 $4.000000000e+02, v31;
	v13 =	vadd.f32 $4.000000000e+02, v13  }
0xb7: {  	v19 =	vadd.f32 $4.000000000e+02, v19;
	v33 =	vmul.f32 v33, v36;
	v38 =	vshra.s32 v0, $0x1  }
0xb8: {  	v0 =	vmul.f32 $5.000000000e-01, v0;
	v39 =	vshra.s32 v30, $0x1;
	v30 =	vmul.f32 $5.000000000e-01, v30  }
0xb9: {  	v41 =	vshra.s32 v20, $0x1;
	v20 =	vmul.f32 $5.000000000e-01, v20;
	v43 =	vshra.s32 v31, $0x1  }
0xba: {  	v31 =	vmul.f32 $5.000000000e-01, v31;
	v42 =	vshra.s32 v13, $0x1;
	v14 =	vmul.f32 v33, v14  }
0xbb: {  	v13 =	vmul.f32 $5.000000000e-01, v13;
	v57 =	vsub.s32 $0x5F3759DF, v38;
	v60 =	vsub.s32 $0x5F3759DF, v41  }
0xbc: {  	v61 =	vsub.s32 $0x5F3759DF, v42;
	v45 =	vmul.f32 v57, v0;
	v14 =	vmul.f32 v14, v33  }
0xbd: {  	v43 =	vsub.s32 $0x5F3759DF, v43;
	v46 =	vmul.f32 v60, v20;
	v48 =	vmul.f32 v61, v13  }
0xbe: {  	v49 =	vmul.f32 v43, v31;
	v45 =	vmul.f32 v57, v45;
	v14 =	vsub.f32 $1.500000000e+00, v14  }
0xbf: {  	v44 =	vshra.s32 v19, $0x1;
	v46 =	vmul.f32 v60, v46;
	v48 =	vmul.f32 v61, v48  }
0xc0: {  	v49 =	vmul.f32 v43, v49;
	v45 =	vsub.f32 $1.500000000e+00, v45;
	v36 =	vmul.f32 v14, v33  }
0xc1: {  	v46 =	vsub.f32 $1.500000000e+00, v46;
	v48 =	vsub.f32 $1.500000000e+00, v48;
	v14 =	vmul.f32 $5.000000000e-01, v19  }
0xc2: {  	v19 =	vsub.s32 $0x5F3759DF, v37;
	v33 =	vmul.f32 v57, v45;
	v58 =	vmul.f32 $2.000000000e+01, v36  }
0xc3: {  	v37 =	vsub.s32 $0x5F3759DF, v39;
	v40 =	vmul.f32 v60, v46;
	v62 =	vmul.f32 v19, v10  }
0xc4: {  	v63 =	vsub.s32 $0x5F3759DF, v44;
	v54 =	vmul.f32 v37, v30;
	v38 =	vmul.f32 v58, v59  }
0xc5: {  	v55 =	vsub.f32 $1.500000000e+00, v49;
	v49 =	vld [tilespmem:s14+$0xFFFFFFE0];
	v41 =	vmul.f32 v61, v48;
	v51 =	vmul.f32 v63, v14  }
0xc6: {  	v46 =	vld.idx.msk [tilespmem:v35+s4+$0x0], $0xffff;
	v0 =	vmul.f32 v33, v0;
	v20 =	vmul.f32 v40, v20;
	v38 =	vadd.f32 $5.000000000e+02, v38  }
0xc7: {  	v17 =	vadd.s32 $0x1, v17;
	v42 =	vmul.f32 v19, v62;
	v44 =	vmul.f32 v37, v54  }
0xc8: {  	v13 =	vmul.f32 v41, v13;
	v51 =	vmul.f32 v63, v51;
	v38 =	vmax.f32 v38, $3.800000000e+02  }
0xc9: {  	v0 =	vmul.f32 v0, v33;
	v42 =	vsub.f32 $1.500000000e+00, v42;
	v38 =	vmin.f32 v38, $6.553500000e+04  }
0xca: {  	v20 =	vmul.f32 v20, v40;
	v44 =	vsub.f32 $1.500000000e+00, v44;
	v52 =	vadd.f32 $-3.800000000e+02, v38  }
0xcb: {  	v13 =	vmul.f32 v13, v41;
	v46 =	vadd.f32 v28, v46;
	v28 =	vmul.f32 $2.000000000e+03, v49  }
0xcc: {  	v57 =	vsub.f32 $1.500000000e+00, v51;
	v19 =	vmul.f32 v19, v42;
	v52 =	vmul.f32 $4.604251380e-01, v52  }
0xcd: {  	vm15 =	vgt.s32 v17, $0x1;
	v37 =	vmul.f32 v37, v44;
	v42 =	vmul.f32 v43, v55  }
0xce: {  	v62 =	vnsel vm15, $0x1, v17;
	v39 =	vmul.f32 v63, v57;
	v56 =	vtrunc.f32 v52  }
0xcf: {  	v59 =	vadd.s32 $0x1, v18;
	v10 =	vmul.f32 v19, v10;
	v58 =	vcvt.f32.s32 v56  }
0xd0: {  	v0 =	vsub.f32 $1.500000000e+00, v0;
	v31 =	vmul.f32 v42, v31;
	v14 =	vmul.f32 v39, v14  }
0xd1: {  	v43 =	vld.idx.msk [tilespmem:v34+s4+$0x0], $0xffff;
	v30 =	vmul.f32 v37, v30;
	v10 =	vmul.f32 v10, v19;
	v18 =	vadd.s32 $0x1, v58  }
0xd2: {  	v31 =	vmul.f32 v31, v42;
	v60 =	vmul.f32 v14, v39;
	vm4 =	vgt.s32 v18, $0x1  }
0xd3: {  	v48 =	vld.idx.msk [tilespmem:v32+s4+$0x0], $0xffff;
	v14 =	vsub.f32 $1.500000000e+00, v20;
	v20 =	vmul.f32 v0, v33;
	v18 =	vnsel vm4, $0x1, v18  }
0xd4: {  	v0 =	vsub.f32 $1.500000000e+00, v13;
	v13 =	vsub.f32 $1.500000000e+00, v31;
	v31 =	vld [tilespmem:s14+$0x0];
	v44 =	vmin.u32 v18, $0x752F  }
0xd5: {  	vm5 =	vgt.s32 v59, $0x1;
	v30 =	vmul.f32 v30, v37;
	v14 =	vmul.f32 v14, v40;
	v40 =	vld [tilespmem:s14+$0x10]  }
0xd6: {  	v43 =	vadd.f32 v29, v43;
	v10 =	vsub.f32 $1.500000000e+00, v10;
	v17 =	vmul.f32 v0, v41  }
0xd7: {  	v1 =	vmul.f32 v13, v42;
	v13 =	vnsel vm5, $0x1, v59;
	v59 =	vmul.f32 $2.000000000e+01, v20  }
0xd8: {  	v52 =	vld [tilespmem:s14+$0xFFFFFFF0];
	v29 =	vmul.f32 $2.000000000e+01, v17;
	v18 =	vmul.f32 v10, v19;
	v10 =	vsub.f32 $1.500000000e+00, v30  }
0xd9: {  	v61 =	vsub.f32 $1.500000000e+00, v60;
	v55 =	vmul.f32 $2.000000000e+01, v1;
	v31 =	vmul.f32 $2.000000000e+03, v31;
	v30 =	vld.idx.msk [tilespmem:v44+s17+$0x0], $0xffff;
	[tilespmem:$0x1FFE0] =	vst v1  }
0xda: {  	v48 =	vadd.f32 v15, v48;
	v15 =	vmul.f32 $2.000000000e+03, v40;
	v19 =	vmul.f32 v10, v37;
	v63 =	vld.idx.msk [tilespmem:v44+s4+$0x0], $0xffff  }
0xdb: {  	v0 =	vmul.f32 v61, v39;
	v29 =	vmul.f32 v29, v31;
	v58 =	vld [tilespmem:s14+$0x20]  }
0xdc: {  	v33 =	vmin.u32 v62, $0x752F;
	v15 =	vmul.f32 v55, v15;
	v60 =	vmul.f32 $2.000000000e+01, v19;
	v61 =	vld.idx.msk [tilespmem:v25+s4+$0x0], $0xffff  }
0xdd: {  	v53 =	vmul.f32 $2.000000000e+01, v14;
	v62 =	vmul.f32 $2.000000000e+01, v0;
	v29 =	vadd.f32 $5.000000000e+02, v29  }
0xde: {  	v57 =	vmul.f32 $2.000000000e+01, v18;
	v15 =	vadd.f32 $5.000000000e+02, v15;
	v28 =	vmul.f32 v60, v28  }
0xdf: {  	v10 =	vmin.u32 v13, $0x752F;
	v55 =	vmax.f32 v29, $3.800000000e+02;
	v30 =	vmul.f32 v38, v30  }
0xe0: {  	v15 =	vmax.f32 v15, $3.800000000e+02;
	v54 =	vld.idx.msk [tilespmem:v16+s4+$0x0], $0xffff;
	v28 =	vadd.f32 $5.000000000e+02, v28;
	v37 =	vmul.f32 $2.000000000e+03, v58  }
0xe1: {  	v40 =	vadd.f32 v26, v61;
	v26 =	vmul.f32 v57, v47;
	v30 =	vadd.f32 v30, v63  }
0xe2: {  	[tilespmem:$0x1FF30] =	vst v0;
	s14 =	simm.s32 $0x1DEC0;
	v28 =	vmax.f32 v28, $3.800000000e+02;
	v63 =	vmul.f32 $2.000000000e+03, v52;
	v31 =	vmul.f32 v62, v37  }
0xe3: {  	v28 =	vmin.f32 v28, $6.553500000e+04;
	v26 =	vadd.f32 $5.000000000e+02, v26;
	[tilespmem:s14+$0x30] =	vst v30;
	v30 =	vmul.f32 v59, v50  }
0xe4: {  	v58 =	vadd.f32 $-3.800000000e+02, v28;
	v41 =	vmul.f32 v53, v63;
	v31 =	vadd.f32 $5.000000000e+02, v31  }
0xe5: {  	v39 =	vadd.f32 v27, v54;
	v27 =	vld.idx.msk [tilespmem:v44+s19+$0x0], $0xffff;
	v26 =	vmax.f32 v26, $3.800000000e+02;
	v30 =	vadd.f32 $5.000000000e+02, v30  }
0xe6: {  	v54 =	vld.idx.msk [tilespmem:v33+s17+$0x0], $0xffff;
	v53 =	vadd.f32 $5.000000000e+02, v41;
	v41 =	vmul.f32 $4.604251380e-01, v58;
	v56 =	vmax.f32 v31, $3.800000000e+02  }
0xe7: {  	v52 =	vld.idx.msk [tilespmem:v44+s18+$0x0], $0xffff;
	v31 =	vmin.f32 v26, $6.553500000e+04;
	v26 =	vmin.f32 v55, $6.553500000e+04;
	v30 =	vmax.f32 v30, $3.800000000e+02  }
0xe8: {  	v37 =	vmax.f32 v53, $3.800000000e+02;
	v62 =	vadd.f32 $-3.800000000e+02, v26;
	v0 =	vmin.f32 v56, $6.553500000e+04  }
0xe9: {  	v60 =	vld.idx.msk [tilespmem:v33+s4+$0x0], $0xffff;
	v41 =	vtrunc.f32 v41;
	v30 =	vmin.f32 v30, $6.553500000e+04;
	v29 =	vmin.f32 v37, $6.553500000e+04  }
0xea: {  	v41 =	vcvt.f32.s32 v41;
	v27 =	vmul.f32 v38, v27;
	v57 =	vadd.f32 $-3.800000000e+02, v30  }
0xeb: {  	[tilespmem:$0x1FF90] =	vst v0;
	v38 =	vmul.f32 v24, v54;
	v59 =	vadd.f32 $-3.800000000e+02, v29;
	v56 =	vmul.f32 $4.604251380e-01, v62  }
0xec: {  	v45 =	vld.idx.msk [tilespmem:v10+s17+$0x0], $0xffff;
	[tilespmem:s5+$0xFFFFFFC0] =	vst v43;
	v42 =	vadd.f32 v27, v52;
	v27 =	vmin.f32 v15, $6.553500000e+04;
	v15 =	vadd.f32 $-3.800000000e+02, v31  }
0xed: {  	[tilespmem:s5+$0xFFFFFFD0] =	vst v46;
	v50 =	vld.idx.msk [tilespmem:v34+s19+$0x0], $0xffff;
	v37 =	vmul.f32 $4.604251380e-01, v57;
	v63 =	vmul.f32 $4.604251380e-01, v59;
	v57 =	vadd.f32 $-3.800000000e+02, v0  }
0xee: {  	v51 =	vld.idx.msk [tilespmem:v35+s19+$0x0], $0xffff;
	v38 =	vadd.f32 v38, v60;
	v43 =	vtrunc.f32 v56;
	v60 =	vadd.s32 $0x1, v41  }
0xef: {  	v34 =	vld.idx.msk [tilespmem:v34+s18+$0x0], $0xffff;
	v46 =	vadd.f32 $-3.800000000e+02, v27;
	v59 =	vcvt.f32.s32 v43;
	vm8 =	vgt.s32 v60, $0x1  }
0xf0: {  	[tilespmem:s5+$0xFFFFFFE0] =	vst v48;
	v35 =	vld.idx.msk [tilespmem:v35+s18+$0x0], $0xffff;
	v61 =	vmul.f32 $4.604251380e-01, v15;
	v42 =	vadd.f32 $9.999999930e-09, v42;
	v37 =	vtrunc.f32 v37  }
0xf1: {  	[tilespmem:s5+$0x0] =	vst v39;
	v48 =	vld.idx.msk [tilespmem:v32+s19+$0x0], $0xffff;
	v44 =	vtrunc.f32 v63;
	v39 =	vnsel vm8, $0x1, v60;
	v55 =	vmul.f32 $4.604251380e-01, v57  }
0xf2: {  	v47 =	vld.idx.msk [tilespmem:v16+s19+$0x0], $0xffff;
	v37 =	vcvt.f32.s32 v37;
	v44 =	vcvt.f32.s32 v44;
	v63 =	vadd.s32 $0x1, v59  }
0xf3: {  	v53 =	vld.idx.msk [tilespmem:v32+s18+$0x0], $0xffff;
	v39 =	vmin.u32 v39, $0x752F;
	v46 =	vmul.f32 $4.604251380e-01, v46;
	v49 =	vtrunc.f32 v61  }
0xf4: {  	v54 =	vld.idx.msk [tilespmem:v16+s18+$0x0], $0xffff;
	[tilespmem:s5+$0x10] =	vst v38;
	vm10 =	vgt.s32 v63, $0x1;
	v49 =	vcvt.f32.s32 v49;
	v37 =	vadd.s32 $0x1, v37  }
0xf5: {  	[tilespmem:s5+$0xFFFFFFF0] =	vst v40;
	v38 =	vld.idx.msk [tilespmem:v33+s19+$0x0], $0xffff;
	v0 =	vmul.f32 v42, v36;
	v62 =	vadd.s32 $0x1, v44;
	vm7 =	vgt.s32 v37, $0x1  }
0xf6: {  	vm9 =	vgt.s32 v62, $0x1;
	v58 =	vadd.s32 $0x1, v49;
	v49 =	vld.idx.msk [tilespmem:v25+s19+$0x0], $0xffff;
	v37 =	vnsel vm7, $0x1, v37  }
0xf7: {  	v32 =	vtrunc.f32 v55;
	v25 =	vld.idx.msk [tilespmem:v25+s18+$0x0], $0xffff;
	v16 =	vnsel vm9, $0x1, v62;
	[tilespmem:$0x1FFB0] =	vst v0;
	v44 =	vmin.u32 v37, $0x752F  }
0xf8: {  	s15 =	simm.s32 $0x1DB40;
	v23 =	vmul.f32 v23, v50;
	v37 =	vnsel vm10, $0x1, v63;
	v41 =	vmin.u32 v16, $0x752F;
	v59 =	vld.idx.msk [tilespmem:v39+s17+$0x0], $0xffff  }
0xf9: {  	v21 =	vmul.f32 v21, v51;
	vm6 =	vgt.s32 v58, $0x1;
	v60 =	vld [tilespmem:s15+$0x30];
	v40 =	vmin.u32 v37, $0x752F  }
0xfa: {  	v23 =	vadd.f32 v23, v34;
	v34 =	vmul.f32 v24, v38;
	v24 =	vld [tilespmem:s15+$0xFFFFFFC0];
	v61 =	vnsel vm6, $0x1, v58  }
0xfb: {  	v22 =	vmul.f32 v22, v48;
	v7 =	vmul.f32 v7, v47;
	v52 =	vld [tilespmem:s15+$0xFFFFFFE0];
	v43 =	vmin.u32 v61, $0x752F  }
0xfc: {  	v56 =	vtrunc.f32 v46;
	v21 =	vadd.f32 v21, v35;
	v23 =	vadd.f32 $9.999999930e-09, v23;
	v58 =	vld.idx.msk [tilespmem:v44+s17+$0x0], $0xffff  }
0xfd: {  	v36 =	vcvt.f32.s32 v32;
	v8 =	vmul.f32 v8, v49;
	v61 =	vld.idx.msk [tilespmem:v41+s17+$0x0], $0xffff  }
0xfe: {  	v22 =	vadd.f32 v22, v53;
	v21 =	vadd.f32 $9.999999930e-09, v21;
	v0 =	vmul.f32 v23, v5;
	v62 =	vld.idx.msk [tilespmem:v40+s17+$0x0], $0xffff  }
0xff: {  	v32 =	vmul.f32 v12, v45;
	v37 =	vcvt.f32.s32 v56;
	v8 =	vadd.f32 v8, v25;
	v25 =	vld [tilespmem:s15+$0xFFFFFFD0]  }
0x100: {  	v63 =	vadd.f32 $9.999999930e-09, v22;
	v53 =	vmul.f32 $2.000000000e+03, v60;
	v57 =	vld.idx.msk [tilespmem:v43+s17+$0x0], $0xffff;
	[tilespmem:$0x1FFC0] =	vst v0;
	v0 =	vmul.f32 v21, v6  }
0x101: {  	v46 =	vmul.f32 v28, v59;
	v56 =	vmul.f32 $2.000000000e+03, v24  }
0x102: {  	v24 =	vmul.f32 v63, v4;
	v6 =	vadd.f32 $-5.000000000e+02, v53;
	v8 =	vadd.f32 $9.999999930e-09, v8;
	v5 =	vld [tilespmem:s15+$0xFFFFFFF0];
	[tilespmem:$0x1FFD0] =	vst v0  }
0x103: {  	v7 =	vadd.f32 v7, v54;
	v48 =	vmul.f32 v30, v58;
	v47 =	vmul.f32 v29, v61;
	v55 =	vld [tilespmem:s15+$0x0]  }
0x104: {  	v4 =	vld [tilespmem:s15+$0x10];
	v23 =	vmul.f32 v8, v3;
	v3 =	vmax.f32 v6, $0.0e+00;
	v8 =	vmul.f32 $2.000000000e+03, v52  }
0x105: {  	v6 =	vadd.f32 $9.999999930e-09, v7;
	v7 =	vld [tilespmem:s15+$0x20];
	v45 =	vmul.f32 v26, v62;
	v25 =	vmul.f32 $2.000000000e+03, v25  }
0x106: {  	s16 =	simm.s32 $0x1D740;
	v3 =	vmul.f32 $6.000000000e+02, v3;
	v35 =	vmul.f32 v31, v57;
	v57 =	vadd.f32 $-5.000000000e+02, v56  }
0x107: {  	v63 =	vld [tilespmem:s16+$0x30];
	v58 =	vadd.f32 $-5.000000000e+02, v25;
	v5 =	vmul.f32 $2.000000000e+03, v5;
	v25 =	vmul.f32 v6, v2  }
0x108: {  	v2 =	vadd.f32 $-5.000000000e+02, v8;
	v3 =	vadd.f32 $4.000000000e+02, v3;
	v8 =	vmax.f32 v57, $0.0e+00  }
0x109: {  	v6 =	vmul.f32 $2.000000000e+03, v55;
	v5 =	vadd.f32 $-5.000000000e+02, v5;
	v4 =	vmul.f32 $2.000000000e+03, v4  }
0x10a: {  	v59 =	vshra.s32 v3, $0x1;
	v3 =	vmul.f32 $5.000000000e-01, v3;
	v7 =	vmul.f32 $2.000000000e+03, v7  }
0x10b: {  	v42 =	vmax.f32 v58, $0.0e+00;
	v8 =	vmul.f32 $6.000000000e+02, v8;
	v38 =	vsub.s32 $0x5F3759DF, v59  }
0x10c: {  	v2 =	vmax.f32 v2, $0.0e+00;
	v54 =	vmul.f32 $2.000000000e+03, v63;
	v60 =	vmul.f32 v38, v3  }
0x10d: {  	v42 =	vmul.f32 $6.000000000e+02, v42;
	v2 =	vmul.f32 $6.000000000e+02, v2;
	v6 =	vadd.f32 $-5.000000000e+02, v6  }
0x10e: {  	v4 =	vadd.f32 $-5.000000000e+02, v4;
	v5 =	vmax.f32 v5, $0.0e+00;
	v49 =	vmul.f32 v38, v60  }
0x10f: {  	v7 =	vadd.f32 $-5.000000000e+02, v7;
	v8 =	vadd.f32 $4.000000000e+02, v8;
	v5 =	vmul.f32 $6.000000000e+02, v5  }
0x110: {  	v42 =	vadd.f32 $4.000000000e+02, v42;
	v6 =	vmax.f32 v6, $0.0e+00;
	v49 =	vsub.f32 $1.500000000e+00, v49  }
0x111: {  	v2 =	vadd.f32 $4.000000000e+02, v2;
	v4 =	vmax.f32 v4, $0.0e+00;
	v6 =	vmul.f32 $6.000000000e+02, v6  }
0x112: {  	v7 =	vmax.f32 v7, $0.0e+00;
	v4 =	vmul.f32 $6.000000000e+02, v4;
	v38 =	vmul.f32 v38, v49  }
0x113: {  	v7 =	vmul.f32 $6.000000000e+02, v7;
	v5 =	vadd.f32 $4.000000000e+02, v5;
	v61 =	vshra.s32 v42, $0x1  }
0x114: {  	v42 =	vmul.f32 $5.000000000e-01, v42;
	v62 =	vshra.s32 v2, $0x1;
	v3 =	vmul.f32 v38, v3  }
0x115: {  	v2 =	vmul.f32 $5.000000000e-01, v2;
	v53 =	vshra.s32 v5, $0x1;
	v5 =	vmul.f32 $5.000000000e-01, v5  }
0x116: {  	v51 =	vsub.s32 $0x5F3759DF, v62;
	v53 =	vsub.s32 $0x5F3759DF, v53;
	v3 =	vmul.f32 v3, v38  }
0x117: {  	v6 =	vadd.f32 $4.000000000e+02, v6;
	v4 =	vadd.f32 $4.000000000e+02, v4;
	v59 =	vmul.f32 v53, v5  }
0x118: {  	v7 =	vadd.f32 $4.000000000e+02, v7;
	v49 =	vshra.s32 v8, $0x1;
	v3 =	vsub.f32 $1.500000000e+00, v3  }
0x119: {  	v8 =	vmul.f32 $5.000000000e-01, v8;
	v60 =	vshra.s32 v6, $0x1;
	v59 =	vmul.f32 v53, v59  }
0x11a: {  	v6 =	vmul.f32 $5.000000000e-01, v6;
	v56 =	vshra.s32 v4, $0x1;
	v50 =	vmul.f32 v3, v38  }
0x11b: {  	v4 =	vmul.f32 $5.000000000e-01, v4;
	v55 =	vsub.s32 $0x5F3759DF, v60;
	v59 =	vsub.f32 $1.500000000e+00, v59  }
0x11c: {  	v57 =	vshra.s32 v7, $0x1;
	v60 =	vmul.f32 v55, v6;
	v62 =	vmul.f32 $2.000000000e+01, v50  }
0x11d: {  	v53 =	vmul.f32 v53, v59;
	v3 =	vmul.f32 $5.000000000e-01, v7;
	v7 =	vsub.s32 $0x5F3759DF, v61  }
0x11e: {  	v49 =	vsub.s32 $0x5F3759DF, v49;
	v58 =	vmul.f32 v7, v42;
	v52 =	vmul.f32 v62, v54  }
0x11f: {  	v57 =	vsub.s32 $0x5F3759DF, v57;
	v60 =	vmul.f32 v55, v60;
	v61 =	vmul.f32 v49, v8  }
0x120: {  	v5 =	vmul.f32 v53, v5;
	v58 =	vmul.f32 v7, v58;
	v52 =	vadd.f32 $5.000000000e+02, v52  }
0x121: {  	v56 =	vsub.s32 $0x5F3759DF, v56;
	v38 =	vmul.f32 v49, v61;
	v63 =	vmul.f32 v57, v3  }
0x122: {  	v61 =	vld [tilespmem:s16+$0xFFFFFFC0];
	v5 =	vmul.f32 v5, v53;
	v58 =	vsub.f32 $1.500000000e+00, v58;
	v52 =	vmax.f32 v52, $3.800000000e+02  }
0x123: {  	v54 =	vmul.f32 v51, v2;
	v38 =	vsub.f32 $1.500000000e+00, v38;
	v52 =	vmin.f32 v52, $6.553500000e+04  }
0x124: {  	v62 =	vmul.f32 v56, v4;
	v58 =	vmul.f32 v7, v58;
	v7 =	vadd.f32 $-3.800000000e+02, v52  }
0x125: {  	v63 =	vmul.f32 v57, v63;
	v38 =	vmul.f32 v49, v38  }
0x126: {  	v60 =	vsub.f32 $1.500000000e+00, v60;
	v54 =	vmul.f32 v51, v54;
	v7 =	vmul.f32 $4.604251380e-01, v7  }
0x127: {  	v49 =	vld [tilespmem:s16+$0xFFFFFFD0];
	v62 =	vmul.f32 v56, v62;
	v63 =	vsub.f32 $1.500000000e+00, v63;
	v61 =	vmul.f32 $2.000000000e+03, v61  }
0x128: {  	v54 =	vsub.f32 $1.500000000e+00, v54;
	v8 =	vmul.f32 v38, v8;
	v7 =	vtrunc.f32 v7  }
0x129: {  	v62 =	vsub.f32 $1.500000000e+00, v62;
	v42 =	vmul.f32 v58, v42;
	v7 =	vcvt.f32.s32 v7  }
0x12a: {  	v36 =	vadd.s32 $0x1, v36;
	v51 =	vmul.f32 v51, v54;
	v54 =	vmul.f32 v55, v60  }
0x12b: {  	v55 =	vmul.f32 v56, v62;
	v56 =	vmul.f32 v57, v63;
	v7 =	vadd.s32 $0x1, v7  }
0x12c: {  	v49 =	vmul.f32 $2.000000000e+03, v49;
	v2 =	vmul.f32 v51, v2;
	vm11 =	vgt.s32 v7, $0x1  }
0x12d: {  	v6 =	vmul.f32 v54, v6;
	v3 =	vmul.f32 v56, v3;
	v7 =	vnsel vm11, $0x1, v7  }
0x12e: {  	v2 =	vmul.f32 v2, v51;
	v57 =	vmin.u32 v7, $0x752F;
	v7 =	vmul.f32 v8, v38  }
0x12f: {  	v37 =	vadd.s32 $0x1, v37;
	v60 =	vld [tilespmem:s16+$0xFFFFFFE0];
	v6 =	vmul.f32 v6, v54;
	v8 =	vmul.f32 v42, v58  }
0x130: {  	v33 =	vld.idx.msk [tilespmem:v33+s18+$0x0], $0xffff;
	v4 =	vmul.f32 v55, v4;
	v2 =	vsub.f32 $1.500000000e+00, v2;
	v7 =	vsub.f32 $1.500000000e+00, v7  }
0x131: {  	v3 =	vmul.f32 v3, v56;
	v6 =	vsub.f32 $1.500000000e+00, v6;
	v42 =	vld.idx.msk [tilespmem:v10+s4+$0x0], $0xffff;
	v8 =	vsub.f32 $1.500000000e+00, v8  }
0x132: {  	v0 =	vmul.f32 v7, v38;
	v38 =	vsub.f32 $1.500000000e+00, v5;
	v5 =	vmul.f32 v2, v51;
	v51 =	vld [tilespmem:s16+$0xFFFFFFF0]  }
0x133: {  	vm12 =	vgt.s32 v37, $0x1;
	v4 =	vmul.f32 v4, v55;
	v9 =	vmul.f32 v8, v58;
	v58 =	vld [tilespmem:s16+$0x20]  }
0x134: {  	v60 =	vmul.f32 $2.000000000e+03, v60;
	v2 =	vsub.f32 $1.500000000e+00, v3;
	v3 =	vmul.f32 v6, v54;
	v59 =	vld.idx.msk [tilespmem:v57+s17+$0x0], $0xffff  }
0x135: {  	v63 =	vsub.f32 $1.500000000e+00, v4;
	v4 =	vmul.f32 v38, v53;
	v53 =	vld [tilespmem:s16+$0x0];
	v54 =	vmul.f32 $2.000000000e+01, v0  }
0x136: {  	v37 =	vnsel vm12, $0x1, v37;
	v38 =	vld.idx.msk [tilespmem:v57+s4+$0x0], $0xffff;
	v7 =	vmovc v0;
	v0 =	vmul.f32 v2, v56;
	v56 =	vmul.f32 $2.000000000e+01, v9  }
0x137: {  	v1 =	vmul.f32 v63, v55;
	v55 =	vadd.f32 v32, v42;
	v42 =	vld [tilespmem:s16+$0x10];
	v8 =	vmovc v9;
	[tilespmem:$0x1FF40] =	vst v5;
	v9 =	vmul.f32 $2.000000000e+01, v3  }
0x138: {  	v33 =	vadd.f32 v34, v33;
	[tilespmem:$0x1FF50] =	vst v4;
	v62 =	vmul.f32 $2.000000000e+01, v4;
	v49 =	vmul.f32 v56, v49  }
0x139: {  	v34 =	vmin.u32 v37, $0x752F;
	v63 =	vld.idx.msk [tilespmem:v43+s4+$0x0], $0xffff;
	[tilespmem:$0x1FF60] =	vst v3;
	v37 =	vmul.f32 $2.000000000e+03, v51;
	v32 =	vmul.f32 v52, v59  }
0x13a: {  	vm13 =	vgt.s32 v36, $0x1;
	[tilespmem:$0x1FF70] =	vst v1;
	v59 =	vmul.f32 $2.000000000e+01, v5;
	v51 =	vmul.f32 $2.000000000e+03, v53  }
0x13b: {  	[tilespmem:$0x1FF80] =	vst v0;
	v37 =	vmul.f32 v62, v37;
	v32 =	vadd.f32 v32, v38;
	v38 =	vmul.f32 $2.000000000e+01, v1  }
0x13c: {  	s0 =	simm.s32 $0x1DF40;
	v36 =	vnsel vm13, $0x1, v36;
	v56 =	vld.idx.msk [tilespmem:v39+s4+$0x0], $0xffff;
	v1 =	vmul.f32 $2.000000000e+01, v0;
	v60 =	vmul.f32 v59, v60  }
0x13d: {  	v9 =	vmul.f32 v9, v51;
	v59 =	vadd.f32 $5.000000000e+02, v37;
	[tilespmem:s0+$0x30] =	vst v32;
	v32 =	vmin.u32 v36, $0x752F  }
0x13e: {  	v36 =	vmul.f32 $2.000000000e+03, v42;
	v42 =	vmul.f32 v54, v61;
	v61 =	vadd.f32 $9.999999930e-09, v33  }
0x13f: {  	v33 =	vmul.f32 $2.000000000e+03, v58;
	v54 =	vadd.f32 v35, v63;
	v58 =	vadd.f32 $5.000000000e+02, v49;
	v53 =	vld.idx.msk [tilespmem:v57+s19+$0x0], $0xffff  }
0x140: {  	v35 =	vadd.f32 $5.000000000e+02, v60;
	v63 =	vld.idx.msk [tilespmem:v57+s18+$0x0], $0xffff;
	v9 =	vadd.f32 $5.000000000e+02, v9  }
0x141: {  	v46 =	vadd.f32 v46, v56;
	v42 =	vadd.f32 $5.000000000e+02, v42;
	v49 =	vmul.f32 v1, v33;
	v1 =	vld.idx.msk [tilespmem:v34+s17+$0x0], $0xffff  }
0x142: {  	v51 =	vmul.f32 v38, v36;
	v36 =	vmax.f32 v58, $3.800000000e+02;
	v35 =	vmax.f32 v35, $3.800000000e+02  }
0x143: {  	[tilespmem:s5+$0x20] =	vst v55;
	v55 =	vld.idx.msk [tilespmem:v34+s4+$0x0], $0xffff;
	v33 =	vmax.f32 v59, $3.800000000e+02;
	v9 =	vmax.f32 v9, $3.800000000e+02;
	v38 =	vmin.f32 v36, $6.553500000e+04  }
0x144: {  	v36 =	vmin.f32 v35, $6.553500000e+04;
	v37 =	vmin.f32 v33, $6.553500000e+04;
	v60 =	vmul.f32 v52, v53;
	v53 =	vld.idx.msk [tilespmem:v44+s4+$0x0], $0xffff  }
0x145: {  	v62 =	vmax.f32 v42, $3.800000000e+02;
	v58 =	vadd.f32 $-3.800000000e+02, v38;
	v59 =	vadd.f32 $-3.800000000e+02, v36  }
0x146: {  	v42 =	vmin.f32 v62, $6.553500000e+04;
	v1 =	vmul.f32 v27, v1;
	v52 =	vadd.f32 v60, v63  }
0x147: {  	[tilespmem:s14+$0xFFFFFFE0] =	vst v46;
	v35 =	vmin.f32 v9, $6.553500000e+04;
	v57 =	vadd.f32 $-3.800000000e+02, v42;
	v60 =	vadd.f32 $-3.800000000e+02, v37  }
0x148: {  	v58 =	vmul.f32 $4.604251380e-01, v58;
	v1 =	vadd.f32 v1, v55;
	v55 =	vld.idx.msk [tilespmem:v39+s19+$0x0], $0xffff;
	v9 =	vadd.f32 $9.999999930e-09, v52  }
0x149: {  	v52 =	vld.idx.msk [tilespmem:v41+s4+$0x0], $0xffff;
	v48 =	vadd.f32 v48, v53;
	v53 =	vmul.f32 $4.604251380e-01, v59;
	v59 =	vmul.f32 $4.604251380e-01, v60  }
0x14a: {  	v33 =	vmul.f32 v9, v50;
	v50 =	vmul.f32 $4.604251380e-01, v57;
	v57 =	vadd.f32 $-3.800000000e+02, v35  }
0x14b: {  	v62 =	vadd.f32 $5.000000000e+02, v51;
	v53 =	vtrunc.f32 v53;
	v51 =	vtrunc.f32 v59  }
0x14c: {  	s23 =	simm.s32 $0x1DBC0;
	v9 =	vld.idx.msk [tilespmem:v40+s4+$0x0], $0xffff;
	v63 =	vmul.f32 $4.604251380e-01, v57;
	v50 =	vtrunc.f32 v50  }
0x14d: {  	[tilespmem:s14+$0xFFFFFFC0] =	vst v54;
	v57 =	vld [tilespmem:s23+$0x30];
	v51 =	vcvt.f32.s32 v51;
	v28 =	vmul.f32 v28, v55  }
0x14e: {  	v56 =	vld.idx.msk [tilespmem:v43+s19+$0x0], $0xffff;
	v47 =	vadd.f32 v47, v52;
	v52 =	vtrunc.f32 v58;
	v54 =	vtrunc.f32 v63  }
0x14f: {  	v43 =	vld.idx.msk [tilespmem:v43+s18+$0x0], $0xffff;
	[tilespmem:s14+$0xFFFFFFD0] =	vst v48;
	v63 =	vcvt.f32.s32 v50;
	v59 =	vcvt.f32.s32 v52  }
0x150: {  	v58 =	vld.idx.msk [tilespmem:v44+s19+$0x0], $0xffff;
	v52 =	vmax.f32 v62, $3.800000000e+02;
	v62 =	vcvt.f32.s32 v53;
	v50 =	vadd.s32 $0x1, v51  }
0x151: {  	v39 =	vld.idx.msk [tilespmem:v39+s18+$0x0], $0xffff;
	[tilespmem:s14+$0x10] =	vst v1;
	v9 =	vadd.f32 v45, v9;
	v45 =	vadd.s32 $0x1, v63;
	v63 =	vcvt.f32.s32 v54  }
0x152: {  	v1 =	vld.idx.msk [tilespmem:v34+s19+$0x0], $0xffff;
	v54 =	vadd.s32 $0x1, v59;
	v48 =	vadd.s32 $0x1, v62;
	v62 =	vmul.f32 $2.000000000e+03, v57  }
0x153: {  	v44 =	vld.idx.msk [tilespmem:v44+s18+$0x0], $0xffff;
	[tilespmem:s14+$0xFFFFFFF0] =	vst v47;
	vm14 =	vgt.s32 v45, $0x1;
	vm15 =	vgt.s32 v54, $0x1;
	vm2 =	vgt.s32 v48, $0x1  }
0x154: {  	v60 =	vld.idx.msk [tilespmem:v10+s19+$0x0], $0xffff;
	[tilespmem:s14+$0x0] =	vst v9;
	v9 =	vadd.s32 $0x1, v63;
	v45 =	vnsel vm14, $0x1, v45;
	v46 =	vadd.f32 $-5.000000000e+02, v62  }
0x155: {  	v59 =	vld.idx.msk [tilespmem:v41+s19+$0x0], $0xffff;
	v53 =	vnsel vm15, $0x1, v54;
	v30 =	vmul.f32 v30, v58;
	vm4 =	vgt.s32 v9, $0x1  }
0x156: {  	v63 =	vld.idx.msk [tilespmem:v40+s19+$0x0], $0xffff;
	v51 =	vnsel vm4, $0x1, v9;
	v9 =	vmul.f32 v31, v56;
	v31 =	vmax.f32 v46, $0.0e+00  }
0x157: {  	v54 =	vnsel vm2, $0x1, v48;
	v48 =	vmul.f32 v27, v1;
	v31 =	vmul.f32 $6.000000000e+02, v31  }
0x158: {  	v41 =	vld.idx.msk [tilespmem:v41+s18+$0x0], $0xffff;
	v47 =	vmin.u32 v45, $0x752F;
	v27 =	vadd.f32 v30, v44;
	v44 =	vmul.f32 v61, v11  }
0x159: {  	v40 =	vld.idx.msk [tilespmem:v40+s18+$0x0], $0xffff;
	v46 =	vmul.f32 v12, v60;
	v12 =	vadd.f32 v28, v39;
	v1 =	vadd.f32 $4.000000000e+02, v31  }
0x15a: {  	v29 =	vmul.f32 v29, v59;
	v28 =	vld [tilespmem:s23+$0xFFFFFFC0];
	v9 =	vadd.f32 v9, v43;
	v27 =	vadd.f32 $9.999999930e-09, v27  }
0x15b: {  	v30 =	vld [tilespmem:s23+$0xFFFFFFD0];
	v26 =	vmul.f32 v26, v63;
	v31 =	vshra.s32 v1, $0x1;
	v1 =	vmul.f32 $5.000000000e-01, v1  }
0x15c: {  	v12 =	vadd.f32 $9.999999930e-09, v12;
	v9 =	vadd.f32 $9.999999930e-09, v9;
	v31 =	vsub.s32 $0x5F3759DF, v31  }
0x15d: {  	v60 =	vld [tilespmem:s23+$0xFFFFFFE0];
	v29 =	vadd.f32 v29, v41;
	v39 =	vmul.f32 v27, v20;
	v62 =	vmul.f32 v31, v1  }
0x15e: {  	v11 =	vadd.f32 v26, v40;
	v26 =	vld [tilespmem:s23+$0xFFFFFFF0];
	v43 =	vmul.f32 v12, v19;
	v45 =	vmul.f32 v9, v18  }
0x15f: {  	v19 =	vld [tilespmem:s23+$0x20];
	v18 =	vadd.f32 $9.999999930e-09, v29;
	v20 =	vmul.f32 $2.000000000e+03, v28;
	v28 =	vmul.f32 v31, v62  }
0x160: {  	v12 =	vmul.f32 $2.000000000e+03, v30;
	v9 =	vld [tilespmem:s23+$0x0]  }
0x161: {  	v11 =	vadd.f32 $9.999999930e-09, v11;
	v41 =	vmul.f32 v18, v14;
	v18 =	vsub.f32 $1.500000000e+00, v28  }
0x162: {  	v54 =	vmin.u32 v54, $0x752F;
	v14 =	vmul.f32 $2.000000000e+03, v60;
	v20 =	vadd.f32 $-5.000000000e+02, v20  }
0x163: {  	v27 =	vld [tilespmem:s23+$0x10];
	v40 =	vmul.f32 v11, v17;
	v11 =	vadd.f32 $-5.000000000e+02, v12;
	v17 =	vmul.f32 v31, v18  }
0x164: {  	v12 =	vmul.f32 $2.000000000e+03, v26;
	v14 =	vadd.f32 $-5.000000000e+02, v14;
	v19 =	vmul.f32 $2.000000000e+03, v19  }
0x165: {  	v9 =	vmul.f32 $2.000000000e+03, v9;
	v11 =	vmax.f32 v11, $0.0e+00;
	v1 =	vmul.f32 v17, v1  }
0x166: {  	s8 =	simm.s32 $0x1D7C0;
	v12 =	vadd.f32 $-5.000000000e+02, v12;
	v14 =	vmax.f32 v14, $0.0e+00;
	v19 =	vadd.f32 $-5.000000000e+02, v19  }
0x167: {  	v26 =	vld [tilespmem:s8+$0x30];
	v11 =	vmul.f32 $6.000000000e+02, v11;
	v9 =	vadd.f32 $-5.000000000e+02, v9;
	v1 =	vmul.f32 v1, v17  }
0x168: {  	v18 =	vmax.f32 v20, $0.0e+00;
	v20 =	vmul.f32 $2.000000000e+03, v27;
	v12 =	vmax.f32 v12, $0.0e+00  }
0x169: {  	v27 =	vmul.f32 $6.000000000e+02, v14;
	v9 =	vmax.f32 v9, $0.0e+00;
	v1 =	vsub.f32 $1.500000000e+00, v1  }
0x16a: {  	v18 =	vmul.f32 $6.000000000e+02, v18;
	v12 =	vmul.f32 $6.000000000e+02, v12;
	v20 =	vadd.f32 $-5.000000000e+02, v20  }
0x16b: {  	v19 =	vmax.f32 v19, $0.0e+00;
	v9 =	vmul.f32 $6.000000000e+02, v9;
	v22 =	vmul.f32 v1, v17  }
0x16c: {  	v26 =	vmul.f32 $2.000000000e+03, v26;
	v12 =	vadd.f32 $4.000000000e+02, v12;
	v20 =	vmax.f32 v20, $0.0e+00  }
0x16d: {  	v9 =	vadd.f32 $4.000000000e+02, v9;
	v1 =	vmul.f32 $6.000000000e+02, v20;
	v20 =	vmul.f32 $2.000000000e+01, v22  }
0x16e: {  	v11 =	vadd.f32 $4.000000000e+02, v11;
	v18 =	vadd.f32 $4.000000000e+02, v18;
	v29 =	vshra.s32 v12, $0x1  }
0x16f: {  	v12 =	vmul.f32 $5.000000000e-01, v12;
	v30 =	vshra.s32 v9, $0x1;
	v20 =	vmul.f32 v20, v26  }
0x170: {  	v9 =	vmul.f32 $5.000000000e-01, v9;
	v29 =	vsub.s32 $0x5F3759DF, v29;
	v17 =	vmul.f32 $6.000000000e+02, v19  }
0x171: {  	v19 =	vadd.f32 $4.000000000e+02, v27;
	v27 =	vshra.s32 v18, $0x1;
	v20 =	vadd.f32 $5.000000000e+02, v20  }
0x172: {  	v18 =	vmul.f32 $5.000000000e-01, v18;
	v27 =	vsub.s32 $0x5F3759DF, v27;
	v1 =	vadd.f32 $4.000000000e+02, v1  }
0x173: {  	v17 =	vadd.f32 $4.000000000e+02, v17;
	v28 =	vshra.s32 v19, $0x1;
	v20 =	vmax.f32 v20, $3.800000000e+02  }
0x174: {  	v19 =	vmul.f32 $5.000000000e-01, v19;
	v61 =	vmul.f32 v27, v18;
	v20 =	vmin.f32 v20, $6.553500000e+04  }
0x175: {  	v28 =	vsub.s32 $0x5F3759DF, v28;
	v26 =	vshra.s32 v11, $0x1;
	v60 =	vadd.f32 $-3.800000000e+02, v20  }
0x176: {  	v11 =	vmul.f32 $5.000000000e-01, v11;
	v31 =	vshra.s32 v1, $0x1;
	v1 =	vmul.f32 $5.000000000e-01, v1  }
0x177: {  	v63 =	vshra.s32 v17, $0x1;
	v17 =	vmul.f32 $5.000000000e-01, v17;
	v56 =	vmul.f32 $4.604251380e-01, v60  }
0x178: {  	v57 =	vmul.f32 v27, v61;
	v59 =	vmul.f32 v28, v19;
	v26 =	vsub.s32 $0x5F3759DF, v26  }
0x179: {  	v30 =	vsub.s32 $0x5F3759DF, v30;
	v62 =	vmul.f32 v26, v11;
	v56 =	vtrunc.f32 v56  }
0x17a: {  	v61 =	vmul.f32 v30, v9;
	v57 =	vsub.f32 $1.500000000e+00, v57;
	v56 =	vcvt.f32.s32 v56  }
0x17b: {  	v31 =	vsub.s32 $0x5F3759DF, v31;
	v59 =	vmul.f32 v28, v59;
	v58 =	vmul.f32 v26, v62  }
0x17c: {  	v27 =	vmul.f32 v27, v57;
	v57 =	vmul.f32 v31, v1;
	v56 =	vadd.s32 $0x1, v56  }
0x17d: {  	v61 =	vmul.f32 v30, v61;
	v59 =	vsub.f32 $1.500000000e+00, v59;
	vm6 =	vgt.s32 v56, $0x1  }
0x17e: {  	v58 =	vsub.f32 $1.500000000e+00, v58;
	v57 =	vmul.f32 v31, v57;
	v56 =	vnsel vm6, $0x1, v56  }
0x17f: {  	v28 =	vmul.f32 v28, v59;
	v60 =	vmul.f32 v29, v12;
	v56 =	vmin.u32 v56, $0x752F  }
0x180: {  	v55 =	vsub.s32 $0x5F3759DF, v63;
	v18 =	vmul.f32 v27, v18;
	v26 =	vmul.f32 v26, v58  }
0x181: {  	v51 =	vmin.u32 v51, $0x752F;
	v58 =	vmul.f32 v55, v17;
	v60 =	vmul.f32 v29, v60  }
0x182: {  	v57 =	vsub.f32 $1.500000000e+00, v57;
	v18 =	vmul.f32 v18, v27;
	v11 =	vmul.f32 v26, v11  }
0x183: {  	v19 =	vmul.f32 v28, v19;
	v58 =	vmul.f32 v55, v58;
	v60 =	vsub.f32 $1.500000000e+00, v60  }
0x184: {  	v61 =	vsub.f32 $1.500000000e+00, v61;
	v31 =	vmul.f32 v31, v57;
	v11 =	vmul.f32 v11, v26;
	v57 =	vld.idx.msk [tilespmem:v56+s17+$0x0], $0xffff  }
0x185: {  	v19 =	vmul.f32 v19, v28;
	v59 =	vmul.f32 v29, v60;
	v29 =	vsub.f32 $1.500000000e+00, v58  }
0x186: {  	v18 =	vsub.f32 $1.500000000e+00, v18;
	v60 =	vmul.f32 v30, v61;
	v11 =	vsub.f32 $1.500000000e+00, v11;
	v61 =	vld.idx.msk [tilespmem:v56+s4+$0x0], $0xffff  }
0x187: {  	v13 =	vld [tilespmem:s8+$0xFFFFFFD0];
	v19 =	vsub.f32 $1.500000000e+00, v19;
	v55 =	vmul.f32 v55, v29  }
0x188: {  	v0 =	vmovc v10;
	v10 =	vld [tilespmem:s8+$0xFFFFFFC0];
	v52 =	vmin.f32 v52, $6.553500000e+04;
	v29 =	vmul.f32 v18, v27;
	v30 =	vmul.f32 v11, v26  }
0x189: {  	v15 =	vld.idx.msk [tilespmem:v54+s4+$0x0], $0xffff;
	v27 =	vmul.f32 v19, v28;
	v19 =	vadd.f32 $-3.800000000e+02, v52;
	v11 =	vmul.f32 v20, v57  }
0x18a: {  	vm3 =	vgt.s32 v50, $0x1;
	v16 =	vld.idx.msk [tilespmem:v51+s17+$0x0], $0xffff;
	v12 =	vmul.f32 v59, v12  }
0x18b: {  	v53 =	vmin.u32 v53, $0x752F;
	v63 =	vld.idx.msk [tilespmem:v47+s17+$0x0], $0xffff;
	v19 =	vmul.f32 $4.604251380e-01, v19;
	v11 =	vadd.f32 v11, v61  }
0x18c: {  	s10 =	simm.s32 $0x1DFC0;
	v49 =	vadd.f32 $5.000000000e+02, v49;
	v50 =	vnsel vm3, $0x1, v50;
	v62 =	vld.idx.msk [tilespmem:v32+s4+$0x0], $0xffff;
	v12 =	vmul.f32 v12, v59  }
0x18d: {  	v50 =	vmin.u32 v50, $0x752F;
	v1 =	vmul.f32 v31, v1;
	v58 =	vld.idx.msk [tilespmem:v32+s17+$0x0], $0xffff;
	v19 =	vtrunc.f32 v19;
	[tilespmem:s10+$0x30] =	vst v11  }
0x18e: {  	v10 =	vmul.f32 $2.000000000e+03, v10;
	v12 =	vsub.f32 $1.500000000e+00, v12;
	v14 =	vcvt.f32.s32 v19;
	v19 =	vld.idx.msk [tilespmem:v56+s19+$0x0], $0xffff  }
0x18f: {  	v1 =	vmul.f32 v1, v31;
	v9 =	vmul.f32 v60, v9;
	v2 =	vld [tilespmem:$0x1FF90]  }
0x190: {  	v18 =	vld.idx.msk [tilespmem:v53+s17+$0x0], $0xffff;
	v28 =	vmul.f32 v12, v59;
	v12 =	vmax.f32 v49, $3.800000000e+02;
	v49 =	vmul.f32 $2.000000000e+01, v29  }
0x191: {  	v13 =	vmul.f32 $2.000000000e+03, v13;
	v1 =	vsub.f32 $1.500000000e+00, v1;
	v59 =	vld.idx.msk [tilespmem:v47+s4+$0x0], $0xffff;
	v14 =	vadd.s32 $0x1, v14  }
0x192: {  	v9 =	vmul.f32 v9, v60;
	v10 =	vmul.f32 v49, v10;
	vm7 =	vgt.s32 v14, $0x1;
	v61 =	vld.idx.msk [tilespmem:v50+s17+$0x0], $0xffff  }
0x193: {  	v14 =	vnsel vm7, $0x1, v14;
	v11 =	vmul.f32 v1, v31;
	v1 =	vmul.f32 $2.000000000e+01, v30;
	v56 =	vld.idx.msk [tilespmem:v56+s18+$0x0], $0xffff  }
0x194: {  	v49 =	vmin.u32 v14, $0x752F;
	v19 =	vmul.f32 v20, v19;
	v20 =	vmul.f32 v2, v58;
	v58 =	vld.idx.msk [tilespmem:v50+s4+$0x0], $0xffff  }
0x195: {  	v14 =	vmul.f32 v42, v63;
	v21 =	vmul.f32 v1, v13;
	v13 =	vld [tilespmem:s8+$0xFFFFFFF0]  }
0x196: {  	v9 =	vsub.f32 $1.500000000e+00, v9;
	v20 =	vadd.f32 v20, v62;
	v62 =	vld.idx.msk [tilespmem:v51+s4+$0x0], $0xffff  }
0x197: {  	v17 =	vmul.f32 v55, v17;
	v57 =	vld.idx.msk [tilespmem:v54+s17+$0x0], $0xffff;
	v14 =	vadd.f32 v14, v59;
	v59 =	vmul.f32 v37, v61  }
0x198: {  	v26 =	vmul.f32 v9, v60;
	v60 =	vld.idx.msk [tilespmem:v53+s4+$0x0], $0xffff  }
0x199: {  	v16 =	vmul.f32 v35, v16;
	v17 =	vmul.f32 v17, v55;
	v58 =	vadd.f32 v59, v58;
	v59 =	vld.idx.msk [tilespmem:v49+s17+$0x0], $0xffff  }
0x19a: {  	v18 =	vmul.f32 v38, v18;
	v63 =	vmul.f32 $2.000000000e+01, v28  }
0x19b: {  	[tilespmem:s0+$0xFFFFFFC0] =	vst v14;
	v13 =	vmul.f32 $2.000000000e+03, v13;
	v14 =	vadd.f32 v19, v56;
	v19 =	vld.idx.msk [tilespmem:v49+s4+$0x0], $0xffff;
	v16 =	vadd.f32 v16, v62  }
0x19c: {  	v17 =	vsub.f32 $1.500000000e+00, v17;
	v12 =	vmin.f32 v12, $6.553500000e+04;
	v57 =	vmul.f32 v36, v57;
	[tilespmem:s0+$0xFFFFFFF0] =	vst v58  }
0x19d: {  	v9 =	vadd.f32 $-3.800000000e+02, v12;
	v18 =	vadd.f32 v18, v60;
	v13 =	vmul.f32 v63, v13;
	[tilespmem:s0+$0x0] =	vst v16;
	v16 =	vld.idx.msk [tilespmem:v50+s19+$0x0], $0xffff  }
0x19e: {  	v31 =	vmul.f32 v17, v55;
	v55 =	vld [tilespmem:s8+$0x0];
	v15 =	vadd.f32 v57, v15;
	v59 =	vmul.f32 v52, v59  }
0x19f: {  	v9 =	vmul.f32 $4.604251380e-01, v9;
	v60 =	vld [tilespmem:s8+$0x10];
	[tilespmem:s14+$0x20] =	vst v20;
	v20 =	vadd.f32 $5.000000000e+02, v21;
	v13 =	vadd.f32 $5.000000000e+02, v13  }
0x1a0: {  	v17 =	vld [tilespmem:s8+$0xFFFFFFE0];
	[tilespmem:s0+$0xFFFFFFD0] =	vst v18;
	v19 =	vadd.f32 v59, v19  }
0x1a1: {  	v9 =	vtrunc.f32 v9;
	v57 =	vld [tilespmem:s8+$0x20];
	[tilespmem:s0+$0xFFFFFFE0] =	vst v15;
	v20 =	vmax.f32 v20, $3.800000000e+02;
	v13 =	vmax.f32 v13, $3.800000000e+02  }
0x1a2: {  	[tilespmem:s0+$0x10] =	vst v19;
	v19 =	vmin.f32 v20, $6.553500000e+04;
	v20 =	vmin.f32 v13, $6.553500000e+04;
	v13 =	vmul.f32 v37, v16;
	v37 =	vld.idx.msk [tilespmem:v0+s18+$0x0], $0xffff  }
0x1a3: {  	v1 =	vmul.f32 $2.000000000e+01, v26;
	v55 =	vmul.f32 $2.000000000e+03, v55;
	v0 =	vld [tilespmem:$0x1FFA0]  }
0x1a4: {  	v9 =	vcvt.f32.s32 v9;
	v61 =	vmul.f32 $2.000000000e+01, v27  }
0x1a5: {  	v17 =	vmul.f32 $2.000000000e+03, v17;
	v1 =	vmul.f32 v1, v55  }
0x1a6: {  	v55 =	vmul.f32 $2.000000000e+03, v60;
	v60 =	vmul.f32 $2.000000000e+01, v11  }
0x1a7: {  	s31 =	simm.s32 $0x1E240;
	v9 =	vadd.s32 $0x1, v9;
	v17 =	vmul.f32 v61, v17;
	v61 =	vmul.f32 $2.000000000e+01, v31;
	v56 =	vld.idx.msk [tilespmem:v47+s19+$0x0], $0xffff  }
0x1a8: {  	vm8 =	vgt.s32 v9, $0x1;
	v57 =	vmul.f32 $2.000000000e+03, v57;
	v47 =	vld.idx.msk [tilespmem:v47+s18+$0x0], $0xffff;
	v60 =	vmul.f32 v60, v55;
	[tilespmem:s31+$0x30] =	vst v0  }
0x1a9: {  	v9 =	vnsel vm8, $0x1, v9;
	v17 =	vadd.f32 $5.000000000e+02, v17;
	v14 =	vadd.f32 $9.999999930e-09, v14;
	v0 =	vld [tilespmem:$0x1FFB0]  }
0x1aa: {  	v1 =	vadd.f32 $5.000000000e+02, v1;
	v18 =	vmul.f32 v61, v57;
	v21 =	vld.idx.msk [tilespmem:v54+s19+$0x0], $0xffff;
	v63 =	vadd.f32 $5.000000000e+02, v60  }
0x1ab: {  	v55 =	vmul.f32 v14, v22;
	v14 =	vmin.u32 v9, $0x752F;
	v9 =	vadd.f32 $5.000000000e+02, v10;
	v10 =	vld.idx.msk [tilespmem:v53+s19+$0x0], $0xffff  }
0x1ac: {  	v17 =	vmax.f32 v17, $3.800000000e+02;
	v1 =	vmax.f32 v1, $3.800000000e+02;
	v22 =	vld.idx.msk [tilespmem:v32+s19+$0x0], $0xffff;
	v18 =	vadd.f32 $5.000000000e+02, v18  }
0x1ad: {  	s14 =	simm.s32 $0x1E2C0;
	v17 =	vmin.f32 v17, $6.553500000e+04;
	v53 =	vld.idx.msk [tilespmem:v53+s18+$0x0], $0xffff;
	v15 =	vmul.f32 v42, v56;
	v9 =	vmax.f32 v9, $3.800000000e+02  }
0x1ae: {  	v42 =	vmax.f32 v63, $3.800000000e+02;
	v61 =	vmax.f32 v18, $3.800000000e+02;
	v18 =	vmin.f32 v9, $6.553500000e+04;
	v60 =	vld.idx.msk [tilespmem:v51+s19+$0x0], $0xffff;
	[tilespmem:s14+$0x30] =	vst v0  }
0x1af: {  	v42 =	vmin.f32 v42, $6.553500000e+04;
	v9 =	vmul.f32 v36, v21;
	v21 =	vadd.f32 $-3.800000000e+02, v18;
	v0 =	vld [tilespmem:$0x1FFC0]  }
0x1b0: {  	v47 =	vadd.f32 v15, v47;
	v10 =	vmul.f32 v38, v10;
	v38 =	vmin.f32 v1, $6.553500000e+04;
	v1 =	vld.idx.msk [tilespmem:v34+s18+$0x0], $0xffff  }
0x1b1: {  	v34 =	vmin.f32 v61, $6.553500000e+04;
	v21 =	vmul.f32 $4.604251380e-01, v21;
	v59 =	vadd.f32 $-3.800000000e+02, v38  }
0x1b2: {  	v57 =	vmul.f32 v2, v22;
	v61 =	vadd.f32 $-3.800000000e+02, v34;
	v15 =	vadd.f32 v10, v53  }
0x1b3: {  	v16 =	vld.idx.msk [tilespmem:v14+s17+$0x0], $0xffff;
	v59 =	vmul.f32 $4.604251380e-01, v59;
	v21 =	vtrunc.f32 v21;
	v63 =	vadd.f32 $-3.800000000e+02, v19  }
0x1b4: {  	v62 =	vld.idx.msk [tilespmem:v49+s19+$0x0], $0xffff;
	v36 =	vmul.f32 v35, v60;
	v60 =	vadd.f32 $-3.800000000e+02, v17;
	v58 =	vadd.f32 $-3.800000000e+02, v20;
	[tilespmem:s31+$0xFFFFFFC0] =	vst v0  }
0x1b5: {  	v21 =	vcvt.f32.s32 v21;
	v1 =	vadd.f32 v48, v1;
	v35 =	vmul.f32 $4.604251380e-01, v63;
	v0 =	vld [tilespmem:$0x1FFD0];
	[tilespmem:s31+$0xFFFFFFE0] =	vst v24  }
0x1b6: {  	v22 =	vld.idx.msk [tilespmem:v14+s4+$0x0], $0xffff;
	v56 =	vmul.f32 $4.604251380e-01, v60;
	v60 =	vadd.f32 $-3.800000000e+02, v42;
	v58 =	vmul.f32 $4.604251380e-01, v58;
	[tilespmem:s31+$0xFFFFFFF0] =	vst v23  }
0x1b7: {  	s15 =	simm.s32 $0x1E340;
	v48 =	vld.idx.msk [tilespmem:v54+s18+$0x0], $0xffff;
	v63 =	vtrunc.f32 v59;
	v21 =	vadd.s32 $0x1, v21;
	v1 =	vadd.f32 $9.999999930e-09, v1;
	[tilespmem:s31+$0x0] =	vst v25  }
0x1b8: {  	vm9 =	vgt.s32 v21, $0x1;
	v54 =	vmul.f32 $4.604251380e-01, v60;
	v16 =	vmul.f32 v12, v16;
	[tilespmem:s15+$0x30] =	vst v33  }
0x1b9: {  	v37 =	vadd.f32 v46, v37;
	v46 =	vmul.f32 $4.604251380e-01, v61;
	v61 =	vtrunc.f32 v56;
	[tilespmem:s31+$0x10] =	vst v44  }
0x1ba: {  	v21 =	vnsel vm9, $0x1, v21;
	v52 =	vmul.f32 v52, v62;
	v62 =	vtrunc.f32 v58;
	[tilespmem:s14+$0xFFFFFFC0] =	vst v45  }
0x1bb: {  	v60 =	vadd.f32 v16, v22;
	v22 =	vtrunc.f32 v35;
	v10 =	vtrunc.f32 v54;
	[tilespmem:s14+$0xFFFFFFD0] =	vst v39  }
0x1bc: {  	v16 =	vadd.f32 v9, v48;
	v9 =	vtrunc.f32 v46;
	v22 =	vcvt.f32.s32 v22;
	[tilespmem:s14+$0xFFFFFFE0] =	vst v43  }
0x1bd: {  	v35 =	vcvt.f32.s32 v61;
	v56 =	vcvt.f32.s32 v62;
	v46 =	vmin.u32 v21, $0x752F;
	[tilespmem:s14+$0xFFFFFFF0] =	vst v41  }
0x1be: {  	v10 =	vcvt.f32.s32 v10;
	v22 =	vadd.s32 $0x1, v22;
	v24 =	vcvt.f32.s32 v63;
	v25 =	vld.idx.msk [tilespmem:v50+s18+$0x0], $0xffff;
	[tilespmem:s31+$0xFFFFFFD0] =	vst v0  }
0x1bf: {  	v59 =	vadd.s32 $0x1, v56;
	vm10 =	vgt.s32 v22, $0x1;
	v23 =	vadd.s32 $0x1, v35;
	v0 =	vld [tilespmem:$0x1FFE0]  }
0x1c0: {  	v22 =	vnsel vm10, $0x1, v22;
	vm11 =	vgt.s32 v23, $0x1;
	v24 =	vadd.s32 $0x1, v24  }
0x1c1: {  	s16 =	simm.s32 $0x1E3C0;
	v61 =	vld.idx.msk [tilespmem:v51+s18+$0x0], $0xffff;
	v44 =	vmin.u32 v22, $0x752F;
	v21 =	vnsel vm11, $0x1, v23;
	vm13 =	vgt.s32 v24, $0x1;
	[tilespmem:s14+$0x0] =	vst v40  }
0x1c2: {  	v62 =	vld.idx.msk [tilespmem:v32+s18+$0x0], $0xffff;
	vm12 =	vgt.s32 v59, $0x1;
	v35 =	vmin.u32 v21, $0x752F;
	v24 =	vnsel vm13, $0x1, v24;
	[tilespmem:s16+$0x30] =	vst v55  }
0x1c3: {  	v22 =	vnsel vm12, $0x1, v59;
	v23 =	vld.idx.msk [tilespmem:v49+s18+$0x0], $0xffff;
	v21 =	vadd.f32 v13, v25;
	v25 =	vmin.u32 v24, $0x752F;
	[tilespmem:s0+$0x20] =	vst v60  }
0x1c4: {  	v9 =	vcvt.f32.s32 v9;
	v33 =	vmin.u32 v22, $0x752F;
	v63 =	vmul.f32 v1, v0;
	v0 =	vld [tilespmem:$0x1FFF0]  }
0x1c5: {  	v37 =	vadd.f32 $9.999999930e-09, v37;
	v10 =	vadd.s32 $0x1, v10;
	v32 =	vld.idx.msk [tilespmem:v46+s17+$0x0], $0xffff  }
0x1c6: {  	vm14 =	vgt.s32 v10, $0x1;
	v22 =	vadd.f32 v36, v61;
	v36 =	vld.idx.msk [tilespmem:v44+s17+$0x0], $0xffff;
	v1 =	vadd.s32 $0x1, v9  }
0x1c7: {  	v39 =	vadd.f32 $9.999999930e-09, v47;
	v24 =	vld.idx.msk [tilespmem:v35+s17+$0x0], $0xffff;
	v9 =	vnsel vm14, $0x1, v10;
	vm15 =	vgt.s32 v1, $0x1  }
0x1c8: {  	v13 =	vadd.f32 v52, v23;
	v40 =	vld.idx.msk [tilespmem:v25+s17+$0x0], $0xffff;
	v9 =	vmin.u32 v9, $0x752F;
	v10 =	vnsel vm15, $0x1, v1  }
0x1c9: {  	s5 =	simm.s32 $0x18;
	s23 =	simm.s32 $0x1DC40;
	s0 =	simm.s32 $0x1DFC0;
	[tilespmem:s14+$0x10] =	vst v63;
	v52 =	vmin.u32 v10, $0x752F;
	v10 =	vadd.f32 v57, v62;
	v1 =	vmul.f32 v37, v0;
	v37 =	vld.idx.msk [tilespmem:v33+s17+$0x0], $0xffff  }
.LBB2_3:
0x1ca: {  	v23 =	vld [tilespmem:s23+$0x30]  }
0x1cb: {  	v0 =	vld [tilespmem:$0x1FF30]  }
0x1cc: {  	v2 =	vld [tilespmem:$0x1FF80]  }
0x1cd: {  	v45 =	vld [tilespmem:s23+$0xFFFFFFC0]  }
0x1ce: {  	v60 =	vld [tilespmem:s23+$0xFFFFFFD0];
	v41 =	vadd.f32 $9.999999930e-09, v15  }
0x1cf: {  	v48 =	vld [tilespmem:s23+$0x0]  }
0x1d0: {  	v49 =	vld [tilespmem:s23+$0x10];
	[tilespmem:s31+$0x20] =	vst v1;
	v63 =	vmul.f32 v41, v8;
	v1 =	vmov v0;
	v0 =	vmov v31  }
0x1d1: {  	s31 =	smov.u32 s14;
	s14 =	smov.u32 s15;
	v23 =	vmul.f32 $2.000000000e+03, v23;
	[tilespmem:$0x1FF80] =	vst v0;
	v0 =	vld [tilespmem:$0x1FF40]  }
0x1d2: {  	v43 =	vadd.f32 $9.999999930e-09, v16;
	v15 =	vmov v38;
	v51 =	vld [tilespmem:s23+$0x20];
	v47 =	vmul.f32 v18, v32;
	[tilespmem:s14+$0xFFFFFFD0] =	vst v63  }
0x1d3: {  	v2 =	vmovc v2;
	v31 =	vmul.f32 v17, v24;
	v24 =	vmul.f32 v39, v7;
	v57 =	vld.idx.msk [tilespmem:v44+s4+$0x0], $0xffff;
	v23 =	vadd.f32 $-5.000000000e+02, v23  }
0x1d4: {  	v59 =	vadd.f32 $9.999999930e-09, v21;
	v61 =	vld [tilespmem:s23+$0xFFFFFFE0];
	s8 =	sadd.s32 $0x80, s8;
	v8 =	vmovc v30;
	v36 =	vmul.f32 v19, v36;
	v30 =	vmul.f32 v15, v40;
	[tilespmem:$0x1FF30] =	vst v2  }
0x1d5: {  	v7 =	vmovc v29;
	v29 =	vmul.f32 v20, v37;
	v56 =	vmul.f32 $2.000000000e+03, v49;
	v2 =	vld [tilespmem:s8+$0x20];
	[tilespmem:s14+$0xFFFFFFC0] =	vst v24;
	v23 =	vmax.f32 v23, $0.0e+00  }
0x1d6: {  	v22 =	vadd.f32 $9.999999930e-09, v22;
	v55 =	vld.idx.msk [tilespmem:v46+s4+$0x0], $0xffff;
	v23 =	vmul.f32 $6.000000000e+02, v23;
	v50 =	vmul.f32 v43, v0;
	v0 =	vmovc v27  }
0x1d7: {  	v21 =	vmovc v12;
	v12 =	vmovc v34;
	v24 =	vmul.f32 $2.000000000e+03, v45;
	v38 =	vmul.f32 $2.000000000e+03, v51;
	v34 =	vadd.f32 $-5.000000000e+02, v56;
	[tilespmem:$0x1FF40] =	vst v0;
	v0 =	vld [tilespmem:$0x1FF50]  }
0x1d8: {  	v54 =	vmul.f32 $2.000000000e+03, v48;
	v36 =	vadd.f32 v36, v57;
	v23 =	vadd.f32 $4.000000000e+02, v23  }
0x1d9: {  	v24 =	vadd.f32 $-5.000000000e+02, v24;
	v38 =	vadd.f32 $-5.000000000e+02, v38;
	v34 =	vmax.f32 v34, $0.0e+00  }
0x1da: {  	v34 =	vmul.f32 $6.000000000e+02, v34;
	v27 =	vmul.f32 $2.000000000e+03, v60;
	[tilespmem:s10+$0xFFFFFFD0] =	vst v36;
	v58 =	vshra.s32 v23, $0x1  }
0x1db: {  	v38 =	vmax.f32 v38, $0.0e+00;
	v2 =	vmul.f32 $2.000000000e+03, v2;
	[tilespmem:s14+$0xFFFFFFE0] =	vst v50;
	v51 =	vsub.s32 $0x5F3759DF, v58;
	v58 =	vld [tilespmem:s8+$0xFFFFFFD0]  }
0x1dc: {  	v37 =	vadd.f32 v47, v55;
	v45 =	vld.idx.msk [tilespmem:v35+s4+$0x0], $0xffff;
	v32 =	vmul.f32 v59, v0;
	v0 =	vmovc v28;
	v28 =	vmul.f32 $2.000000000e+03, v61  }
0x1dd: {  	v24 =	vmax.f32 v24, $0.0e+00;
	v38 =	vmul.f32 $6.000000000e+02, v38;
	v59 =	vmul.f32 $5.000000000e-01, v23;
	[tilespmem:$0x1FF50] =	vst v0;
	v0 =	vld [tilespmem:$0x1FF60]  }
0x1de: {  	v62 =	vld [tilespmem:s23+$0xFFFFFFF0];
	v60 =	vmul.f32 $6.000000000e+02, v24;
	v34 =	vadd.f32 $4.000000000e+02, v34;
	[tilespmem:s10+$0xFFFFFFC0] =	vst v37;
	v28 =	vadd.f32 $-5.000000000e+02, v28  }
0x1df: {  	v38 =	vadd.f32 $4.000000000e+02, v38;
	v3 =	vld [tilespmem:s8+$0xFFFFFFC0];
	[tilespmem:s14+$0xFFFFFFF0] =	vst v32;
	v32 =	vadd.f32 $-5.000000000e+02, v54;
	v23 =	vmul.f32 v51, v59  }
0x1e0: {  	v56 =	vmul.f32 $5.000000000e-01, v34;
	v58 =	vmul.f32 $2.000000000e+03, v58;
	v28 =	vmax.f32 v28, $0.0e+00  }
0x1e1: {  	v57 =	vld [tilespmem:s8+$0x30];
	v50 =	vmax.f32 v32, $0.0e+00;
	v61 =	vmul.f32 v51, v23;
	v28 =	vmul.f32 $6.000000000e+02, v28  }
0x1e2: {  	v31 =	vadd.f32 v31, v45;
	v48 =	vld.idx.msk [tilespmem:v33+s4+$0x0], $0xffff;
	v50 =	vmul.f32 $6.000000000e+02, v50;
	v53 =	vmul.f32 v22, v0  }
0x1e3: {  	v24 =	vld.idx.msk [tilespmem:v14+s19+$0x0], $0xffff;
	v0 =	vmovc v26;
	v26 =	vadd.f32 $-5.000000000e+02, v27;
	v27 =	vmul.f32 $2.000000000e+03, v62;
	v62 =	vadd.f32 $4.000000000e+02, v60  }
0x1e4: {  	v32 =	vld.idx.msk [tilespmem:v52+s4+$0x0], $0xffff;
	v3 =	vmul.f32 $2.000000000e+03, v3;
	v47 =	vsub.f32 $1.500000000e+00, v61;
	v28 =	vadd.f32 $4.000000000e+02, v28  }
0x1e5: {  	v23 =	vld.idx.msk [tilespmem:v14+s18+$0x0], $0xffff;
	v60 =	vmul.f32 $5.000000000e-01, v38;
	v50 =	vadd.f32 $4.000000000e+02, v50;
	v27 =	vadd.f32 $-5.000000000e+02, v27  }
0x1e6: {  	v14 =	vmovc v52;
	v22 =	vld.idx.msk [tilespmem:v52+s17+$0x0], $0xffff;
	v26 =	vmax.f32 v26, $0.0e+00;
	v52 =	vshra.s32 v62, $0x1;
	v47 =	vmul.f32 v51, v47  }
0x1e7: {  	v37 =	vld.idx.msk [tilespmem:v46+s19+$0x0], $0xffff;
	[tilespmem:s14+$0x0] =	vst v53;
	v53 =	vmul.f32 $5.000000000e-01, v62;
	v29 =	vadd.f32 v29, v48;
	v26 =	vmul.f32 $6.000000000e+02, v26  }
0x1e8: {  	v36 =	vld.idx.msk [tilespmem:v46+s18+$0x0], $0xffff;
	v46 =	vshra.s32 v28, $0x1;
	v28 =	vmul.f32 $5.000000000e-01, v28;
	v54 =	vshra.s32 v50, $0x1  }
0x1e9: {  	v16 =	vmovc v42;
	v55 =	vmul.f32 $5.000000000e-01, v50;
	v50 =	vshra.s32 v34, $0x1;
	v42 =	vmul.f32 v47, v59  }
0x1ea: {  	v27 =	vmax.f32 v27, $0.0e+00;
	v59 =	vshra.s32 v38, $0x1;
	v62 =	vsub.s32 $0x5F3759DF, v46  }
0x1eb: {  	v40 =	vld.idx.msk [tilespmem:v44+s19+$0x0], $0xffff;
	[tilespmem:$0x1FF60] =	vst v0;
	v54 =	vsub.s32 $0x5F3759DF, v54;
	v0 =	vsub.s32 $0x5F3759DF, v50;
	v42 =	vmul.f32 v42, v47  }
0x1ec: {  	v49 =	vld.idx.msk [tilespmem:v25+s4+$0x0], $0xffff;
	v50 =	vmul.f32 $2.000000000e+03, v57;
	v27 =	vmul.f32 $6.000000000e+02, v27;
	v26 =	vadd.f32 $4.000000000e+02, v26  }
0x1ed: {  	v39 =	vld.idx.msk [tilespmem:v44+s18+$0x0], $0xffff;
	v59 =	vsub.s32 $0x5F3759DF, v59;
	v57 =	vmul.f32 v62, v28;
	v42 =	vsub.f32 $1.500000000e+00, v42  }
0x1ee: {  	v38 =	vld [tilespmem:s8+$0xFFFFFFE0];
	[tilespmem:s10+$0xFFFFFFE0] =	vst v31;
	v31 =	vmul.f32 v54, v55;
	v4 =	vmul.f32 v59, v60;
	v44 =	vshra.s32 v26, $0x1  }
0x1ef: {  	v34 =	vld [tilespmem:s8+$0xFFFFFFF0];
	v26 =	vmul.f32 $5.000000000e-01, v26;
	v61 =	vsub.s32 $0x5F3759DF, v44;
	v44 =	vmul.f32 v42, v47  }
0x1f0: {  	v27 =	vadd.f32 $4.000000000e+02, v27;
	v57 =	vmul.f32 v62, v57;
	v31 =	vmul.f32 v54, v31  }
0x1f1: {  	v30 =	vadd.f32 v30, v49;
	v49 =	vmul.f32 v0, v56;
	v47 =	vmul.f32 $2.000000000e+01, v44  }
0x1f2: {  	v4 =	vmul.f32 v59, v4;
	v51 =	vshra.s32 v27, $0x1;
	v27 =	vmul.f32 $5.000000000e-01, v27  }
0x1f3: {  	v52 =	vsub.s32 $0x5F3759DF, v52;
	v45 =	vmul.f32 v61, v26;
	v50 =	vmul.f32 v47, v50  }
0x1f4: {  	[tilespmem:s10+$0xFFFFFFF0] =	vst v29;
	v34 =	vmul.f32 $2.000000000e+03, v34;
	v63 =	vsub.s32 $0x5F3759DF, v51;
	v51 =	vmul.f32 v52, v53;
	v42 =	vld [tilespmem:s8+$0x0]  }
0x1f5: {  	[tilespmem:s10+$0x0] =	vst v30;
	v48 =	vmul.f32 v63, v27;
	v30 =	vmul.f32 v61, v45;
	v45 =	vld.idx.msk [tilespmem:v35+s18+$0x0], $0xffff;
	v5 =	vadd.f32 $5.000000000e+02, v50  }
0x1f6: {  	v31 =	vsub.f32 $1.500000000e+00, v31;
	v38 =	vmul.f32 $2.000000000e+03, v38;
	v29 =	vmul.f32 v52, v51;
	v51 =	vld.idx.msk [tilespmem:v33+s19+$0x0], $0xffff  }
0x1f7: {  	v4 =	vsub.f32 $1.500000000e+00, v4;
	v6 =	vmul.f32 v63, v48;
	v48 =	vld.idx.msk [tilespmem:v33+s18+$0x0], $0xffff;
	v5 =	vmax.f32 v5, $3.800000000e+02  }
0x1f8: {  	v31 =	vmul.f32 v54, v31;
	v47 =	vld.idx.msk [tilespmem:v35+s19+$0x0], $0xffff;
	v29 =	vsub.f32 $1.500000000e+00, v29;
	v5 =	vmin.f32 v5, $6.553500000e+04  }
0x1f9: {  	v4 =	vmul.f32 v59, v4;
	v35 =	vmul.f32 v0, v49;
	v49 =	vld.idx.msk [tilespmem:v25+s18+$0x0], $0xffff;
	v33 =	vadd.f32 $-3.800000000e+02, v5  }
0x1fa: {  	v6 =	vsub.f32 $1.500000000e+00, v6;
	v50 =	vld.idx.msk [tilespmem:v25+s19+$0x0], $0xffff;
	v25 =	vsub.f32 $1.500000000e+00, v30;
	v29 =	vmul.f32 v52, v29  }
0x1fb: {  	v30 =	vsub.f32 $1.500000000e+00, v57;
	v57 =	vmul.f32 v31, v55;
	v33 =	vmul.f32 $4.604251380e-01, v33  }
0x1fc: {  	v35 =	vsub.f32 $1.500000000e+00, v35;
	v6 =	vmul.f32 v63, v6;
	v25 =	vmul.f32 v61, v25  }
0x1fd: {  	v52 =	vmul.f32 v62, v30;
	v33 =	vtrunc.f32 v33  }
0x1fe: {  	v0 =	vmul.f32 v0, v35;
	v30 =	vcvt.f32.s32 v33  }
0x1ff: {  	v63 =	vmul.f32 v29, v53;
	v61 =	vmul.f32 v4, v60  }
0x200: {  	v27 =	vmul.f32 v6, v27;
	v59 =	vmul.f32 v0, v56;
	v30 =	vadd.s32 $0x1, v30  }
0x201: {  	v26 =	vmul.f32 v25, v26;
	v28 =	vmul.f32 v52, v28;
	vm0 =	vgt.s32 v30, $0x1  }
0x202: {  	v27 =	vmul.f32 v27, v6;
	v53 =	vmul.f32 v59, v0;
	v30 =	vnsel vm0, $0x1, v30  }
0x203: {  	v26 =	vmul.f32 v26, v25;
	v54 =	vmin.u32 v30, $0x752F;
	v30 =	vmul.f32 v63, v29  }
0x204: {  	v28 =	vmul.f32 v28, v52;
	v62 =	vsub.f32 $1.500000000e+00, v27;
	v60 =	vsub.f32 $1.500000000e+00, v53  }
0x205: {  	v35 =	vmul.f32 v57, v31;
	v26 =	vsub.f32 $1.500000000e+00, v26;
	v30 =	vsub.f32 $1.500000000e+00, v30  }
0x206: {  	v28 =	vsub.f32 $1.500000000e+00, v28;
	v33 =	vmul.f32 v61, v4;
	v53 =	vmul.f32 v60, v0  }
0x207: {  	v29 =	vmul.f32 v30, v29;
	v30 =	vmul.f32 v26, v25;
	v25 =	vsub.f32 $1.500000000e+00, v35  }
0x208: {  	v27 =	vmul.f32 v28, v52;
	v28 =	vmul.f32 v62, v6;
	v6 =	vsub.f32 $1.500000000e+00, v33  }
0x209: {  	v55 =	vmul.f32 $2.000000000e+01, v53;
	v63 =	vld.idx.msk [tilespmem:v54+s17+$0x0], $0xffff;
	v26 =	vmul.f32 v25, v31  }
0x20a: {  	v0 =	vmul.f32 $2.000000000e+01, v29;
	v31 =	vmul.f32 v6, v4  }
0x20b: {  	v61 =	vld.idx.msk [tilespmem:v54+s4+$0x0], $0xffff;
	v4 =	vmul.f32 $2.000000000e+01, v30;
	v6 =	vmul.f32 $2.000000000e+01, v27  }
0x20c: {  	v25 =	vmul.f32 $2.000000000e+01, v28;
	v60 =	vmul.f32 $2.000000000e+01, v31  }
0x20d: {  	v46 =	vld [tilespmem:s8+$0x10];
	v0 =	vmul.f32 v0, v3;
	v3 =	vmul.f32 v4, v58  }
0x20e: {  	v6 =	vmul.f32 v6, v38;
	v62 =	vmul.f32 v5, v63  }
0x20f: {  	v25 =	vmul.f32 v25, v34;
	v0 =	vadd.f32 $5.000000000e+02, v0;
	v3 =	vadd.f32 $5.000000000e+02, v3  }
0x210: {  	v41 =	vld.idx.msk [tilespmem:v9+s17+$0x0], $0xffff;
	v63 =	vmul.f32 $2.000000000e+01, v26;
	v6 =	vadd.f32 $5.000000000e+02, v6;
	v33 =	vadd.f32 v62, v61  }
0x211: {  	s10 =	sadd.s32 $0x80, s10;
	v2 =	vmul.f32 v60, v2;
	v25 =	vadd.f32 $5.000000000e+02, v25;
	v61 =	vmul.f32 $2.000000000e+03, v42  }
0x212: {  	v43 =	vld.idx.msk [tilespmem:v9+s4+$0x0], $0xffff;
	v62 =	vmul.f32 $2.000000000e+03, v46;
	v0 =	vmax.f32 v0, $3.800000000e+02;
	v3 =	vmax.f32 v3, $3.800000000e+02;
	[tilespmem:s10+$0x30] =	vst v33  }
0x213: {  	v2 =	vadd.f32 $5.000000000e+02, v2;
	v6 =	vmax.f32 v6, $3.800000000e+02;
	v25 =	vmax.f32 v25, $3.800000000e+02;
	v4 =	vld.idx.msk [tilespmem:v54+s19+$0x0], $0xffff  }
0x214: {  	v0 =	vmin.f32 v0, $6.553500000e+04;
	v6 =	vmin.f32 v6, $6.553500000e+04;
	v38 =	vmul.f32 v55, v62  }
0x215: {  	v63 =	vmul.f32 v63, v61;
	v42 =	vld.idx.msk [tilespmem:v54+s18+$0x0], $0xffff;
	v54 =	vmin.f32 v25, $6.553500000e+04;
	v25 =	vmul.f32 v16, v41  }
0x216: {  	v3 =	vmin.f32 v3, $6.553500000e+04;
	v57 =	vadd.f32 $-3.800000000e+02, v6;
	v34 =	vadd.f32 $5.000000000e+02, v38  }
0x217: {  	v2 =	vmax.f32 v2, $3.800000000e+02;
	v33 =	vadd.f32 $5.000000000e+02, v63;
	v25 =	vadd.f32 v25, v43  }
0x218: {  	v46 =	vmax.f32 v34, $3.800000000e+02;
	v34 =	vmin.f32 v2, $6.553500000e+04;
	v4 =	vmul.f32 v5, v4  }
0x219: {  	v61 =	vadd.f32 $-3.800000000e+02, v34;
	v5 =	vmax.f32 v33, $3.800000000e+02;
	v33 =	vmul.f32 $4.604251380e-01, v57  }
0x21a: {  	v38 =	vmin.f32 v5, $6.553500000e+04;
	v5 =	vadd.f32 $-3.800000000e+02, v3;
	v4 =	vadd.f32 v4, v42  }
0x21b: {  	v42 =	vmin.f32 v46, $6.553500000e+04;
	v59 =	vadd.f32 $-3.800000000e+02, v38;
	v46 =	vmul.f32 $4.604251380e-01, v61  }
0x21c: {  	[tilespmem:s0+$0x10] =	vst v25;
	v25 =	vtrunc.f32 v33;
	v60 =	vadd.f32 $-3.800000000e+02, v42;
	v5 =	vmul.f32 $4.604251380e-01, v5  }
0x21d: {  	v57 =	vld.idx.msk [tilespmem:v9+s19+$0x0], $0xffff;
	v25 =	vcvt.f32.s32 v25;
	v2 =	vadd.f32 $9.999999930e-09, v4;
	v62 =	vmul.f32 $4.604251380e-01, v59  }
0x21e: {  	v4 =	vadd.f32 $-3.800000000e+02, v0;
	v63 =	vmul.f32 $4.604251380e-01, v60;
	v5 =	vtrunc.f32 v5  }
0x21f: {  	v60 =	vld.idx.msk [tilespmem:v9+s18+$0x0], $0xffff;
	v9 =	vtrunc.f32 v46;
	v2 =	vmul.f32 v2, v44  }
0x220: {  	v58 =	vadd.f32 $-3.800000000e+02, v54;
	v4 =	vmul.f32 $4.604251380e-01, v4;
	v5 =	vcvt.f32.s32 v5  }
0x221: {  	s15 =	smov.u32 s16;
	s16 =	sadd.s32 $0x80, s16;
	v25 =	vadd.s32 $0x1, v25;
	v9 =	vcvt.f32.s32 v9;
	v59 =	vtrunc.f32 v63  }
0x222: {  	vm2 =	vgt.s32 v25, $0x1;
	v63 =	vmul.f32 v16, v57;
	[tilespmem:s16+$0x30] =	vst v2;
	v2 =	vmul.f32 $4.604251380e-01, v58  }
0x223: {  	v25 =	vnsel vm2, $0x1, v25;
	v4 =	vtrunc.f32 v4;
	v58 =	vtrunc.f32 v62  }
0x224: {  	v5 =	vadd.s32 $0x1, v5;
	v35 =	vcvt.f32.s32 v59;
	v9 =	vadd.s32 $0x1, v9  }
0x225: {  	v4 =	vcvt.f32.s32 v4;
	v33 =	vcvt.f32.s32 v58;
	vm1 =	vgt.s32 v5, $0x1  }
0x226: {  	vm6 =	vgt.s32 v9, $0x1;
	v2 =	vtrunc.f32 v2;
	v35 =	vadd.s32 $0x1, v35  }
0x227: {  	v5 =	vnsel vm1, $0x1, v5;
	v4 =	vadd.s32 $0x1, v4;
	v2 =	vcvt.f32.s32 v2  }
0x228: {  	v33 =	vadd.s32 $0x1, v33;
	vm5 =	vgt.s32 v35, $0x1;
	v44 =	vmin.u32 v5, $0x752F  }
0x229: {  	vm15 =	vgt.s32 v4, $0x1;
	vm4 =	vgt.s32 v33, $0x1;
	v62 =	vnsel vm5, $0x1, v35  }
0x22a: {  	v2 =	vadd.s32 $0x1, v2;
	v4 =	vnsel vm15, $0x1, v4;
	v61 =	vnsel vm4, $0x1, v33  }
0x22b: {  	vm3 =	vgt.s32 v2, $0x1;
	v46 =	vmin.u32 v4, $0x752F;
	v4 =	vnsel vm6, $0x1, v9  }
0x22c: {  	v52 =	vmin.u32 v4, $0x752F;
	v4 =	vmul.f32 v18, v37;
	v18 =	vmovc v0;
	v0 =	vmul.f32 v17, v47  }
0x22d: {  	v35 =	vmin.u32 v25, $0x752F;
	v25 =	vmin.u32 v61, $0x752F;
	v2 =	vnsel vm3, $0x1, v2  }
0x22e: {  	v33 =	vmin.u32 v2, $0x752F;
	v2 =	vmul.f32 v12, v22;
	v16 =	vadd.f32 v0, v45;
	v0 =	vld [tilespmem:$0x1FF70]  }
0x22f: {  	s5 =	sadd.s32 $0x8, s5;
	v10 =	vadd.f32 $9.999999930e-09, v10  }
0x230: {  	p1 =	slt.u32 s5, $0x38;
	v5 =	vmul.f32 v19, v40;
	v4 =	vadd.f32 v4, v36;
	v36 =	vld.idx.msk [tilespmem:v44+s17+$0x0], $0xffff;
	v2 =	vadd.f32 v2, v32  }
.Ltmp0:
0x231: {  	v13 =	vadd.f32 $9.999999930e-09, v13;
	v1 =	vmul.f32 v10, v1;
	v19 =	vmovc v3;
	v3 =	vmul.f32 v20, v51;
	v32 =	vld.idx.msk [tilespmem:v46+s17+$0x0], $0xffff;
	(pc) =	sbr.rel @p1 .LBB2_3-.Ltmp0, $4  }
0x232: {  	v17 =	vmov v6;
	v6 =	vmul.f32 v15, v50;
	v15 =	vadd.f32 v5, v39;
	v40 =	vld.idx.msk [tilespmem:v25+s17+$0x0], $0xffff;
	[tilespmem:s0+$0x20] =	vst v2  }
0x233: {  	v2 =	vmul.f32 v21, v24;
	v21 =	vadd.f32 v3, v48;
	v3 =	vmul.f32 v13, v0;
	v0 =	vmovc v11  }
0x234: {  	v20 =	vmovc v54;
	v9 =	vmin.u32 v62, $0x752F;
	v22 =	vadd.f32 v6, v49;
	v39 =	vadd.f32 $9.999999930e-09, v4;
	v24 =	vld.idx.msk [tilespmem:v35+s17+$0x0], $0xffff;
	[tilespmem:$0x1FF70] =	vst v0  }
0x235: {  	s23 =	sadd.s32 $0x80, s23;
	s0 =	smov.u32 s10;
	v37 =	vld.idx.msk [tilespmem:v33+s17+$0x0], $0xffff;
	v13 =	vadd.f32 v63, v60;
	v10 =	vadd.f32 v2, v23;
	v11 =	vmov v53;
	[tilespmem:s14+$0x10] =	vst v3  }
0x236: {  	_ =	sdelay $0x3  }
0x237: {  	v0 =	vld.idx.msk [tilespmem:v9+s17+$0x0], $0xffff  }
0x238: {  	v3 =	vld.idx.msk [tilespmem:v46+s4+$0x0], $0xffff  }
0x239: {  	v4 =	vld.idx.msk [tilespmem:v44+s4+$0x0], $0xffff  }
0x23a: {  	v5 =	vld.idx.msk [tilespmem:v35+s4+$0x0], $0xffff  }
0x23b: {  	v6 =	vmul.f32 v18, v32;
	v41 =	vld.idx.msk [tilespmem:v9+s4+$0x0], $0xffff  }
0x23c: {  	v23 =	vld.idx.msk [tilespmem:v33+s4+$0x0], $0xffff;
	v59 =	vmul.f32 v19, v36  }
0x23d: {  	v60 =	vld.idx.msk [tilespmem:v25+s4+$0x0], $0xffff;
	v24 =	vmul.f32 v17, v24;
	v3 =	vadd.f32 v6, v3  }
0x23e: {  	[tilespmem:s31+$0x20] =	vst v1;
	v4 =	vadd.f32 v59, v4;
	v0 =	vmul.f32 v42, v0  }
0x23f: {  	v5 =	vadd.f32 v24, v5;
	[tilespmem:s10+$0xFFFFFFC0] =	vst v3;
	v3 =	vmul.f32 v20, v37  }
0x240: {  	[tilespmem:s10+$0xFFFFFFD0] =	vst v4;
	v4 =	vmul.f32 v38, v40;
	v0 =	vadd.f32 v0, v41  }
0x241: {  	[tilespmem:s10+$0xFFFFFFE0] =	vst v5;
	v5 =	vadd.f32 $9.999999930e-09, v15;
	v3 =	vadd.f32 v3, v23  }
0x242: {  	v2 =	vld.idx.msk [tilespmem:v52+s17+$0x0], $0xffff;
	v4 =	vadd.f32 v4, v60;
	[tilespmem:s0+$0x10] =	vst v0  }
0x243: {  	v61 =	vld.idx.msk [tilespmem:v14+s19+$0x0], $0xffff;
	v5 =	vmul.f32 v5, v8;
	[tilespmem:s10+$0xFFFFFFF0] =	vst v3  }
0x244: {  	v6 =	vld.idx.msk [tilespmem:v52+s4+$0x0], $0xffff;
	v3 =	vmul.f32 v39, v7;
	[tilespmem:s10+$0x0] =	vst v4  }
0x245: {  	v62 =	vld.idx.msk [tilespmem:v46+s19+$0x0], $0xffff;
	[tilespmem:s15+$0xFFFFFFD0] =	vst v5  }
0x246: {  	v1 =	vld.idx.msk [tilespmem:v46+s18+$0x0], $0xffff;
	[tilespmem:s15+$0xFFFFFFC0] =	vst v3  }
0x247: {  	v7 =	vld [tilespmem:$0x1FF50]  }
0x248: {  	v5 =	vld [tilespmem:$0x1FF40]  }
0x249: {  	v15 =	vld.idx.msk [tilespmem:v35+s19+$0x0], $0xffff  }
0x24a: {  	v0 =	vadd.f32 $9.999999930e-09, v21;
	v24 =	vld.idx.msk [tilespmem:v33+s19+$0x0], $0xffff  }
0x24b: {  	v4 =	vadd.f32 $9.999999930e-09, v16;
	v45 =	vld.idx.msk [tilespmem:v25+s19+$0x0], $0xffff  }
0x24c: {  	v2 =	vmul.f32 v34, v2;
	v0 =	vmul.f32 v0, v7;
	v7 =	vld [tilespmem:$0x1FF60]  }
0x24d: {  	v21 =	vld.idx.msk [tilespmem:v33+s18+$0x0], $0xffff;
	v4 =	vmul.f32 v4, v5  }
0x24e: {  	v2 =	vadd.f32 v2, v6;
	v5 =	vld.idx.msk [tilespmem:v35+s18+$0x0], $0xffff  }
0x24f: {  	v6 =	vadd.f32 $9.999999930e-09, v13;
	v16 =	vadd.f32 $9.999999930e-09, v22;
	v13 =	vmul.f32 v18, v62;
	[tilespmem:s15+$0xFFFFFFE0] =	vst v4;
	v4 =	vld.idx.msk [tilespmem:v25+s18+$0x0], $0xffff  }
0x250: {  	v63 =	vld.idx.msk [tilespmem:v44+s19+$0x0], $0xffff;
	v15 =	vmul.f32 v17, v15;
	v17 =	vmul.f32 v20, v24  }
0x251: {  	v23 =	vld.idx.msk [tilespmem:v44+s18+$0x0], $0xffff;
	v1 =	vadd.f32 v13, v1;
	[tilespmem:s0+$0x20] =	vst v2;
	v16 =	vmul.f32 v16, v7  }
0x252: {  	v3 =	vld.idx.msk [tilespmem:v9+s19+$0x0], $0xffff;
	v2 =	vmul.f32 v38, v45;
	[tilespmem:s15+$0xFFFFFFF0] =	vst v0;
	v0 =	vadd.f32 v17, v21  }
0x253: {  	v1 =	vadd.f32 $9.999999930e-09, v1;
	v5 =	vadd.f32 v15, v5;
	v7 =	vld [tilespmem:$0x1FF70];
	[tilespmem:s15+$0x0] =	vst v16  }
0x254: {  	v0 =	vadd.f32 $9.999999930e-09, v0;
	v2 =	vadd.f32 v2, v4;
	v4 =	vld [tilespmem:$0x1FF30]  }
0x255: {  	v18 =	vmul.f32 v19, v63;
	v9 =	vld.idx.msk [tilespmem:v9+s18+$0x0], $0xffff;
	v1 =	vmul.f32 v1, v29;
	v5 =	vadd.f32 $9.999999930e-09, v5  }
0x256: {  	v13 =	vld.idx.msk [tilespmem:v14+s18+$0x0], $0xffff;
	v0 =	vmul.f32 v0, v28  }
0x257: {  	v10 =	vadd.f32 $9.999999930e-09, v10;
	v14 =	vadd.f32 v18, v23;
	v8 =	vld.idx.msk [tilespmem:v52+s19+$0x0], $0xffff;
	[tilespmem:s16+$0xFFFFFFC0] =	vst v1;
	v1 =	vmul.f32 v5, v27  }
0x258: {  	[tilespmem:s16+$0xFFFFFFF0] =	vst v0;
	v2 =	vadd.f32 $9.999999930e-09, v2;
	v6 =	vmul.f32 v6, v7  }
0x259: {  	v7 =	vld.idx.msk [tilespmem:v52+s18+$0x0], $0xffff;
	[tilespmem:s16+$0xFFFFFFE0] =	vst v1;
	v4 =	vmul.f32 v10, v4;
	v10 =	vadd.f32 $9.999999930e-09, v14  }
0x25a: {  	v3 =	vmul.f32 v42, v3;
	v1 =	vmul.f32 v2, v26;
	[tilespmem:s15+$0x10] =	vst v6  }
0x25b: {  	[tilespmem:s14+$0x20] =	vst v4;
	v4 =	vmul.f32 v10, v30  }
0x25c: {  	v3 =	vadd.f32 v3, v9;
	v6 =	vmul.f32 v34, v8;
	[tilespmem:s16+$0x0] =	vst v1  }
0x25d: {  	v12 =	vmul.f32 v12, v61;
	[tilespmem:s16+$0xFFFFFFD0] =	vst v4  }
0x25e: {  	v3 =	vadd.f32 $9.999999930e-09, v3;
	v4 =	vadd.f32 v6, v7;
	v1 =	vld [tilespmem:$0x1FF80]  }
0x25f: {  	v8 =	vadd.f32 v12, v13  }
0x260: {  	v0 =	vmul.f32 v3, v11;
	v2 =	vadd.f32 $9.999999930e-09, v4  }
0x261: {  	v5 =	vadd.f32 $9.999999930e-09, v8  }
0x262: {  	[tilespmem:s16+$0x10] =	vst v0;
	v0 =	vmul.f32 v2, v31  }
0x263: {  	s31 =	sadd.s32 s11, s7;
	v1 =	vmul.f32 v5, v1  }
0x264: {  	s0 =	sshrl.u32 s31, $0x3;
	[tilespmem:s16+$0x20] =	vst v0  }
0x265: {  	s5 =	sadd.s32 s3, s0;
	[tilespmem:s15+$0x20] =	vst v1  }
0x266: {  	[hbm4b:s5+s4] =	stream.linear.scatter [tilespmem:s25], [sflag:$0x3], $0x400, $0x38;
	[tilespmem:$0x1F600] =	vst v63  }
0x267: {  	p1 =	seq.s32 s21, $0x3F;
	s0 =	sadd.s32 s12, s0  }
0x268: {  	[hbm4b:s0+s4] =	stream.linear.scatter [tilespmem:s26], [sflag:$0x3], $0x400, $0x38;
	[tilespmem:$0x1F600] =	vst v63  }
0x269: {  	s0 =	sadd.s32 @!p1 $0x2, s6  }
0x26a: {  	s5 =	sadd.s32 @!p1 s13, s0  }
0x26b: {  	s0 =	sshll.u32 @!p1 s0, $0x7;
	s5 =	sshll.u32 @!p1 s5, $0x7  }
0x26c: {  	s0 =	sand.u32 @!p1 $0x100, s0;
	s5 =	sand.u32 @!p1 $0xFFFFE00, s5  }
0x26d: {  	s0 =	sor.u32 @!p1 s0, s5  }
0x26e: {  	s7 =	simm.s32 @!p1 $0x1D600;
	s6 =	simm.s32 @!p1 $0x0;
	s5 =	sadd.s32 @!p1 s1, s0  }
0x26f: {  	[tilespmem:s7], [sflag:$0x1] =	stream.linear.gather @!p1 [hbm4b:s5+s6], $0x400, $0x38;
	[tilespmem:$0x1F600] =	vst v63  }
0x270: {  	s0 =	sadd.s32 @!p1 s2, s0;
	s5 =	simm.s32 @!p1 $0x1DA00  }
0x271: {  	[tilespmem:s5], [sflag:$0x1] =	stream.linear.gather @!p1 [hbm4b:s0+s6], $0x400, $0x38;
	[tilespmem:$0x1F600] =	vst v63  }
0x272: {  	_ =	swait.ge [sflag:s28], $0x400  }
0x273: {  	[sflag:s28] =	ssyncset.done $0x0  }
0x274: {  	[sflag:s28] =	ssyncadd.s32 $0xFFFFFC00  }
0x275: {  	_ =	swait.ge [sflag:s28], $0x400  }
0x276: {  	[sflag:s28] =	ssyncset.done $0x0  }
0x277: {  	s0 =	simm.s32 @!p0 $0x4;
	[sflag:s28] =	ssyncadd.s32 $0xFFFFFC00  }
0x278: {  	_ =	swait.ge @!p0 [sflag:s0], $0x400  }
0x279: {  	[sflag:s0] =	ssyncset.done @!p0 $0x0  }
0x27a: {  	[sflag:s0] =	ssyncadd.s32 @!p0 $0xFFFFFC00  }
0x27b: {  	_ =	swait.ge @!p0 [sflag:s0], $0x400  }
0x27c: {  	[sflag:s0] =	ssyncset.done @!p0 $0x0  }
0x27d: {  	s5 =	simm.s32 $0x1EA40;
	[sflag:s0] =	ssyncadd.s32 @!p0 $0xFFFFFC00  }
0x27e: {  	v0 =	vld [tilespmem:s5+$0x30]  }
0x27f: {  	v1 =	vld [tilespmem:s5+$0xFFFFFFC0]  }
0x280: {  	v2 =	vld [tilespmem:s5+$0xFFFFFFD0]  }
0x281: {  	v3 =	vld [tilespmem:s5+$0xFFFFFFE0]  }
0x282: {  	v4 =	vld [tilespmem:s5+$0xFFFFFFF0]  }
0x283: {  	v5 =	vld [tilespmem:s5+$0x0]  }
0x284: {  	v6 =	vld [tilespmem:s5+$0x10]  }
0x285: {  	s6 =	simm.s32 $0x1E640;
	v7 =	vld [tilespmem:s5+$0x20]  }
0x286: {  	v12 =	vld [tilespmem:s6+$0x30];
	v0 =	vmul.f32 $2.000000000e+03, v0  }
0x287: {  	v20 =	vld [tilespmem:s6+$0xFFFFFFC0];
	v1 =	vmul.f32 $2.000000000e+03, v1;
	v2 =	vmul.f32 $2.000000000e+03, v2  }
0x288: {  	v3 =	vmul.f32 $2.000000000e+03, v3;
	v4 =	vmul.f32 $2.000000000e+03, v4  }
0x289: {  	v5 =	vmul.f32 $2.000000000e+03, v5;
	v6 =	vmul.f32 $2.000000000e+03, v6  }
0x28a: {  	v7 =	vmul.f32 $2.000000000e+03, v7;
	v0 =	vadd.f32 $-5.000000000e+02, v0;
	v1 =	vadd.f32 $-5.000000000e+02, v1  }
0x28b: {  	v12 =	vmul.f32 $2.000000000e+03, v12;
	v2 =	vadd.f32 $-5.000000000e+02, v2;
	v3 =	vadd.f32 $-5.000000000e+02, v3  }
0x28c: {  	v20 =	vmul.f32 $2.000000000e+03, v20;
	v4 =	vadd.f32 $-5.000000000e+02, v4;
	v5 =	vadd.f32 $-5.000000000e+02, v5  }
0x28d: {  	v6 =	vadd.f32 $-5.000000000e+02, v6;
	v7 =	vadd.f32 $-5.000000000e+02, v7;
	v0 =	vmax.f32 v0, $0.0e+00  }
0x28e: {  	v1 =	vmax.f32 v1, $0.0e+00;
	v2 =	vmax.f32 v2, $0.0e+00;
	v3 =	vmax.f32 v3, $0.0e+00  }
0x28f: {  	v4 =	vmax.f32 v4, $0.0e+00;
	v5 =	vmax.f32 v5, $0.0e+00;
	v0 =	vmul.f32 $6.000000000e+02, v0  }
0x290: {  	v6 =	vmax.f32 v6, $0.0e+00;
	v1 =	vmul.f32 $6.000000000e+02, v1;
	v2 =	vmul.f32 $6.000000000e+02, v2  }
0x291: {  	v3 =	vmul.f32 $6.000000000e+02, v3;
	v4 =	vmul.f32 $6.000000000e+02, v4;
	v0 =	vadd.f32 $4.000000000e+02, v0  }
0x292: {  	v7 =	vmax.f32 v7, $0.0e+00;
	v5 =	vmul.f32 $6.000000000e+02, v5;
	v6 =	vmul.f32 $6.000000000e+02, v6  }
0x293: {  	v7 =	vmul.f32 $6.000000000e+02, v7;
	v8 =	vshra.s32 v0, $0x1;
	v0 =	vmul.f32 $5.000000000e-01, v0  }
0x294: {  	v2 =	vadd.f32 $4.000000000e+02, v2;
	v3 =	vadd.f32 $4.000000000e+02, v3;
	v8 =	vsub.s32 $0x5F3759DF, v8  }
0x295: {  	v4 =	vadd.f32 $4.000000000e+02, v4;
	v5 =	vadd.f32 $4.000000000e+02, v5;
	v9 =	vmul.f32 v8, v0  }
0x296: {  	v6 =	vadd.f32 $4.000000000e+02, v6;
	v10 =	vshra.s32 v2, $0x1;
	v2 =	vmul.f32 $5.000000000e-01, v2  }
0x297: {  	v11 =	vshra.s32 v3, $0x1;
	v3 =	vmul.f32 $5.000000000e-01, v3;
	v9 =	vmul.f32 v8, v9  }
0x298: {  	v13 =	vshra.s32 v4, $0x1;
	v4 =	vmul.f32 $5.000000000e-01, v4;
	v14 =	vshra.s32 v5, $0x1  }
0x299: {  	v5 =	vmul.f32 $5.000000000e-01, v5;
	v15 =	vshra.s32 v6, $0x1;
	v9 =	vsub.f32 $1.500000000e+00, v9  }
0x29a: {  	v6 =	vmul.f32 $5.000000000e-01, v6;
	v10 =	vsub.s32 $0x5F3759DF, v10;
	v13 =	vsub.s32 $0x5F3759DF, v13  }
0x29b: {  	v14 =	vsub.s32 $0x5F3759DF, v14;
	v18 =	vmul.f32 v10, v2;
	v8 =	vmul.f32 v8, v9  }
0x29c: {  	v15 =	vsub.s32 $0x5F3759DF, v15;
	v19 =	vmul.f32 v13, v4;
	v21 =	vmul.f32 v14, v5  }
0x29d: {  	v7 =	vadd.f32 $4.000000000e+02, v7;
	v22 =	vmul.f32 v15, v6;
	v0 =	vmul.f32 v8, v0  }
0x29e: {  	v1 =	vadd.f32 $4.000000000e+02, v1;
	v18 =	vmul.f32 v10, v18;
	v19 =	vmul.f32 v13, v19  }
0x29f: {  	v16 =	vshra.s32 v7, $0x1;
	v21 =	vmul.f32 v14, v21;
	v0 =	vmul.f32 v0, v8  }
0x2a0: {  	v7 =	vmul.f32 $5.000000000e-01, v7;
	v18 =	vsub.f32 $1.500000000e+00, v18;
	v19 =	vsub.f32 $1.500000000e+00, v19  }
0x2a1: {  	v22 =	vmul.f32 v15, v22;
	v21 =	vsub.f32 $1.500000000e+00, v21;
	v0 =	vsub.f32 $1.500000000e+00, v0  }
0x2a2: {  	v9 =	vshra.s32 v1, $0x1;
	v1 =	vmul.f32 $5.000000000e-01, v1;
	v10 =	vmul.f32 v10, v18  }
0x2a3: {  	v13 =	vmul.f32 v13, v19;
	v0 =	vmul.f32 v0, v8;
	v8 =	vsub.s32 $0x5F3759DF, v9  }
0x2a4: {  	v14 =	vmul.f32 v14, v21;
	v17 =	vmul.f32 v8, v1  }
0x2a5: {  	v2 =	vmul.f32 v10, v2;
	v9 =	vmul.f32 $2.000000000e+01, v0  }
0x2a6: {  	v11 =	vsub.s32 $0x5F3759DF, v11;
	v4 =	vmul.f32 v13, v4;
	v17 =	vmul.f32 v8, v17  }
0x2a7: {  	v9 =	vmul.f32 v9, v12;
	v12 =	vsub.s32 $0x5F3759DF, v16;
	v16 =	vmul.f32 v11, v3  }
0x2a8: {  	v5 =	vmul.f32 v14, v5;
	v24 =	vmul.f32 v12, v7;
	v17 =	vsub.f32 $1.500000000e+00, v17  }
0x2a9: {  	v2 =	vmul.f32 v2, v10;
	v9 =	vadd.f32 $5.000000000e+02, v9;
	v16 =	vmul.f32 v11, v16  }
0x2aa: {  	v24 =	vmul.f32 v12, v24;
	v8 =	vmul.f32 v8, v17;
	v17 =	vsub.f32 $1.500000000e+00, v22  }
0x2ab: {  	v4 =	vmul.f32 v4, v13;
	v9 =	vmax.f32 v9, $3.800000000e+02;
	v16 =	vsub.f32 $1.500000000e+00, v16  }
0x2ac: {  	v9 =	vmin.f32 v9, $6.553500000e+04;
	v22 =	vsub.f32 $1.500000000e+00, v24;
	v15 =	vmul.f32 v15, v17  }
0x2ad: {  	v1 =	vmul.f32 v8, v1;
	v17 =	vmul.f32 v5, v14;
	v25 =	vadd.f32 $-3.800000000e+02, v9  }
0x2ae: {  	v11 =	vmul.f32 v11, v16;
	v12 =	vmul.f32 v12, v22  }
0x2af: {  	v1 =	vmul.f32 v1, v8;
	v25 =	vmul.f32 $4.604251380e-01, v25  }
0x2b0: {  	v6 =	vmul.f32 v15, v6;
	v3 =	vmul.f32 v11, v3  }
0x2b1: {  	v7 =	vmul.f32 v12, v7;
	v1 =	vsub.f32 $1.500000000e+00, v1;
	v18 =	vtrunc.f32 v25  }
0x2b2: {  	v23 =	vld [tilespmem:s6+$0xFFFFFFD0];
	v3 =	vmul.f32 v3, v11;
	v16 =	vcvt.f32.s32 v18  }
0x2b3: {  	v2 =	vsub.f32 $1.500000000e+00, v2;
	v18 =	vmul.f32 v6, v15;
	v5 =	vmul.f32 v1, v8  }
0x2b4: {  	v1 =	vsub.f32 $1.500000000e+00, v3;
	v3 =	vsub.f32 $1.500000000e+00, v4;
	v16 =	vadd.s32 $0x1, v16  }
0x2b5: {  	v19 =	vld [tilespmem:s6+$0xFFFFFFE0];
	v6 =	vmul.f32 v2, v10;
	v2 =	vsub.f32 $1.500000000e+00, v17;
	vm0 =	vgt.s32 v16, $0x1  }
0x2b6: {  	v3 =	vmul.f32 v3, v13;
	v13 =	vmul.f32 $2.000000000e+01, v5;
	v16 =	vnsel vm0, $0x1, v16  }
0x2b7: {  	v23 =	vmul.f32 $2.000000000e+03, v23;
	v7 =	vmul.f32 v7, v12;
	v16 =	vmin.u32 v16, $0x752F  }
0x2b8: {  	v17 =	vld [tilespmem:s6+$0xFFFFFFF0];
	v10 =	vsub.f32 $1.500000000e+00, v18;
	v2 =	vmul.f32 v2, v14;
	v13 =	vmul.f32 v13, v20  }
0x2b9: {  	v14 =	vmul.f32 $2.000000000e+01, v6;
	v4 =	vmul.f32 v1, v11;
	v1 =	vsub.f32 $1.500000000e+00, v7  }
0x2ba: {  	v19 =	vmul.f32 $2.000000000e+03, v19;
	v7 =	vld [tilespmem:s6+$0x0];
	v11 =	vmul.f32 v10, v15;
	v13 =	vadd.f32 $5.000000000e+02, v13  }
0x2bb: {  	v10 =	vld [tilespmem:s6+$0x10];
	v14 =	vmul.f32 v14, v23;
	v1 =	vmul.f32 v1, v12  }
0x2bc: {  	v15 =	vmul.f32 $2.000000000e+01, v4;
	v18 =	vmul.f32 $2.000000000e+01, v3;
	v13 =	vmax.f32 v13, $3.800000000e+02;
	v8 =	vld.idx.msk [tilespmem:v16+s17+$0x0], $0xffff  }
0x2bd: {  	v17 =	vmul.f32 $2.000000000e+03, v17;
	v21 =	vmul.f32 $2.000000000e+01, v11;
	[tilespmem:$0x1FF20] =	vst v1;
	v23 =	vmin.f32 v13, $6.553500000e+04  }
0x2be: {  	v22 =	vmul.f32 $2.000000000e+01, v1;
	v15 =	vmul.f32 v15, v19;
	v12 =	vld [tilespmem:s6+$0x20];
	v13 =	vadd.f32 $-3.800000000e+02, v23  }
0x2bf: {  	v17 =	vmul.f32 v18, v17;
	v7 =	vmul.f32 $2.000000000e+03, v7  }
0x2c0: {  	v10 =	vmul.f32 $2.000000000e+03, v10;
	v13 =	vmul.f32 $4.604251380e-01, v13  }
0x2c1: {  	v24 =	vmul.f32 v9, v8;
	v8 =	vmul.f32 $2.000000000e+01, v2  }
0x2c2: {  	v10 =	vmul.f32 v21, v10;
	v13 =	vtrunc.f32 v13  }
0x2c3: {  	v12 =	vmul.f32 $2.000000000e+03, v12;
	v7 =	vmul.f32 v8, v7;
	v8 =	vadd.f32 $5.000000000e+02, v14  }
0x2c4: {  	v13 =	vcvt.f32.s32 v13;
	v14 =	vadd.f32 $5.000000000e+02, v15;
	v15 =	vadd.f32 $5.000000000e+02, v17  }
0x2c5: {  	v12 =	vmul.f32 v22, v12;
	v7 =	vadd.f32 $5.000000000e+02, v7;
	v8 =	vmax.f32 v8, $3.800000000e+02  }
0x2c6: {  	v17 =	vld.idx.msk [tilespmem:v16+s4+$0x0], $0xffff;
	v14 =	vmax.f32 v14, $3.800000000e+02;
	v15 =	vmax.f32 v15, $3.800000000e+02;
	v21 =	vmin.f32 v8, $6.553500000e+04  }
0x2c7: {  	v22 =	vmin.f32 v14, $6.553500000e+04;
	v8 =	vmin.f32 v15, $6.553500000e+04;
	v7 =	vmax.f32 v7, $3.800000000e+02  }
0x2c8: {  	v14 =	vadd.f32 $-3.800000000e+02, v21;
	v15 =	vadd.f32 $-3.800000000e+02, v22;
	v7 =	vmin.f32 v7, $6.553500000e+04  }
0x2c9: {  	v18 =	vadd.f32 $-3.800000000e+02, v8;
	v19 =	vadd.f32 $-3.800000000e+02, v7  }
0x2ca: {  	v13 =	vadd.s32 $0x1, v13;
	v14 =	vmul.f32 $4.604251380e-01, v14;
	v15 =	vmul.f32 $4.604251380e-01, v15  }
0x2cb: {  	v17 =	vadd.f32 v24, v17;
	v18 =	vmul.f32 $4.604251380e-01, v18;
	v19 =	vmul.f32 $4.604251380e-01, v19  }
0x2cc: {  	s7 =	simm.s32 $0x1EE40;
	vm11 =	vgt.s32 v13, $0x1;
	v14 =	vtrunc.f32 v14;
	v15 =	vtrunc.f32 v15  }
0x2cd: {  	v13 =	vnsel vm11, $0x1, v13;
	[tilespmem:s7+$0x30] =	vst v17;
	v18 =	vtrunc.f32 v18;
	v14 =	vcvt.f32.s32 v14  }
0x2ce: {  	v34 =	vmin.u32 v13, $0x752F;
	v13 =	vld.idx.msk [tilespmem:v16+s19+$0x0], $0xffff;
	v15 =	vcvt.f32.s32 v15;
	v18 =	vcvt.f32.s32 v18  }
0x2cf: {  	v19 =	vtrunc.f32 v19  }
0x2d0: {  	v14 =	vadd.s32 $0x1, v14;
	v15 =	vadd.s32 $0x1, v15;
	v17 =	vadd.s32 $0x1, v18;
	v18 =	vld.idx.msk [tilespmem:v16+s18+$0x0], $0xffff  }
0x2d1: {  	v19 =	vcvt.f32.s32 v19;
	vm1 =	vgt.s32 v14, $0x1;
	vm12 =	vgt.s32 v15, $0x1  }
0x2d2: {  	vm13 =	vgt.s32 v17, $0x1;
	v14 =	vnsel vm1, $0x1, v14;
	v15 =	vnsel vm12, $0x1, v15  }
0x2d3: {  	v9 =	vmul.f32 v9, v13;
	v35 =	vmin.u32 v14, $0x752F;
	v14 =	vadd.s32 $0x1, v19  }
0x2d4: {  	s10 =	simm.s32 $0x1EAC0;
	v16 =	vnsel vm13, $0x1, v17;
	v32 =	vmin.u32 v15, $0x752F;
	vm14 =	vgt.s32 v14, $0x1  }
0x2d5: {  	v26 =	vld [tilespmem:s10+$0xFFFFFFC0];
	v25 =	vmin.u32 v16, $0x752F;
	v14 =	vnsel vm14, $0x1, v14;
	v9 =	vadd.f32 v9, v18  }
0x2d6: {  	v10 =	vadd.f32 $5.000000000e+02, v10;
	v15 =	vld [tilespmem:s10+$0x30];
	v16 =	vmin.u32 v14, $0x752F  }
0x2d7: {  	v14 =	vld.idx.msk [tilespmem:v34+s17+$0x0], $0xffff;
	v9 =	vadd.f32 $9.999999930e-09, v9  }
0x2d8: {  	v10 =	vmax.f32 v10, $3.800000000e+02;
	v12 =	vadd.f32 $5.000000000e+02, v12;
	v13 =	vld.idx.msk [tilespmem:v35+s17+$0x0], $0xffff  }
0x2d9: {  	v24 =	vmin.f32 v10, $6.553500000e+04;
	v10 =	vld.idx.msk [tilespmem:v32+s17+$0x0], $0xffff;
	v0 =	vmul.f32 v9, v0  }
0x2da: {  	v12 =	vmax.f32 v12, $3.800000000e+02;
	v17 =	vadd.f32 $-3.800000000e+02, v24;
	v19 =	vld.idx.msk [tilespmem:v25+s17+$0x0], $0xffff  }
0x2db: {  	v12 =	vmin.f32 v12, $6.553500000e+04;
	v15 =	vmul.f32 $2.000000000e+03, v15;
	v20 =	vld.idx.msk [tilespmem:v16+s17+$0x0], $0xffff;
	[tilespmem:$0x1FED0] =	vst v0  }
0x2dc: {  	v17 =	vmul.f32 $4.604251380e-01, v17;
	v18 =	vadd.f32 $-3.800000000e+02, v12;
	v0 =	vld [tilespmem:s10+$0xFFFFFFD0]  }
0x2dd: {  	v31 =	vadd.f32 $-5.000000000e+02, v15;
	v27 =	vld [tilespmem:s10+$0xFFFFFFE0]  }
0x2de: {  	v17 =	vtrunc.f32 v17;
	v18 =	vmul.f32 $4.604251380e-01, v18;
	v30 =	vld [tilespmem:s10+$0xFFFFFFF0]  }
0x2df: {  	s14 =	simm.s32 $0x1E6C0;
	v17 =	vcvt.f32.s32 v17;
	v29 =	vmul.f32 v23, v14;
	v14 =	vmax.f32 v31, $0.0e+00;
	v31 =	vld [tilespmem:s10+$0x10]  }
0x2e0: {  	v18 =	vtrunc.f32 v18;
	v52 =	vld [tilespmem:s14+$0x30];
	v28 =	vmul.f32 v21, v13  }
0x2e1: {  	v13 =	vld [tilespmem:s10+$0x0];
	v15 =	vmul.f32 v22, v10;
	v14 =	vmul.f32 $6.000000000e+02, v14  }
0x2e2: {  	v10 =	vmul.f32 $2.000000000e+03, v26;
	v26 =	vmul.f32 v8, v19;
	v19 =	vld [tilespmem:s10+$0x20]  }
0x2e3: {  	v18 =	vcvt.f32.s32 v18;
	v14 =	vadd.f32 $4.000000000e+02, v14;
	v0 =	vmul.f32 $2.000000000e+03, v0  }
0x2e4: {  	v10 =	vadd.f32 $-5.000000000e+02, v10;
	v46 =	vmul.f32 $2.000000000e+03, v27;
	v27 =	vmul.f32 v7, v20  }
0x2e5: {  	v20 =	vmul.f32 $2.000000000e+03, v30;
	v47 =	vshra.s32 v14, $0x1;
	v14 =	vmul.f32 $5.000000000e-01, v14  }
0x2e6: {  	v10 =	vmax.f32 v10, $0.0e+00;
	v31 =	vmul.f32 $2.000000000e+03, v31;
	v58 =	vmul.f32 $2.000000000e+03, v52  }
0x2e7: {  	v13 =	vmul.f32 $2.000000000e+03, v13;
	v19 =	vmul.f32 $2.000000000e+03, v19;
	v0 =	vadd.f32 $-5.000000000e+02, v0  }
0x2e8: {  	v10 =	vmul.f32 $6.000000000e+02, v10;
	v30 =	vadd.f32 $-5.000000000e+02, v46;
	v20 =	vadd.f32 $-5.000000000e+02, v20  }
0x2e9: {  	v33 =	vsub.s32 $0x5F3759DF, v47;
	v31 =	vadd.f32 $-5.000000000e+02, v31;
	v13 =	vadd.f32 $-5.000000000e+02, v13  }
0x2ea: {  	v48 =	vmul.f32 v33, v14;
	v19 =	vadd.f32 $-5.000000000e+02, v19;
	v10 =	vadd.f32 $4.000000000e+02, v10  }
0x2eb: {  	v0 =	vmax.f32 v0, $0.0e+00;
	v30 =	vmax.f32 v30, $0.0e+00;
	v20 =	vmax.f32 v20, $0.0e+00  }
0x2ec: {  	v47 =	vld [tilespmem:s14+$0xFFFFFFC0];
	v36 =	vmul.f32 v33, v48;
	v31 =	vmax.f32 v31, $0.0e+00;
	v0 =	vmul.f32 $6.000000000e+02, v0  }
0x2ed: {  	v13 =	vmax.f32 v13, $0.0e+00;
	v30 =	vmul.f32 $6.000000000e+02, v30;
	v20 =	vmul.f32 $6.000000000e+02, v20  }
0x2ee: {  	v19 =	vmax.f32 v19, $0.0e+00;
	v31 =	vmul.f32 $6.000000000e+02, v31;
	v49 =	vshra.s32 v10, $0x1  }
0x2ef: {  	v10 =	vmul.f32 $5.000000000e-01, v10;
	v36 =	vsub.f32 $1.500000000e+00, v36;
	v13 =	vmul.f32 $6.000000000e+02, v13  }
0x2f0: {  	v19 =	vmul.f32 $6.000000000e+02, v19;
	v0 =	vadd.f32 $4.000000000e+02, v0;
	v30 =	vadd.f32 $4.000000000e+02, v30  }
0x2f1: {  	v47 =	vmul.f32 $2.000000000e+03, v47;
	v20 =	vadd.f32 $4.000000000e+02, v20;
	v31 =	vadd.f32 $4.000000000e+02, v31  }
0x2f2: {  	v33 =	vmul.f32 v33, v36;
	v13 =	vadd.f32 $4.000000000e+02, v13;
	v19 =	vadd.f32 $4.000000000e+02, v19  }
0x2f3: {  	v50 =	vshra.s32 v0, $0x1;
	v0 =	vmul.f32 $5.000000000e-01, v0;
	v51 =	vshra.s32 v30, $0x1  }
0x2f4: {  	v30 =	vmul.f32 $5.000000000e-01, v30;
	v53 =	vshra.s32 v20, $0x1;
	v20 =	vmul.f32 $5.000000000e-01, v20  }
0x2f5: {  	v43 =	vshra.s32 v31, $0x1;
	v31 =	vmul.f32 $5.000000000e-01, v31;
	v14 =	vmul.f32 v33, v14  }
0x2f6: {  	v54 =	vshra.s32 v13, $0x1;
	v13 =	vmul.f32 $5.000000000e-01, v13;
	v55 =	vshra.s32 v19, $0x1  }
0x2f7: {  	v56 =	vsub.s32 $0x5F3759DF, v50;
	v37 =	vsub.s32 $0x5F3759DF, v51;
	v40 =	vsub.s32 $0x5F3759DF, v53  }
0x2f8: {  	v43 =	vsub.s32 $0x5F3759DF, v43;
	v50 =	vld [tilespmem:s14+$0xFFFFFFD0];
	v45 =	vmul.f32 v56, v0;
	v14 =	vmul.f32 v14, v33  }
0x2f9: {  	v41 =	vsub.s32 $0x5F3759DF, v54;
	v61 =	vmul.f32 v37, v30;
	v62 =	vmul.f32 v40, v20  }
0x2fa: {  	v48 =	vmul.f32 v41, v13;
	v45 =	vmul.f32 v56, v45;
	v14 =	vsub.f32 $1.500000000e+00, v14  }
0x2fb: {  	v60 =	vsub.s32 $0x5F3759DF, v55;
	v44 =	vmul.f32 v37, v61;
	v46 =	vmul.f32 v40, v62  }
0x2fc: {  	v48 =	vmul.f32 v41, v48;
	v45 =	vsub.f32 $1.500000000e+00, v45;
	v36 =	vmul.f32 v14, v33  }
0x2fd: {  	v50 =	vmul.f32 $2.000000000e+03, v50;
	v44 =	vsub.f32 $1.500000000e+00, v44;
	v14 =	vmul.f32 $5.000000000e-01, v19  }
0x2fe: {  	v19 =	vsub.s32 $0x5F3759DF, v49;
	v49 =	vmul.f32 v43, v31;
	v57 =	vmul.f32 $2.000000000e+01, v36  }
0x2ff: {  	v46 =	vsub.f32 $1.500000000e+00, v46;
	v59 =	vmul.f32 v19, v10;
	v33 =	vmul.f32 v56, v45  }
0x300: {  	v48 =	vsub.f32 $1.500000000e+00, v48;
	v37 =	vmul.f32 v37, v44;
	v38 =	vmul.f32 v57, v58  }
0x301: {  	v40 =	vmul.f32 v40, v46;
	v51 =	vmul.f32 v60, v14  }
0x302: {  	v49 =	vmul.f32 v43, v49;
	v41 =	vmul.f32 v41, v48;
	v38 =	vadd.f32 $5.000000000e+02, v38  }
0x303: {  	v17 =	vadd.s32 $0x1, v17;
	v42 =	vmul.f32 v19, v59;
	v0 =	vmul.f32 v33, v0  }
0x304: {  	v30 =	vmul.f32 v37, v30;
	v20 =	vmul.f32 v40, v20;
	v38 =	vmax.f32 v38, $3.800000000e+02  }
0x305: {  	v51 =	vmul.f32 v60, v51;
	v55 =	vsub.f32 $1.500000000e+00, v49;
	v38 =	vmin.f32 v38, $6.553500000e+04  }
0x306: {  	v13 =	vmul.f32 v41, v13;
	v0 =	vmul.f32 v0, v33;
	v63 =	vadd.f32 $-3.800000000e+02, v38  }
0x307: {  	v42 =	vsub.f32 $1.500000000e+00, v42;
	v30 =	vmul.f32 v30, v37;
	v20 =	vmul.f32 v20, v40  }
0x308: {  	v57 =	vsub.f32 $1.500000000e+00, v51;
	v13 =	vmul.f32 v13, v41;
	v52 =	vmul.f32 $4.604251380e-01, v63  }
0x309: {  	vm15 =	vgt.s32 v17, $0x1;
	v19 =	vmul.f32 v19, v42;
	v42 =	vmul.f32 v43, v55  }
0x30a: {  	v62 =	vnsel vm15, $0x1, v17;
	v39 =	vmul.f32 v60, v57;
	v56 =	vtrunc.f32 v52  }
0x30b: {  	v46 =	vld.idx.msk [tilespmem:v35+s4+$0x0], $0xffff;
	v59 =	vadd.s32 $0x1, v18;
	v10 =	vmul.f32 v19, v10;
	v58 =	vcvt.f32.s32 v56  }
0x30c: {  	vm5 =	vgt.s32 v59, $0x1;
	v49 =	vld [tilespmem:s14+$0xFFFFFFE0];
	v31 =	vmul.f32 v42, v31;
	v14 =	vmul.f32 v39, v14  }
0x30d: {  	v43 =	vld.idx.msk [tilespmem:v34+s4+$0x0], $0xffff;
	v0 =	vsub.f32 $1.500000000e+00, v0;
	v10 =	vmul.f32 v10, v19;
	v18 =	vadd.s32 $0x1, v58  }
0x30e: {  	v31 =	vmul.f32 v31, v42;
	v60 =	vmul.f32 v14, v39;
	vm4 =	vgt.s32 v18, $0x1  }
0x30f: {  	v48 =	vld.idx.msk [tilespmem:v32+s4+$0x0], $0xffff;
	v14 =	vsub.f32 $1.500000000e+00, v20;
	v20 =	vmul.f32 v0, v33;
	v18 =	vnsel vm4, $0x1, v18  }
0x310: {  	v0 =	vsub.f32 $1.500000000e+00, v13;
	v13 =	vsub.f32 $1.500000000e+00, v31;
	v31 =	vld [tilespmem:s14+$0x0];
	v44 =	vmin.u32 v18, $0x752F  }
0x311: {  	v46 =	vadd.f32 v28, v46;
	v28 =	vmul.f32 $2.000000000e+03, v49;
	v14 =	vmul.f32 v14, v40;
	v40 =	vld [tilespmem:s14+$0x10]  }
0x312: {  	v43 =	vadd.f32 v29, v43;
	v10 =	vsub.f32 $1.500000000e+00, v10;
	v17 =	vmul.f32 v0, v41  }
0x313: {  	v1 =	vmul.f32 v13, v42;
	v13 =	vnsel vm5, $0x1, v59;
	v59 =	vmul.f32 $2.000000000e+01, v20  }
0x314: {  	v52 =	vld [tilespmem:s14+$0xFFFFFFF0];
	v29 =	vmul.f32 $2.000000000e+01, v17;
	v18 =	vmul.f32 v10, v19;
	v10 =	vsub.f32 $1.500000000e+00, v30  }
0x315: {  	v61 =	vsub.f32 $1.500000000e+00, v60;
	v55 =	vmul.f32 $2.000000000e+01, v1;
	v31 =	vmul.f32 $2.000000000e+03, v31;
	v30 =	vld.idx.msk [tilespmem:v44+s17+$0x0], $0xffff;
	[tilespmem:$0x1FF10] =	vst v1  }
0x316: {  	v48 =	vadd.f32 v15, v48;
	v15 =	vmul.f32 $2.000000000e+03, v40;
	v19 =	vmul.f32 v10, v37;
	v63 =	vld.idx.msk [tilespmem:v44+s4+$0x0], $0xffff  }
0x317: {  	v0 =	vmul.f32 v61, v39;
	v29 =	vmul.f32 v29, v31;
	v58 =	vld [tilespmem:s14+$0x20]  }
0x318: {  	v33 =	vmin.u32 v62, $0x752F;
	v15 =	vmul.f32 v55, v15;
	v60 =	vmul.f32 $2.000000000e+01, v19;
	v61 =	vld.idx.msk [tilespmem:v25+s4+$0x0], $0xffff  }
0x319: {  	v53 =	vmul.f32 $2.000000000e+01, v14;
	v62 =	vmul.f32 $2.000000000e+01, v0;
	v29 =	vadd.f32 $5.000000000e+02, v29  }
0x31a: {  	v57 =	vmul.f32 $2.000000000e+01, v18;
	v15 =	vadd.f32 $5.000000000e+02, v15;
	v28 =	vmul.f32 v60, v28  }
0x31b: {  	v10 =	vmin.u32 v13, $0x752F;
	v55 =	vmax.f32 v29, $3.800000000e+02;
	v30 =	vmul.f32 v38, v30  }
0x31c: {  	v15 =	vmax.f32 v15, $3.800000000e+02;
	v54 =	vld.idx.msk [tilespmem:v16+s4+$0x0], $0xffff;
	v28 =	vadd.f32 $5.000000000e+02, v28;
	v37 =	vmul.f32 $2.000000000e+03, v58  }
0x31d: {  	v40 =	vadd.f32 v26, v61;
	v26 =	vmul.f32 v57, v47;
	v30 =	vadd.f32 v30, v63  }
0x31e: {  	s8 =	simm.s32 $0x1EEC0;
	[tilespmem:$0x1FE60] =	vst v0;
	v28 =	vmax.f32 v28, $3.800000000e+02;
	v63 =	vmul.f32 $2.000000000e+03, v52;
	v31 =	vmul.f32 v62, v37  }
0x31f: {  	v28 =	vmin.f32 v28, $6.553500000e+04;
	v26 =	vadd.f32 $5.000000000e+02, v26;
	[tilespmem:s8+$0x30] =	vst v30;
	v30 =	vmul.f32 v59, v50  }
0x320: {  	v58 =	vadd.f32 $-3.800000000e+02, v28;
	v41 =	vmul.f32 v53, v63;
	v31 =	vadd.f32 $5.000000000e+02, v31  }
0x321: {  	v39 =	vadd.f32 v27, v54;
	v27 =	vld.idx.msk [tilespmem:v44+s19+$0x0], $0xffff;
	v26 =	vmax.f32 v26, $3.800000000e+02;
	v30 =	vadd.f32 $5.000000000e+02, v30  }
0x322: {  	v54 =	vld.idx.msk [tilespmem:v33+s17+$0x0], $0xffff;
	v53 =	vadd.f32 $5.000000000e+02, v41;
	v41 =	vmul.f32 $4.604251380e-01, v58;
	v56 =	vmax.f32 v31, $3.800000000e+02  }
0x323: {  	v52 =	vld.idx.msk [tilespmem:v44+s18+$0x0], $0xffff;
	v31 =	vmin.f32 v26, $6.553500000e+04;
	v26 =	vmin.f32 v55, $6.553500000e+04;
	v30 =	vmax.f32 v30, $3.800000000e+02  }
0x324: {  	v37 =	vmax.f32 v53, $3.800000000e+02;
	v62 =	vadd.f32 $-3.800000000e+02, v26;
	v0 =	vmin.f32 v56, $6.553500000e+04  }
0x325: {  	v60 =	vld.idx.msk [tilespmem:v33+s4+$0x0], $0xffff;
	v41 =	vtrunc.f32 v41;
	v30 =	vmin.f32 v30, $6.553500000e+04;
	v29 =	vmin.f32 v37, $6.553500000e+04  }
0x326: {  	v41 =	vcvt.f32.s32 v41;
	v27 =	vmul.f32 v38, v27;
	v57 =	vadd.f32 $-3.800000000e+02, v30  }
0x327: {  	[tilespmem:$0x1FEC0] =	vst v0;
	v38 =	vmul.f32 v24, v54;
	v59 =	vadd.f32 $-3.800000000e+02, v29;
	v56 =	vmul.f32 $4.604251380e-01, v62  }
0x328: {  	v45 =	vld.idx.msk [tilespmem:v10+s17+$0x0], $0xffff;
	[tilespmem:s7+$0xFFFFFFC0] =	vst v43;
	v42 =	vadd.f32 v27, v52;
	v27 =	vmin.f32 v15, $6.553500000e+04;
	v15 =	vadd.f32 $-3.800000000e+02, v31  }
0x329: {  	[tilespmem:s7+$0xFFFFFFD0] =	vst v46;
	v50 =	vld.idx.msk [tilespmem:v34+s19+$0x0], $0xffff;
	v37 =	vmul.f32 $4.604251380e-01, v57;
	v63 =	vmul.f32 $4.604251380e-01, v59;
	v57 =	vadd.f32 $-3.800000000e+02, v0  }
0x32a: {  	v51 =	vld.idx.msk [tilespmem:v35+s19+$0x0], $0xffff;
	v38 =	vadd.f32 v38, v60;
	v43 =	vtrunc.f32 v56;
	v60 =	vadd.s32 $0x1, v41  }
0x32b: {  	v34 =	vld.idx.msk [tilespmem:v34+s18+$0x0], $0xffff;
	v46 =	vadd.f32 $-3.800000000e+02, v27;
	v59 =	vcvt.f32.s32 v43;
	vm8 =	vgt.s32 v60, $0x1  }
0x32c: {  	[tilespmem:s7+$0xFFFFFFE0] =	vst v48;
	v35 =	vld.idx.msk [tilespmem:v35+s18+$0x0], $0xffff;
	v61 =	vmul.f32 $4.604251380e-01, v15;
	v42 =	vadd.f32 $9.999999930e-09, v42;
	v37 =	vtrunc.f32 v37  }
0x32d: {  	[tilespmem:s7+$0x0] =	vst v39;
	v48 =	vld.idx.msk [tilespmem:v32+s19+$0x0], $0xffff;
	v44 =	vtrunc.f32 v63;
	v39 =	vnsel vm8, $0x1, v60;
	v55 =	vmul.f32 $4.604251380e-01, v57  }
0x32e: {  	v47 =	vld.idx.msk [tilespmem:v16+s19+$0x0], $0xffff;
	v37 =	vcvt.f32.s32 v37;
	v44 =	vcvt.f32.s32 v44;
	v63 =	vadd.s32 $0x1, v59  }
0x32f: {  	v53 =	vld.idx.msk [tilespmem:v32+s18+$0x0], $0xffff;
	v39 =	vmin.u32 v39, $0x752F;
	v46 =	vmul.f32 $4.604251380e-01, v46;
	v49 =	vtrunc.f32 v61  }
0x330: {  	v54 =	vld.idx.msk [tilespmem:v16+s18+$0x0], $0xffff;
	[tilespmem:s7+$0x10] =	vst v38;
	vm10 =	vgt.s32 v63, $0x1;
	v49 =	vcvt.f32.s32 v49;
	v37 =	vadd.s32 $0x1, v37  }
0x331: {  	[tilespmem:s7+$0xFFFFFFF0] =	vst v40;
	v38 =	vld.idx.msk [tilespmem:v33+s19+$0x0], $0xffff;
	v0 =	vmul.f32 v42, v36;
	v62 =	vadd.s32 $0x1, v44;
	vm7 =	vgt.s32 v37, $0x1  }
0x332: {  	vm9 =	vgt.s32 v62, $0x1;
	v58 =	vadd.s32 $0x1, v49;
	v49 =	vld.idx.msk [tilespmem:v25+s19+$0x0], $0xffff;
	v37 =	vnsel vm7, $0x1, v37  }
0x333: {  	v32 =	vtrunc.f32 v55;
	v25 =	vld.idx.msk [tilespmem:v25+s18+$0x0], $0xffff;
	v16 =	vnsel vm9, $0x1, v62;
	[tilespmem:$0x1FEE0] =	vst v0;
	v44 =	vmin.u32 v37, $0x752F  }
0x334: {  	s15 =	simm.s32 $0x1EB40;
	v23 =	vmul.f32 v23, v50;
	v37 =	vnsel vm10, $0x1, v63;
	v41 =	vmin.u32 v16, $0x752F;
	v59 =	vld.idx.msk [tilespmem:v39+s17+$0x0], $0xffff  }
0x335: {  	v21 =	vmul.f32 v21, v51;
	vm6 =	vgt.s32 v58, $0x1;
	v60 =	vld [tilespmem:s15+$0x30];
	v40 =	vmin.u32 v37, $0x752F  }
0x336: {  	v23 =	vadd.f32 v23, v34;
	v34 =	vmul.f32 v24, v38;
	v24 =	vld [tilespmem:s15+$0xFFFFFFC0];
	v61 =	vnsel vm6, $0x1, v58  }
0x337: {  	v22 =	vmul.f32 v22, v48;
	v7 =	vmul.f32 v7, v47;
	v52 =	vld [tilespmem:s15+$0xFFFFFFE0];
	v43 =	vmin.u32 v61, $0x752F  }
0x338: {  	v56 =	vtrunc.f32 v46;
	v21 =	vadd.f32 v21, v35;
	v23 =	vadd.f32 $9.999999930e-09, v23;
	v58 =	vld.idx.msk [tilespmem:v44+s17+$0x0], $0xffff  }
0x339: {  	v36 =	vcvt.f32.s32 v32;
	v8 =	vmul.f32 v8, v49;
	v61 =	vld.idx.msk [tilespmem:v41+s17+$0x0], $0xffff  }
0x33a: {  	v22 =	vadd.f32 v22, v53;
	v21 =	vadd.f32 $9.999999930e-09, v21;
	v0 =	vmul.f32 v23, v5;
	v62 =	vld.idx.msk [tilespmem:v40+s17+$0x0], $0xffff  }
0x33b: {  	v32 =	vmul.f32 v12, v45;
	v37 =	vcvt.f32.s32 v56;
	v8 =	vadd.f32 v8, v25;
	v25 =	vld [tilespmem:s15+$0xFFFFFFD0]  }
0x33c: {  	v63 =	vadd.f32 $9.999999930e-09, v22;
	v53 =	vmul.f32 $2.000000000e+03, v60;
	v57 =	vld.idx.msk [tilespmem:v43+s17+$0x0], $0xffff;
	[tilespmem:$0x1FEF0] =	vst v0;
	v0 =	vmul.f32 v21, v6  }
0x33d: {  	v46 =	vmul.f32 v28, v59;
	v56 =	vmul.f32 $2.000000000e+03, v24  }
0x33e: {  	v24 =	vmul.f32 v63, v4;
	v6 =	vadd.f32 $-5.000000000e+02, v53;
	v8 =	vadd.f32 $9.999999930e-09, v8;
	v5 =	vld [tilespmem:s15+$0xFFFFFFF0];
	[tilespmem:$0x1FF00] =	vst v0  }
0x33f: {  	v7 =	vadd.f32 v7, v54;
	v48 =	vmul.f32 v30, v58;
	v47 =	vmul.f32 v29, v61;
	v55 =	vld [tilespmem:s15+$0x0]  }
0x340: {  	v4 =	vld [tilespmem:s15+$0x10];
	v23 =	vmul.f32 v8, v3;
	v3 =	vmax.f32 v6, $0.0e+00;
	v8 =	vmul.f32 $2.000000000e+03, v52  }
0x341: {  	v6 =	vadd.f32 $9.999999930e-09, v7;
	v7 =	vld [tilespmem:s15+$0x20];
	v45 =	vmul.f32 v26, v62;
	v25 =	vmul.f32 $2.000000000e+03, v25  }
0x342: {  	s16 =	simm.s32 $0x1E740;
	v3 =	vmul.f32 $6.000000000e+02, v3;
	v35 =	vmul.f32 v31, v57;
	v57 =	vadd.f32 $-5.000000000e+02, v56  }
0x343: {  	v63 =	vld [tilespmem:s16+$0x30];
	v58 =	vadd.f32 $-5.000000000e+02, v25;
	v5 =	vmul.f32 $2.000000000e+03, v5;
	v25 =	vmul.f32 v6, v2  }
0x344: {  	v2 =	vadd.f32 $-5.000000000e+02, v8;
	v3 =	vadd.f32 $4.000000000e+02, v3;
	v8 =	vmax.f32 v57, $0.0e+00  }
0x345: {  	v6 =	vmul.f32 $2.000000000e+03, v55;
	v5 =	vadd.f32 $-5.000000000e+02, v5;
	v4 =	vmul.f32 $2.000000000e+03, v4  }
0x346: {  	v59 =	vshra.s32 v3, $0x1;
	v3 =	vmul.f32 $5.000000000e-01, v3;
	v7 =	vmul.f32 $2.000000000e+03, v7  }
0x347: {  	v42 =	vmax.f32 v58, $0.0e+00;
	v8 =	vmul.f32 $6.000000000e+02, v8;
	v38 =	vsub.s32 $0x5F3759DF, v59  }
0x348: {  	v2 =	vmax.f32 v2, $0.0e+00;
	v54 =	vmul.f32 $2.000000000e+03, v63;
	v60 =	vmul.f32 v38, v3  }
0x349: {  	v42 =	vmul.f32 $6.000000000e+02, v42;
	v2 =	vmul.f32 $6.000000000e+02, v2;
	v6 =	vadd.f32 $-5.000000000e+02, v6  }
0x34a: {  	v4 =	vadd.f32 $-5.000000000e+02, v4;
	v5 =	vmax.f32 v5, $0.0e+00;
	v49 =	vmul.f32 v38, v60  }
0x34b: {  	v7 =	vadd.f32 $-5.000000000e+02, v7;
	v8 =	vadd.f32 $4.000000000e+02, v8;
	v5 =	vmul.f32 $6.000000000e+02, v5  }
0x34c: {  	v42 =	vadd.f32 $4.000000000e+02, v42;
	v6 =	vmax.f32 v6, $0.0e+00;
	v49 =	vsub.f32 $1.500000000e+00, v49  }
0x34d: {  	v2 =	vadd.f32 $4.000000000e+02, v2;
	v4 =	vmax.f32 v4, $0.0e+00;
	v6 =	vmul.f32 $6.000000000e+02, v6  }
0x34e: {  	v7 =	vmax.f32 v7, $0.0e+00;
	v4 =	vmul.f32 $6.000000000e+02, v4;
	v38 =	vmul.f32 v38, v49  }
0x34f: {  	v7 =	vmul.f32 $6.000000000e+02, v7;
	v5 =	vadd.f32 $4.000000000e+02, v5;
	v61 =	vshra.s32 v42, $0x1  }
0x350: {  	v42 =	vmul.f32 $5.000000000e-01, v42;
	v62 =	vshra.s32 v2, $0x1;
	v3 =	vmul.f32 v38, v3  }
0x351: {  	v2 =	vmul.f32 $5.000000000e-01, v2;
	v53 =	vshra.s32 v5, $0x1;
	v5 =	vmul.f32 $5.000000000e-01, v5  }
0x352: {  	v51 =	vsub.s32 $0x5F3759DF, v62;
	v53 =	vsub.s32 $0x5F3759DF, v53;
	v3 =	vmul.f32 v3, v38  }
0x353: {  	v6 =	vadd.f32 $4.000000000e+02, v6;
	v4 =	vadd.f32 $4.000000000e+02, v4;
	v59 =	vmul.f32 v53, v5  }
0x354: {  	v7 =	vadd.f32 $4.000000000e+02, v7;
	v49 =	vshra.s32 v8, $0x1;
	v3 =	vsub.f32 $1.500000000e+00, v3  }
0x355: {  	v8 =	vmul.f32 $5.000000000e-01, v8;
	v60 =	vshra.s32 v6, $0x1;
	v59 =	vmul.f32 v53, v59  }
0x356: {  	v6 =	vmul.f32 $5.000000000e-01, v6;
	v56 =	vshra.s32 v4, $0x1;
	v50 =	vmul.f32 v3, v38  }
0x357: {  	v4 =	vmul.f32 $5.000000000e-01, v4;
	v55 =	vsub.s32 $0x5F3759DF, v60;
	v59 =	vsub.f32 $1.500000000e+00, v59  }
0x358: {  	v57 =	vshra.s32 v7, $0x1;
	v60 =	vmul.f32 v55, v6;
	v62 =	vmul.f32 $2.000000000e+01, v50  }
0x359: {  	v53 =	vmul.f32 v53, v59;
	v3 =	vmul.f32 $5.000000000e-01, v7;
	v7 =	vsub.s32 $0x5F3759DF, v61  }
0x35a: {  	v49 =	vsub.s32 $0x5F3759DF, v49;
	v58 =	vmul.f32 v7, v42;
	v52 =	vmul.f32 v62, v54  }
0x35b: {  	v57 =	vsub.s32 $0x5F3759DF, v57;
	v60 =	vmul.f32 v55, v60;
	v61 =	vmul.f32 v49, v8  }
0x35c: {  	v5 =	vmul.f32 v53, v5;
	v58 =	vmul.f32 v7, v58;
	v52 =	vadd.f32 $5.000000000e+02, v52  }
0x35d: {  	v56 =	vsub.s32 $0x5F3759DF, v56;
	v38 =	vmul.f32 v49, v61;
	v63 =	vmul.f32 v57, v3  }
0x35e: {  	v61 =	vld [tilespmem:s16+$0xFFFFFFC0];
	v5 =	vmul.f32 v5, v53;
	v58 =	vsub.f32 $1.500000000e+00, v58;
	v52 =	vmax.f32 v52, $3.800000000e+02  }
0x35f: {  	v54 =	vmul.f32 v51, v2;
	v38 =	vsub.f32 $1.500000000e+00, v38;
	v52 =	vmin.f32 v52, $6.553500000e+04  }
0x360: {  	v62 =	vmul.f32 v56, v4;
	v58 =	vmul.f32 v7, v58;
	v7 =	vadd.f32 $-3.800000000e+02, v52  }
0x361: {  	v63 =	vmul.f32 v57, v63;
	v38 =	vmul.f32 v49, v38  }
0x362: {  	v60 =	vsub.f32 $1.500000000e+00, v60;
	v54 =	vmul.f32 v51, v54;
	v7 =	vmul.f32 $4.604251380e-01, v7  }
0x363: {  	v49 =	vld [tilespmem:s16+$0xFFFFFFD0];
	v62 =	vmul.f32 v56, v62;
	v63 =	vsub.f32 $1.500000000e+00, v63;
	v61 =	vmul.f32 $2.000000000e+03, v61  }
0x364: {  	v54 =	vsub.f32 $1.500000000e+00, v54;
	v8 =	vmul.f32 v38, v8;
	v7 =	vtrunc.f32 v7  }
0x365: {  	v62 =	vsub.f32 $1.500000000e+00, v62;
	v42 =	vmul.f32 v58, v42;
	v7 =	vcvt.f32.s32 v7  }
0x366: {  	v36 =	vadd.s32 $0x1, v36;
	v51 =	vmul.f32 v51, v54;
	v54 =	vmul.f32 v55, v60  }
0x367: {  	v55 =	vmul.f32 v56, v62;
	v56 =	vmul.f32 v57, v63;
	v7 =	vadd.s32 $0x1, v7  }
0x368: {  	v49 =	vmul.f32 $2.000000000e+03, v49;
	v2 =	vmul.f32 v51, v2;
	vm11 =	vgt.s32 v7, $0x1  }
0x369: {  	v6 =	vmul.f32 v54, v6;
	v3 =	vmul.f32 v56, v3;
	v7 =	vnsel vm11, $0x1, v7  }
0x36a: {  	v2 =	vmul.f32 v2, v51;
	v57 =	vmin.u32 v7, $0x752F;
	v7 =	vmul.f32 v8, v38  }
0x36b: {  	v37 =	vadd.s32 $0x1, v37;
	v60 =	vld [tilespmem:s16+$0xFFFFFFE0];
	v6 =	vmul.f32 v6, v54;
	v8 =	vmul.f32 v42, v58  }
0x36c: {  	v33 =	vld.idx.msk [tilespmem:v33+s18+$0x0], $0xffff;
	v4 =	vmul.f32 v55, v4;
	v2 =	vsub.f32 $1.500000000e+00, v2;
	v7 =	vsub.f32 $1.500000000e+00, v7  }
0x36d: {  	v3 =	vmul.f32 v3, v56;
	v6 =	vsub.f32 $1.500000000e+00, v6;
	v42 =	vld.idx.msk [tilespmem:v10+s4+$0x0], $0xffff;
	v8 =	vsub.f32 $1.500000000e+00, v8  }
0x36e: {  	v0 =	vmul.f32 v7, v38;
	v38 =	vsub.f32 $1.500000000e+00, v5;
	v5 =	vmul.f32 v2, v51;
	v51 =	vld [tilespmem:s16+$0xFFFFFFF0]  }
0x36f: {  	vm12 =	vgt.s32 v37, $0x1;
	v4 =	vmul.f32 v4, v55;
	v9 =	vmul.f32 v8, v58;
	v58 =	vld [tilespmem:s16+$0x20]  }
0x370: {  	v60 =	vmul.f32 $2.000000000e+03, v60;
	v2 =	vsub.f32 $1.500000000e+00, v3;
	v3 =	vmul.f32 v6, v54;
	v59 =	vld.idx.msk [tilespmem:v57+s17+$0x0], $0xffff  }
0x371: {  	v63 =	vsub.f32 $1.500000000e+00, v4;
	v4 =	vmul.f32 v38, v53;
	v53 =	vld [tilespmem:s16+$0x0];
	v54 =	vmul.f32 $2.000000000e+01, v0  }
0x372: {  	v37 =	vnsel vm12, $0x1, v37;
	v38 =	vld.idx.msk [tilespmem:v57+s4+$0x0], $0xffff;
	v7 =	vmovc v0;
	v0 =	vmul.f32 v2, v56;
	v56 =	vmul.f32 $2.000000000e+01, v9  }
0x373: {  	v1 =	vmul.f32 v63, v55;
	v55 =	vadd.f32 v32, v42;
	v42 =	vld [tilespmem:s16+$0x10];
	v8 =	vmovc v9;
	[tilespmem:$0x1FE70] =	vst v5;
	v9 =	vmul.f32 $2.000000000e+01, v3  }
0x374: {  	v33 =	vadd.f32 v34, v33;
	[tilespmem:$0x1FE80] =	vst v4;
	v62 =	vmul.f32 $2.000000000e+01, v4;
	v49 =	vmul.f32 v56, v49  }
0x375: {  	v34 =	vmin.u32 v37, $0x752F;
	v63 =	vld.idx.msk [tilespmem:v43+s4+$0x0], $0xffff;
	[tilespmem:$0x1FE90] =	vst v3;
	v37 =	vmul.f32 $2.000000000e+03, v51;
	v32 =	vmul.f32 v52, v59  }
0x376: {  	vm13 =	vgt.s32 v36, $0x1;
	[tilespmem:$0x1FEA0] =	vst v1;
	v59 =	vmul.f32 $2.000000000e+01, v5;
	v51 =	vmul.f32 $2.000000000e+03, v53  }
0x377: {  	[tilespmem:$0x1FEB0] =	vst v0;
	v37 =	vmul.f32 v62, v37;
	v32 =	vadd.f32 v32, v38;
	v38 =	vmul.f32 $2.000000000e+01, v1  }
0x378: {  	s23 =	simm.s32 $0x1EF40;
	v36 =	vnsel vm13, $0x1, v36;
	v56 =	vld.idx.msk [tilespmem:v39+s4+$0x0], $0xffff;
	v1 =	vmul.f32 $2.000000000e+01, v0;
	v60 =	vmul.f32 v59, v60  }
0x379: {  	v9 =	vmul.f32 v9, v51;
	v59 =	vadd.f32 $5.000000000e+02, v37;
	[tilespmem:s23+$0x30] =	vst v32;
	v32 =	vmin.u32 v36, $0x752F  }
0x37a: {  	v36 =	vmul.f32 $2.000000000e+03, v42;
	v42 =	vmul.f32 v54, v61;
	v61 =	vadd.f32 $9.999999930e-09, v33  }
0x37b: {  	v33 =	vmul.f32 $2.000000000e+03, v58;
	v54 =	vadd.f32 v35, v63;
	v58 =	vadd.f32 $5.000000000e+02, v49;
	v53 =	vld.idx.msk [tilespmem:v57+s19+$0x0], $0xffff  }
0x37c: {  	v35 =	vadd.f32 $5.000000000e+02, v60;
	v63 =	vld.idx.msk [tilespmem:v57+s18+$0x0], $0xffff;
	v9 =	vadd.f32 $5.000000000e+02, v9  }
0x37d: {  	v46 =	vadd.f32 v46, v56;
	v42 =	vadd.f32 $5.000000000e+02, v42;
	v49 =	vmul.f32 v1, v33;
	v1 =	vld.idx.msk [tilespmem:v34+s17+$0x0], $0xffff  }
0x37e: {  	v51 =	vmul.f32 v38, v36;
	v36 =	vmax.f32 v58, $3.800000000e+02;
	v35 =	vmax.f32 v35, $3.800000000e+02  }
0x37f: {  	[tilespmem:s7+$0x20] =	vst v55;
	v55 =	vld.idx.msk [tilespmem:v34+s4+$0x0], $0xffff;
	v33 =	vmax.f32 v59, $3.800000000e+02;
	v9 =	vmax.f32 v9, $3.800000000e+02;
	v38 =	vmin.f32 v36, $6.553500000e+04  }
0x380: {  	v36 =	vmin.f32 v35, $6.553500000e+04;
	v37 =	vmin.f32 v33, $6.553500000e+04;
	v60 =	vmul.f32 v52, v53;
	v53 =	vld.idx.msk [tilespmem:v44+s4+$0x0], $0xffff  }
0x381: {  	v62 =	vmax.f32 v42, $3.800000000e+02;
	v58 =	vadd.f32 $-3.800000000e+02, v38;
	v59 =	vadd.f32 $-3.800000000e+02, v36  }
0x382: {  	v42 =	vmin.f32 v62, $6.553500000e+04;
	v1 =	vmul.f32 v27, v1;
	v52 =	vadd.f32 v60, v63  }
0x383: {  	[tilespmem:s8+$0xFFFFFFE0] =	vst v46;
	v35 =	vmin.f32 v9, $6.553500000e+04;
	v57 =	vadd.f32 $-3.800000000e+02, v42;
	v60 =	vadd.f32 $-3.800000000e+02, v37  }
0x384: {  	v58 =	vmul.f32 $4.604251380e-01, v58;
	v1 =	vadd.f32 v1, v55;
	v55 =	vld.idx.msk [tilespmem:v39+s19+$0x0], $0xffff;
	v9 =	vadd.f32 $9.999999930e-09, v52  }
0x385: {  	v52 =	vld.idx.msk [tilespmem:v41+s4+$0x0], $0xffff;
	v48 =	vadd.f32 v48, v53;
	v53 =	vmul.f32 $4.604251380e-01, v59;
	v59 =	vmul.f32 $4.604251380e-01, v60  }
0x386: {  	v33 =	vmul.f32 v9, v50;
	v50 =	vmul.f32 $4.604251380e-01, v57;
	v57 =	vadd.f32 $-3.800000000e+02, v35  }
0x387: {  	v62 =	vadd.f32 $5.000000000e+02, v51;
	v53 =	vtrunc.f32 v53;
	v51 =	vtrunc.f32 v59  }
0x388: {  	s31 =	simm.s32 $0x1EBC0;
	v9 =	vld.idx.msk [tilespmem:v40+s4+$0x0], $0xffff;
	v63 =	vmul.f32 $4.604251380e-01, v57;
	v50 =	vtrunc.f32 v50  }
0x389: {  	[tilespmem:s8+$0xFFFFFFC0] =	vst v54;
	v57 =	vld [tilespmem:s31+$0x30];
	v51 =	vcvt.f32.s32 v51;
	v28 =	vmul.f32 v28, v55  }
0x38a: {  	v56 =	vld.idx.msk [tilespmem:v43+s19+$0x0], $0xffff;
	v47 =	vadd.f32 v47, v52;
	v52 =	vtrunc.f32 v58;
	v54 =	vtrunc.f32 v63  }
0x38b: {  	v43 =	vld.idx.msk [tilespmem:v43+s18+$0x0], $0xffff;
	[tilespmem:s8+$0xFFFFFFD0] =	vst v48;
	v63 =	vcvt.f32.s32 v50;
	v59 =	vcvt.f32.s32 v52  }
0x38c: {  	v58 =	vld.idx.msk [tilespmem:v44+s19+$0x0], $0xffff;
	v52 =	vmax.f32 v62, $3.800000000e+02;
	v62 =	vcvt.f32.s32 v53;
	v50 =	vadd.s32 $0x1, v51  }
0x38d: {  	v39 =	vld.idx.msk [tilespmem:v39+s18+$0x0], $0xffff;
	[tilespmem:s8+$0x10] =	vst v1;
	v9 =	vadd.f32 v45, v9;
	v45 =	vadd.s32 $0x1, v63;
	v63 =	vcvt.f32.s32 v54  }
0x38e: {  	v1 =	vld.idx.msk [tilespmem:v34+s19+$0x0], $0xffff;
	v54 =	vadd.s32 $0x1, v59;
	v48 =	vadd.s32 $0x1, v62;
	v62 =	vmul.f32 $2.000000000e+03, v57  }
0x38f: {  	v44 =	vld.idx.msk [tilespmem:v44+s18+$0x0], $0xffff;
	[tilespmem:s8+$0xFFFFFFF0] =	vst v47;
	vm14 =	vgt.s32 v45, $0x1;
	vm15 =	vgt.s32 v54, $0x1;
	vm2 =	vgt.s32 v48, $0x1  }
0x390: {  	v60 =	vld.idx.msk [tilespmem:v10+s19+$0x0], $0xffff;
	[tilespmem:s8+$0x0] =	vst v9;
	v9 =	vadd.s32 $0x1, v63;
	v45 =	vnsel vm14, $0x1, v45;
	v46 =	vadd.f32 $-5.000000000e+02, v62  }
0x391: {  	v59 =	vld.idx.msk [tilespmem:v41+s19+$0x0], $0xffff;
	v53 =	vnsel vm15, $0x1, v54;
	v30 =	vmul.f32 v30, v58;
	vm4 =	vgt.s32 v9, $0x1  }
0x392: {  	v63 =	vld.idx.msk [tilespmem:v40+s19+$0x0], $0xffff;
	v51 =	vnsel vm4, $0x1, v9;
	v9 =	vmul.f32 v31, v56;
	v31 =	vmax.f32 v46, $0.0e+00  }
0x393: {  	v54 =	vnsel vm2, $0x1, v48;
	v48 =	vmul.f32 v27, v1;
	v31 =	vmul.f32 $6.000000000e+02, v31  }
0x394: {  	v41 =	vld.idx.msk [tilespmem:v41+s18+$0x0], $0xffff;
	v47 =	vmin.u32 v45, $0x752F;
	v27 =	vadd.f32 v30, v44;
	v44 =	vmul.f32 v61, v11  }
0x395: {  	v40 =	vld.idx.msk [tilespmem:v40+s18+$0x0], $0xffff;
	v46 =	vmul.f32 v12, v60;
	v12 =	vadd.f32 v28, v39;
	v1 =	vadd.f32 $4.000000000e+02, v31  }
0x396: {  	v29 =	vmul.f32 v29, v59;
	v28 =	vld [tilespmem:s31+$0xFFFFFFC0];
	v9 =	vadd.f32 v9, v43;
	v27 =	vadd.f32 $9.999999930e-09, v27  }
0x397: {  	v30 =	vld [tilespmem:s31+$0xFFFFFFD0];
	v26 =	vmul.f32 v26, v63;
	v31 =	vshra.s32 v1, $0x1;
	v1 =	vmul.f32 $5.000000000e-01, v1  }
0x398: {  	v12 =	vadd.f32 $9.999999930e-09, v12;
	v9 =	vadd.f32 $9.999999930e-09, v9;
	v31 =	vsub.s32 $0x5F3759DF, v31  }
0x399: {  	v60 =	vld [tilespmem:s31+$0xFFFFFFE0];
	v29 =	vadd.f32 v29, v41;
	v39 =	vmul.f32 v27, v20;
	v62 =	vmul.f32 v31, v1  }
0x39a: {  	v11 =	vadd.f32 v26, v40;
	v26 =	vld [tilespmem:s31+$0xFFFFFFF0];
	v43 =	vmul.f32 v12, v19;
	v45 =	vmul.f32 v9, v18  }
0x39b: {  	v19 =	vld [tilespmem:s31+$0x20];
	v18 =	vadd.f32 $9.999999930e-09, v29;
	v20 =	vmul.f32 $2.000000000e+03, v28;
	v28 =	vmul.f32 v31, v62  }
0x39c: {  	v12 =	vmul.f32 $2.000000000e+03, v30;
	v9 =	vld [tilespmem:s31+$0x0]  }
0x39d: {  	v11 =	vadd.f32 $9.999999930e-09, v11;
	v41 =	vmul.f32 v18, v14;
	v18 =	vsub.f32 $1.500000000e+00, v28  }
0x39e: {  	v54 =	vmin.u32 v54, $0x752F;
	v14 =	vmul.f32 $2.000000000e+03, v60;
	v20 =	vadd.f32 $-5.000000000e+02, v20  }
0x39f: {  	v27 =	vld [tilespmem:s31+$0x10];
	v40 =	vmul.f32 v11, v17;
	v11 =	vadd.f32 $-5.000000000e+02, v12;
	v17 =	vmul.f32 v31, v18  }
0x3a0: {  	v12 =	vmul.f32 $2.000000000e+03, v26;
	v14 =	vadd.f32 $-5.000000000e+02, v14;
	v19 =	vmul.f32 $2.000000000e+03, v19  }
0x3a1: {  	v9 =	vmul.f32 $2.000000000e+03, v9;
	v11 =	vmax.f32 v11, $0.0e+00;
	v1 =	vmul.f32 v17, v1  }
0x3a2: {  	s6 =	simm.s32 $0x1E7C0;
	v12 =	vadd.f32 $-5.000000000e+02, v12;
	v14 =	vmax.f32 v14, $0.0e+00;
	v19 =	vadd.f32 $-5.000000000e+02, v19  }
0x3a3: {  	v26 =	vld [tilespmem:s6+$0x30];
	v11 =	vmul.f32 $6.000000000e+02, v11;
	v9 =	vadd.f32 $-5.000000000e+02, v9;
	v1 =	vmul.f32 v1, v17  }
0x3a4: {  	v18 =	vmax.f32 v20, $0.0e+00;
	v20 =	vmul.f32 $2.000000000e+03, v27;
	v12 =	vmax.f32 v12, $0.0e+00  }
0x3a5: {  	v27 =	vmul.f32 $6.000000000e+02, v14;
	v9 =	vmax.f32 v9, $0.0e+00;
	v1 =	vsub.f32 $1.500000000e+00, v1  }
0x3a6: {  	v18 =	vmul.f32 $6.000000000e+02, v18;
	v12 =	vmul.f32 $6.000000000e+02, v12;
	v20 =	vadd.f32 $-5.000000000e+02, v20  }
0x3a7: {  	v19 =	vmax.f32 v19, $0.0e+00;
	v9 =	vmul.f32 $6.000000000e+02, v9;
	v22 =	vmul.f32 v1, v17  }
0x3a8: {  	v26 =	vmul.f32 $2.000000000e+03, v26;
	v12 =	vadd.f32 $4.000000000e+02, v12;
	v20 =	vmax.f32 v20, $0.0e+00  }
0x3a9: {  	v9 =	vadd.f32 $4.000000000e+02, v9;
	v1 =	vmul.f32 $6.000000000e+02, v20;
	v20 =	vmul.f32 $2.000000000e+01, v22  }
0x3aa: {  	v11 =	vadd.f32 $4.000000000e+02, v11;
	v18 =	vadd.f32 $4.000000000e+02, v18;
	v29 =	vshra.s32 v12, $0x1  }
0x3ab: {  	v12 =	vmul.f32 $5.000000000e-01, v12;
	v30 =	vshra.s32 v9, $0x1;
	v20 =	vmul.f32 v20, v26  }
0x3ac: {  	v9 =	vmul.f32 $5.000000000e-01, v9;
	v29 =	vsub.s32 $0x5F3759DF, v29;
	v17 =	vmul.f32 $6.000000000e+02, v19  }
0x3ad: {  	v19 =	vadd.f32 $4.000000000e+02, v27;
	v27 =	vshra.s32 v18, $0x1;
	v20 =	vadd.f32 $5.000000000e+02, v20  }
0x3ae: {  	v18 =	vmul.f32 $5.000000000e-01, v18;
	v27 =	vsub.s32 $0x5F3759DF, v27;
	v1 =	vadd.f32 $4.000000000e+02, v1  }
0x3af: {  	v17 =	vadd.f32 $4.000000000e+02, v17;
	v28 =	vshra.s32 v19, $0x1;
	v20 =	vmax.f32 v20, $3.800000000e+02  }
0x3b0: {  	v19 =	vmul.f32 $5.000000000e-01, v19;
	v61 =	vmul.f32 v27, v18;
	v20 =	vmin.f32 v20, $6.553500000e+04  }
0x3b1: {  	v28 =	vsub.s32 $0x5F3759DF, v28;
	v26 =	vshra.s32 v11, $0x1;
	v60 =	vadd.f32 $-3.800000000e+02, v20  }
0x3b2: {  	v11 =	vmul.f32 $5.000000000e-01, v11;
	v31 =	vshra.s32 v1, $0x1;
	v1 =	vmul.f32 $5.000000000e-01, v1  }
0x3b3: {  	v63 =	vshra.s32 v17, $0x1;
	v17 =	vmul.f32 $5.000000000e-01, v17;
	v56 =	vmul.f32 $4.604251380e-01, v60  }
0x3b4: {  	v57 =	vmul.f32 v27, v61;
	v59 =	vmul.f32 v28, v19;
	v26 =	vsub.s32 $0x5F3759DF, v26  }
0x3b5: {  	v30 =	vsub.s32 $0x5F3759DF, v30;
	v62 =	vmul.f32 v26, v11;
	v56 =	vtrunc.f32 v56  }
0x3b6: {  	v61 =	vmul.f32 v30, v9;
	v57 =	vsub.f32 $1.500000000e+00, v57;
	v56 =	vcvt.f32.s32 v56  }
0x3b7: {  	v31 =	vsub.s32 $0x5F3759DF, v31;
	v59 =	vmul.f32 v28, v59;
	v58 =	vmul.f32 v26, v62  }
0x3b8: {  	v27 =	vmul.f32 v27, v57;
	v57 =	vmul.f32 v31, v1;
	v56 =	vadd.s32 $0x1, v56  }
0x3b9: {  	v61 =	vmul.f32 v30, v61;
	v59 =	vsub.f32 $1.500000000e+00, v59;
	vm6 =	vgt.s32 v56, $0x1  }
0x3ba: {  	v58 =	vsub.f32 $1.500000000e+00, v58;
	v57 =	vmul.f32 v31, v57;
	v56 =	vnsel vm6, $0x1, v56  }
0x3bb: {  	v28 =	vmul.f32 v28, v59;
	v60 =	vmul.f32 v29, v12;
	v56 =	vmin.u32 v56, $0x752F  }
0x3bc: {  	v55 =	vsub.s32 $0x5F3759DF, v63;
	v18 =	vmul.f32 v27, v18;
	v26 =	vmul.f32 v26, v58  }
0x3bd: {  	v51 =	vmin.u32 v51, $0x752F;
	v58 =	vmul.f32 v55, v17;
	v60 =	vmul.f32 v29, v60  }
0x3be: {  	v57 =	vsub.f32 $1.500000000e+00, v57;
	v18 =	vmul.f32 v18, v27;
	v11 =	vmul.f32 v26, v11  }
0x3bf: {  	v19 =	vmul.f32 v28, v19;
	v58 =	vmul.f32 v55, v58;
	v60 =	vsub.f32 $1.500000000e+00, v60  }
0x3c0: {  	v61 =	vsub.f32 $1.500000000e+00, v61;
	v31 =	vmul.f32 v31, v57;
	v11 =	vmul.f32 v11, v26;
	v57 =	vld.idx.msk [tilespmem:v56+s17+$0x0], $0xffff  }
0x3c1: {  	v19 =	vmul.f32 v19, v28;
	v59 =	vmul.f32 v29, v60;
	v29 =	vsub.f32 $1.500000000e+00, v58  }
0x3c2: {  	v18 =	vsub.f32 $1.500000000e+00, v18;
	v60 =	vmul.f32 v30, v61;
	v11 =	vsub.f32 $1.500000000e+00, v11;
	v61 =	vld.idx.msk [tilespmem:v56+s4+$0x0], $0xffff  }
0x3c3: {  	v13 =	vld [tilespmem:s6+$0xFFFFFFD0];
	v19 =	vsub.f32 $1.500000000e+00, v19;
	v55 =	vmul.f32 v55, v29  }
0x3c4: {  	v0 =	vmovc v10;
	v10 =	vld [tilespmem:s6+$0xFFFFFFC0];
	v52 =	vmin.f32 v52, $6.553500000e+04;
	v29 =	vmul.f32 v18, v27;
	v30 =	vmul.f32 v11, v26  }
0x3c5: {  	v15 =	vld.idx.msk [tilespmem:v54+s4+$0x0], $0xffff;
	v27 =	vmul.f32 v19, v28;
	v19 =	vadd.f32 $-3.800000000e+02, v52;
	v11 =	vmul.f32 v20, v57  }
0x3c6: {  	vm3 =	vgt.s32 v50, $0x1;
	v16 =	vld.idx.msk [tilespmem:v51+s17+$0x0], $0xffff;
	v12 =	vmul.f32 v59, v12  }
0x3c7: {  	v53 =	vmin.u32 v53, $0x752F;
	v63 =	vld.idx.msk [tilespmem:v47+s17+$0x0], $0xffff;
	v19 =	vmul.f32 $4.604251380e-01, v19;
	v11 =	vadd.f32 v11, v61  }
0x3c8: {  	s7 =	simm.s32 $0x1EFC0;
	v49 =	vadd.f32 $5.000000000e+02, v49;
	v50 =	vnsel vm3, $0x1, v50;
	v62 =	vld.idx.msk [tilespmem:v32+s4+$0x0], $0xffff;
	v12 =	vmul.f32 v12, v59  }
0x3c9: {  	v50 =	vmin.u32 v50, $0x752F;
	v1 =	vmul.f32 v31, v1;
	v58 =	vld.idx.msk [tilespmem:v32+s17+$0x0], $0xffff;
	v19 =	vtrunc.f32 v19;
	[tilespmem:s7+$0x30] =	vst v11  }
0x3ca: {  	v10 =	vmul.f32 $2.000000000e+03, v10;
	v12 =	vsub.f32 $1.500000000e+00, v12;
	v14 =	vcvt.f32.s32 v19;
	v19 =	vld.idx.msk [tilespmem:v56+s19+$0x0], $0xffff  }
0x3cb: {  	v1 =	vmul.f32 v1, v31;
	v9 =	vmul.f32 v60, v9;
	v2 =	vld [tilespmem:$0x1FEC0]  }
0x3cc: {  	v18 =	vld.idx.msk [tilespmem:v53+s17+$0x0], $0xffff;
	v28 =	vmul.f32 v12, v59;
	v12 =	vmax.f32 v49, $3.800000000e+02;
	v49 =	vmul.f32 $2.000000000e+01, v29  }
0x3cd: {  	v13 =	vmul.f32 $2.000000000e+03, v13;
	v1 =	vsub.f32 $1.500000000e+00, v1;
	v59 =	vld.idx.msk [tilespmem:v47+s4+$0x0], $0xffff;
	v14 =	vadd.s32 $0x1, v14  }
0x3ce: {  	v9 =	vmul.f32 v9, v60;
	v10 =	vmul.f32 v49, v10;
	vm7 =	vgt.s32 v14, $0x1;
	v61 =	vld.idx.msk [tilespmem:v50+s17+$0x0], $0xffff  }
0x3cf: {  	v14 =	vnsel vm7, $0x1, v14;
	v11 =	vmul.f32 v1, v31;
	v1 =	vmul.f32 $2.000000000e+01, v30;
	v56 =	vld.idx.msk [tilespmem:v56+s18+$0x0], $0xffff  }
0x3d0: {  	v49 =	vmin.u32 v14, $0x752F;
	v19 =	vmul.f32 v20, v19;
	v20 =	vmul.f32 v2, v58;
	v58 =	vld.idx.msk [tilespmem:v50+s4+$0x0], $0xffff  }
0x3d1: {  	v14 =	vmul.f32 v42, v63;
	v21 =	vmul.f32 v1, v13;
	v13 =	vld [tilespmem:s6+$0xFFFFFFF0]  }
0x3d2: {  	v9 =	vsub.f32 $1.500000000e+00, v9;
	v20 =	vadd.f32 v20, v62;
	v62 =	vld.idx.msk [tilespmem:v51+s4+$0x0], $0xffff  }
0x3d3: {  	v17 =	vmul.f32 v55, v17;
	v57 =	vld.idx.msk [tilespmem:v54+s17+$0x0], $0xffff;
	v14 =	vadd.f32 v14, v59;
	v59 =	vmul.f32 v37, v61  }
0x3d4: {  	v26 =	vmul.f32 v9, v60;
	v60 =	vld.idx.msk [tilespmem:v53+s4+$0x0], $0xffff  }
0x3d5: {  	v16 =	vmul.f32 v35, v16;
	v17 =	vmul.f32 v17, v55;
	v58 =	vadd.f32 v59, v58;
	v59 =	vld.idx.msk [tilespmem:v49+s17+$0x0], $0xffff  }
0x3d6: {  	v18 =	vmul.f32 v38, v18;
	v63 =	vmul.f32 $2.000000000e+01, v28  }
0x3d7: {  	[tilespmem:s23+$0xFFFFFFC0] =	vst v14;
	v13 =	vmul.f32 $2.000000000e+03, v13;
	v14 =	vadd.f32 v19, v56;
	v19 =	vld.idx.msk [tilespmem:v49+s4+$0x0], $0xffff;
	v16 =	vadd.f32 v16, v62  }
0x3d8: {  	v17 =	vsub.f32 $1.500000000e+00, v17;
	v12 =	vmin.f32 v12, $6.553500000e+04;
	v57 =	vmul.f32 v36, v57;
	[tilespmem:s23+$0xFFFFFFF0] =	vst v58  }
0x3d9: {  	v9 =	vadd.f32 $-3.800000000e+02, v12;
	v18 =	vadd.f32 v18, v60;
	v13 =	vmul.f32 v63, v13;
	[tilespmem:s23+$0x0] =	vst v16;
	v16 =	vld.idx.msk [tilespmem:v50+s19+$0x0], $0xffff  }
0x3da: {  	v31 =	vmul.f32 v17, v55;
	v55 =	vld [tilespmem:s6+$0x0];
	v15 =	vadd.f32 v57, v15;
	v59 =	vmul.f32 v52, v59  }
0x3db: {  	v9 =	vmul.f32 $4.604251380e-01, v9;
	v60 =	vld [tilespmem:s6+$0x10];
	[tilespmem:s8+$0x20] =	vst v20;
	v20 =	vadd.f32 $5.000000000e+02, v21;
	v13 =	vadd.f32 $5.000000000e+02, v13  }
0x3dc: {  	v17 =	vld [tilespmem:s6+$0xFFFFFFE0];
	[tilespmem:s23+$0xFFFFFFD0] =	vst v18;
	v19 =	vadd.f32 v59, v19  }
0x3dd: {  	v9 =	vtrunc.f32 v9;
	v57 =	vld [tilespmem:s6+$0x20];
	[tilespmem:s23+$0xFFFFFFE0] =	vst v15;
	v20 =	vmax.f32 v20, $3.800000000e+02;
	v13 =	vmax.f32 v13, $3.800000000e+02  }
0x3de: {  	[tilespmem:s23+$0x10] =	vst v19;
	v19 =	vmin.f32 v20, $6.553500000e+04;
	v20 =	vmin.f32 v13, $6.553500000e+04;
	v13 =	vmul.f32 v37, v16;
	v37 =	vld.idx.msk [tilespmem:v0+s18+$0x0], $0xffff  }
0x3df: {  	v1 =	vmul.f32 $2.000000000e+01, v26;
	v55 =	vmul.f32 $2.000000000e+03, v55;
	v0 =	vld [tilespmem:$0x1FED0]  }
0x3e0: {  	v9 =	vcvt.f32.s32 v9;
	v61 =	vmul.f32 $2.000000000e+01, v27  }
0x3e1: {  	v17 =	vmul.f32 $2.000000000e+03, v17;
	v1 =	vmul.f32 v1, v55  }
0x3e2: {  	v55 =	vmul.f32 $2.000000000e+03, v60;
	v60 =	vmul.f32 $2.000000000e+01, v11  }
0x3e3: {  	s15 =	simm.s32 $0x1F240;
	v9 =	vadd.s32 $0x1, v9;
	v17 =	vmul.f32 v61, v17;
	v61 =	vmul.f32 $2.000000000e+01, v31;
	v56 =	vld.idx.msk [tilespmem:v47+s19+$0x0], $0xffff  }
0x3e4: {  	vm8 =	vgt.s32 v9, $0x1;
	v57 =	vmul.f32 $2.000000000e+03, v57;
	v47 =	vld.idx.msk [tilespmem:v47+s18+$0x0], $0xffff;
	v60 =	vmul.f32 v60, v55;
	[tilespmem:s15+$0x30] =	vst v0  }
0x3e5: {  	v9 =	vnsel vm8, $0x1, v9;
	v17 =	vadd.f32 $5.000000000e+02, v17;
	v14 =	vadd.f32 $9.999999930e-09, v14;
	v0 =	vld [tilespmem:$0x1FEE0]  }
0x3e6: {  	v1 =	vadd.f32 $5.000000000e+02, v1;
	v18 =	vmul.f32 v61, v57;
	v21 =	vld.idx.msk [tilespmem:v54+s19+$0x0], $0xffff;
	v63 =	vadd.f32 $5.000000000e+02, v60  }
0x3e7: {  	v55 =	vmul.f32 v14, v22;
	v14 =	vmin.u32 v9, $0x752F;
	v9 =	vadd.f32 $5.000000000e+02, v10;
	v10 =	vld.idx.msk [tilespmem:v53+s19+$0x0], $0xffff  }
0x3e8: {  	v17 =	vmax.f32 v17, $3.800000000e+02;
	v1 =	vmax.f32 v1, $3.800000000e+02;
	v22 =	vld.idx.msk [tilespmem:v32+s19+$0x0], $0xffff;
	v18 =	vadd.f32 $5.000000000e+02, v18  }
0x3e9: {  	s8 =	simm.s32 $0x1F2C0;
	v17 =	vmin.f32 v17, $6.553500000e+04;
	v53 =	vld.idx.msk [tilespmem:v53+s18+$0x0], $0xffff;
	v15 =	vmul.f32 v42, v56;
	v9 =	vmax.f32 v9, $3.800000000e+02  }
0x3ea: {  	v42 =	vmax.f32 v63, $3.800000000e+02;
	v61 =	vmax.f32 v18, $3.800000000e+02;
	v18 =	vmin.f32 v9, $6.553500000e+04;
	v60 =	vld.idx.msk [tilespmem:v51+s19+$0x0], $0xffff;
	[tilespmem:s8+$0x30] =	vst v0  }
0x3eb: {  	v42 =	vmin.f32 v42, $6.553500000e+04;
	v9 =	vmul.f32 v36, v21;
	v21 =	vadd.f32 $-3.800000000e+02, v18;
	v0 =	vld [tilespmem:$0x1FEF0]  }
0x3ec: {  	v47 =	vadd.f32 v15, v47;
	v10 =	vmul.f32 v38, v10;
	v38 =	vmin.f32 v1, $6.553500000e+04;
	v1 =	vld.idx.msk [tilespmem:v34+s18+$0x0], $0xffff  }
0x3ed: {  	v34 =	vmin.f32 v61, $6.553500000e+04;
	v21 =	vmul.f32 $4.604251380e-01, v21;
	v59 =	vadd.f32 $-3.800000000e+02, v38  }
0x3ee: {  	v57 =	vmul.f32 v2, v22;
	v61 =	vadd.f32 $-3.800000000e+02, v34;
	v15 =	vadd.f32 v10, v53  }
0x3ef: {  	v16 =	vld.idx.msk [tilespmem:v14+s17+$0x0], $0xffff;
	v59 =	vmul.f32 $4.604251380e-01, v59;
	v21 =	vtrunc.f32 v21;
	v63 =	vadd.f32 $-3.800000000e+02, v19  }
0x3f0: {  	v62 =	vld.idx.msk [tilespmem:v49+s19+$0x0], $0xffff;
	v36 =	vmul.f32 v35, v60;
	v60 =	vadd.f32 $-3.800000000e+02, v17;
	v58 =	vadd.f32 $-3.800000000e+02, v20;
	[tilespmem:s15+$0xFFFFFFC0] =	vst v0  }
0x3f1: {  	v21 =	vcvt.f32.s32 v21;
	v1 =	vadd.f32 v48, v1;
	v35 =	vmul.f32 $4.604251380e-01, v63;
	v0 =	vld [tilespmem:$0x1FF00];
	[tilespmem:s15+$0xFFFFFFE0] =	vst v24  }
0x3f2: {  	v22 =	vld.idx.msk [tilespmem:v14+s4+$0x0], $0xffff;
	v56 =	vmul.f32 $4.604251380e-01, v60;
	v60 =	vadd.f32 $-3.800000000e+02, v42;
	v58 =	vmul.f32 $4.604251380e-01, v58;
	[tilespmem:s15+$0xFFFFFFF0] =	vst v23  }
0x3f3: {  	s10 =	simm.s32 $0x1F340;
	v48 =	vld.idx.msk [tilespmem:v54+s18+$0x0], $0xffff;
	v63 =	vtrunc.f32 v59;
	v21 =	vadd.s32 $0x1, v21;
	v1 =	vadd.f32 $9.999999930e-09, v1;
	[tilespmem:s15+$0x0] =	vst v25  }
0x3f4: {  	vm9 =	vgt.s32 v21, $0x1;
	v54 =	vmul.f32 $4.604251380e-01, v60;
	v16 =	vmul.f32 v12, v16;
	[tilespmem:s10+$0x30] =	vst v33  }
0x3f5: {  	v37 =	vadd.f32 v46, v37;
	v46 =	vmul.f32 $4.604251380e-01, v61;
	v61 =	vtrunc.f32 v56;
	[tilespmem:s15+$0x10] =	vst v44  }
0x3f6: {  	v21 =	vnsel vm9, $0x1, v21;
	v52 =	vmul.f32 v52, v62;
	v62 =	vtrunc.f32 v58;
	[tilespmem:s8+$0xFFFFFFC0] =	vst v45  }
0x3f7: {  	v60 =	vadd.f32 v16, v22;
	v22 =	vtrunc.f32 v35;
	v10 =	vtrunc.f32 v54;
	[tilespmem:s8+$0xFFFFFFD0] =	vst v39  }
0x3f8: {  	v16 =	vadd.f32 v9, v48;
	v9 =	vtrunc.f32 v46;
	v22 =	vcvt.f32.s32 v22;
	[tilespmem:s8+$0xFFFFFFE0] =	vst v43  }
0x3f9: {  	v35 =	vcvt.f32.s32 v61;
	v56 =	vcvt.f32.s32 v62;
	v46 =	vmin.u32 v21, $0x752F;
	[tilespmem:s8+$0xFFFFFFF0] =	vst v41  }
0x3fa: {  	v10 =	vcvt.f32.s32 v10;
	v22 =	vadd.s32 $0x1, v22;
	v24 =	vcvt.f32.s32 v63;
	v25 =	vld.idx.msk [tilespmem:v50+s18+$0x0], $0xffff;
	[tilespmem:s15+$0xFFFFFFD0] =	vst v0  }
0x3fb: {  	v59 =	vadd.s32 $0x1, v56;
	vm10 =	vgt.s32 v22, $0x1;
	v23 =	vadd.s32 $0x1, v35;
	v0 =	vld [tilespmem:$0x1FF10]  }
0x3fc: {  	v22 =	vnsel vm10, $0x1, v22;
	vm11 =	vgt.s32 v23, $0x1;
	v24 =	vadd.s32 $0x1, v24  }
0x3fd: {  	s14 =	simm.s32 $0x1F3C0;
	v61 =	vld.idx.msk [tilespmem:v51+s18+$0x0], $0xffff;
	v44 =	vmin.u32 v22, $0x752F;
	v21 =	vnsel vm11, $0x1, v23;
	vm13 =	vgt.s32 v24, $0x1;
	[tilespmem:s8+$0x0] =	vst v40  }
0x3fe: {  	v62 =	vld.idx.msk [tilespmem:v32+s18+$0x0], $0xffff;
	vm12 =	vgt.s32 v59, $0x1;
	v35 =	vmin.u32 v21, $0x752F;
	v24 =	vnsel vm13, $0x1, v24;
	[tilespmem:s14+$0x30] =	vst v55  }
0x3ff: {  	v22 =	vnsel vm12, $0x1, v59;
	v23 =	vld.idx.msk [tilespmem:v49+s18+$0x0], $0xffff;
	v21 =	vadd.f32 v13, v25;
	v25 =	vmin.u32 v24, $0x752F;
	[tilespmem:s23+$0x20] =	vst v60  }
0x400: {  	v9 =	vcvt.f32.s32 v9;
	v33 =	vmin.u32 v22, $0x752F;
	v63 =	vmul.f32 v1, v0;
	v0 =	vld [tilespmem:$0x1FF20]  }
0x401: {  	v37 =	vadd.f32 $9.999999930e-09, v37;
	v10 =	vadd.s32 $0x1, v10;
	v32 =	vld.idx.msk [tilespmem:v46+s17+$0x0], $0xffff  }
0x402: {  	vm14 =	vgt.s32 v10, $0x1;
	v22 =	vadd.f32 v36, v61;
	v36 =	vld.idx.msk [tilespmem:v44+s17+$0x0], $0xffff;
	v1 =	vadd.s32 $0x1, v9  }
0x403: {  	v39 =	vadd.f32 $9.999999930e-09, v47;
	v24 =	vld.idx.msk [tilespmem:v35+s17+$0x0], $0xffff;
	v9 =	vnsel vm14, $0x1, v10;
	vm15 =	vgt.s32 v1, $0x1  }
0x404: {  	v13 =	vadd.f32 v52, v23;
	v40 =	vld.idx.msk [tilespmem:v25+s17+$0x0], $0xffff;
	v9 =	vmin.u32 v9, $0x752F;
	v10 =	vnsel vm15, $0x1, v1  }
0x405: {  	s0 =	simm.s32 $0x1EFC0;
	s5 =	simm.s32 $0x18;
	s16 =	simm.s32 $0x1EC40;
	[tilespmem:s8+$0x10] =	vst v63;
	v52 =	vmin.u32 v10, $0x752F;
	v10 =	vadd.f32 v57, v62;
	v1 =	vmul.f32 v37, v0;
	v37 =	vld.idx.msk [tilespmem:v33+s17+$0x0], $0xffff  }
.LBB2_5:
0x406: {  	v23 =	vld [tilespmem:s16+$0x30]  }
0x407: {  	v0 =	vld [tilespmem:$0x1FE60]  }
0x408: {  	v2 =	vld [tilespmem:$0x1FEB0]  }
0x409: {  	v45 =	vld [tilespmem:s16+$0xFFFFFFC0]  }
0x40a: {  	v60 =	vld [tilespmem:s16+$0xFFFFFFD0];
	v41 =	vadd.f32 $9.999999930e-09, v15  }
0x40b: {  	v48 =	vld [tilespmem:s16+$0x0]  }
0x40c: {  	v49 =	vld [tilespmem:s16+$0x10];
	[tilespmem:s15+$0x20] =	vst v1;
	v63 =	vmul.f32 v41, v8;
	v1 =	vmov v0;
	v0 =	vmov v31  }
0x40d: {  	s15 =	smov.u32 s8;
	s8 =	smov.u32 s10;
	v23 =	vmul.f32 $2.000000000e+03, v23;
	[tilespmem:$0x1FEB0] =	vst v0;
	v0 =	vld [tilespmem:$0x1FE70]  }
0x40e: {  	v43 =	vadd.f32 $9.999999930e-09, v16;
	v15 =	vmov v38;
	v51 =	vld [tilespmem:s16+$0x20];
	v47 =	vmul.f32 v18, v32;
	[tilespmem:s8+$0xFFFFFFD0] =	vst v63  }
0x40f: {  	v2 =	vmovc v2;
	v31 =	vmul.f32 v17, v24;
	v24 =	vmul.f32 v39, v7;
	v57 =	vld.idx.msk [tilespmem:v44+s4+$0x0], $0xffff;
	v23 =	vadd.f32 $-5.000000000e+02, v23  }
0x410: {  	v59 =	vadd.f32 $9.999999930e-09, v21;
	v61 =	vld [tilespmem:s16+$0xFFFFFFE0];
	s6 =	sadd.s32 $0x80, s6;
	v8 =	vmovc v30;
	v36 =	vmul.f32 v19, v36;
	v30 =	vmul.f32 v15, v40;
	[tilespmem:$0x1FE60] =	vst v2  }
0x411: {  	v7 =	vmovc v29;
	v29 =	vmul.f32 v20, v37;
	v56 =	vmul.f32 $2.000000000e+03, v49;
	v2 =	vld [tilespmem:s6+$0x20];
	[tilespmem:s8+$0xFFFFFFC0] =	vst v24;
	v23 =	vmax.f32 v23, $0.0e+00  }
0x412: {  	v22 =	vadd.f32 $9.999999930e-09, v22;
	v55 =	vld.idx.msk [tilespmem:v46+s4+$0x0], $0xffff;
	v23 =	vmul.f32 $6.000000000e+02, v23;
	v50 =	vmul.f32 v43, v0;
	v0 =	vmovc v27  }
0x413: {  	v21 =	vmovc v12;
	v12 =	vmovc v34;
	v24 =	vmul.f32 $2.000000000e+03, v45;
	v38 =	vmul.f32 $2.000000000e+03, v51;
	v34 =	vadd.f32 $-5.000000000e+02, v56;
	[tilespmem:$0x1FE70] =	vst v0;
	v0 =	vld [tilespmem:$0x1FE80]  }
0x414: {  	v54 =	vmul.f32 $2.000000000e+03, v48;
	v36 =	vadd.f32 v36, v57;
	v23 =	vadd.f32 $4.000000000e+02, v23  }
0x415: {  	v24 =	vadd.f32 $-5.000000000e+02, v24;
	v38 =	vadd.f32 $-5.000000000e+02, v38;
	v34 =	vmax.f32 v34, $0.0e+00  }
0x416: {  	v34 =	vmul.f32 $6.000000000e+02, v34;
	v27 =	vmul.f32 $2.000000000e+03, v60;
	[tilespmem:s7+$0xFFFFFFD0] =	vst v36;
	v58 =	vshra.s32 v23, $0x1  }
0x417: {  	v38 =	vmax.f32 v38, $0.0e+00;
	v2 =	vmul.f32 $2.000000000e+03, v2;
	[tilespmem:s8+$0xFFFFFFE0] =	vst v50;
	v51 =	vsub.s32 $0x5F3759DF, v58;
	v58 =	vld [tilespmem:s6+$0xFFFFFFD0]  }
0x418: {  	v37 =	vadd.f32 v47, v55;
	v45 =	vld.idx.msk [tilespmem:v35+s4+$0x0], $0xffff;
	v32 =	vmul.f32 v59, v0;
	v0 =	vmovc v28;
	v28 =	vmul.f32 $2.000000000e+03, v61  }
0x419: {  	v24 =	vmax.f32 v24, $0.0e+00;
	v38 =	vmul.f32 $6.000000000e+02, v38;
	v59 =	vmul.f32 $5.000000000e-01, v23;
	[tilespmem:$0x1FE80] =	vst v0;
	v0 =	vld [tilespmem:$0x1FE90]  }
0x41a: {  	v62 =	vld [tilespmem:s16+$0xFFFFFFF0];
	v60 =	vmul.f32 $6.000000000e+02, v24;
	v34 =	vadd.f32 $4.000000000e+02, v34;
	[tilespmem:s7+$0xFFFFFFC0] =	vst v37;
	v28 =	vadd.f32 $-5.000000000e+02, v28  }
0x41b: {  	v38 =	vadd.f32 $4.000000000e+02, v38;
	v3 =	vld [tilespmem:s6+$0xFFFFFFC0];
	[tilespmem:s8+$0xFFFFFFF0] =	vst v32;
	v32 =	vadd.f32 $-5.000000000e+02, v54;
	v23 =	vmul.f32 v51, v59  }
0x41c: {  	v56 =	vmul.f32 $5.000000000e-01, v34;
	v58 =	vmul.f32 $2.000000000e+03, v58;
	v28 =	vmax.f32 v28, $0.0e+00  }
0x41d: {  	v57 =	vld [tilespmem:s6+$0x30];
	v50 =	vmax.f32 v32, $0.0e+00;
	v61 =	vmul.f32 v51, v23;
	v28 =	vmul.f32 $6.000000000e+02, v28  }
0x41e: {  	v31 =	vadd.f32 v31, v45;
	v48 =	vld.idx.msk [tilespmem:v33+s4+$0x0], $0xffff;
	v50 =	vmul.f32 $6.000000000e+02, v50;
	v53 =	vmul.f32 v22, v0  }
0x41f: {  	v24 =	vld.idx.msk [tilespmem:v14+s19+$0x0], $0xffff;
	v0 =	vmovc v26;
	v26 =	vadd.f32 $-5.000000000e+02, v27;
	v27 =	vmul.f32 $2.000000000e+03, v62;
	v62 =	vadd.f32 $4.000000000e+02, v60  }
0x420: {  	v32 =	vld.idx.msk [tilespmem:v52+s4+$0x0], $0xffff;
	v3 =	vmul.f32 $2.000000000e+03, v3;
	v47 =	vsub.f32 $1.500000000e+00, v61;
	v28 =	vadd.f32 $4.000000000e+02, v28  }
0x421: {  	v23 =	vld.idx.msk [tilespmem:v14+s18+$0x0], $0xffff;
	v60 =	vmul.f32 $5.000000000e-01, v38;
	v50 =	vadd.f32 $4.000000000e+02, v50;
	v27 =	vadd.f32 $-5.000000000e+02, v27  }
0x422: {  	v14 =	vmovc v52;
	v22 =	vld.idx.msk [tilespmem:v52+s17+$0x0], $0xffff;
	v26 =	vmax.f32 v26, $0.0e+00;
	v52 =	vshra.s32 v62, $0x1;
	v47 =	vmul.f32 v51, v47  }
0x423: {  	v37 =	vld.idx.msk [tilespmem:v46+s19+$0x0], $0xffff;
	[tilespmem:s8+$0x0] =	vst v53;
	v53 =	vmul.f32 $5.000000000e-01, v62;
	v29 =	vadd.f32 v29, v48;
	v26 =	vmul.f32 $6.000000000e+02, v26  }
0x424: {  	v36 =	vld.idx.msk [tilespmem:v46+s18+$0x0], $0xffff;
	v46 =	vshra.s32 v28, $0x1;
	v28 =	vmul.f32 $5.000000000e-01, v28;
	v54 =	vshra.s32 v50, $0x1  }
0x425: {  	v16 =	vmovc v42;
	v55 =	vmul.f32 $5.000000000e-01, v50;
	v50 =	vshra.s32 v34, $0x1;
	v42 =	vmul.f32 v47, v59  }
0x426: {  	v27 =	vmax.f32 v27, $0.0e+00;
	v59 =	vshra.s32 v38, $0x1;
	v62 =	vsub.s32 $0x5F3759DF, v46  }
0x427: {  	v40 =	vld.idx.msk [tilespmem:v44+s19+$0x0], $0xffff;
	[tilespmem:$0x1FE90] =	vst v0;
	v54 =	vsub.s32 $0x5F3759DF, v54;
	v0 =	vsub.s32 $0x5F3759DF, v50;
	v42 =	vmul.f32 v42, v47  }
0x428: {  	v49 =	vld.idx.msk [tilespmem:v25+s4+$0x0], $0xffff;
	v50 =	vmul.f32 $2.000000000e+03, v57;
	v27 =	vmul.f32 $6.000000000e+02, v27;
	v26 =	vadd.f32 $4.000000000e+02, v26  }
0x429: {  	v39 =	vld.idx.msk [tilespmem:v44+s18+$0x0], $0xffff;
	v59 =	vsub.s32 $0x5F3759DF, v59;
	v57 =	vmul.f32 v62, v28;
	v42 =	vsub.f32 $1.500000000e+00, v42  }
0x42a: {  	v38 =	vld [tilespmem:s6+$0xFFFFFFE0];
	[tilespmem:s7+$0xFFFFFFE0] =	vst v31;
	v31 =	vmul.f32 v54, v55;
	v4 =	vmul.f32 v59, v60;
	v44 =	vshra.s32 v26, $0x1  }
0x42b: {  	v34 =	vld [tilespmem:s6+$0xFFFFFFF0];
	v26 =	vmul.f32 $5.000000000e-01, v26;
	v61 =	vsub.s32 $0x5F3759DF, v44;
	v44 =	vmul.f32 v42, v47  }
0x42c: {  	v27 =	vadd.f32 $4.000000000e+02, v27;
	v57 =	vmul.f32 v62, v57;
	v31 =	vmul.f32 v54, v31  }
0x42d: {  	v30 =	vadd.f32 v30, v49;
	v49 =	vmul.f32 v0, v56;
	v47 =	vmul.f32 $2.000000000e+01, v44  }
0x42e: {  	v4 =	vmul.f32 v59, v4;
	v51 =	vshra.s32 v27, $0x1;
	v27 =	vmul.f32 $5.000000000e-01, v27  }
0x42f: {  	v52 =	vsub.s32 $0x5F3759DF, v52;
	v45 =	vmul.f32 v61, v26;
	v50 =	vmul.f32 v47, v50  }
0x430: {  	[tilespmem:s7+$0xFFFFFFF0] =	vst v29;
	v34 =	vmul.f32 $2.000000000e+03, v34;
	v63 =	vsub.s32 $0x5F3759DF, v51;
	v51 =	vmul.f32 v52, v53;
	v42 =	vld [tilespmem:s6+$0x0]  }
0x431: {  	[tilespmem:s7+$0x0] =	vst v30;
	v48 =	vmul.f32 v63, v27;
	v30 =	vmul.f32 v61, v45;
	v45 =	vld.idx.msk [tilespmem:v35+s18+$0x0], $0xffff;
	v5 =	vadd.f32 $5.000000000e+02, v50  }
0x432: {  	v31 =	vsub.f32 $1.500000000e+00, v31;
	v38 =	vmul.f32 $2.000000000e+03, v38;
	v29 =	vmul.f32 v52, v51;
	v51 =	vld.idx.msk [tilespmem:v33+s19+$0x0], $0xffff  }
0x433: {  	v4 =	vsub.f32 $1.500000000e+00, v4;
	v6 =	vmul.f32 v63, v48;
	v48 =	vld.idx.msk [tilespmem:v33+s18+$0x0], $0xffff;
	v5 =	vmax.f32 v5, $3.800000000e+02  }
0x434: {  	v31 =	vmul.f32 v54, v31;
	v47 =	vld.idx.msk [tilespmem:v35+s19+$0x0], $0xffff;
	v29 =	vsub.f32 $1.500000000e+00, v29;
	v5 =	vmin.f32 v5, $6.553500000e+04  }
0x435: {  	v4 =	vmul.f32 v59, v4;
	v35 =	vmul.f32 v0, v49;
	v49 =	vld.idx.msk [tilespmem:v25+s18+$0x0], $0xffff;
	v33 =	vadd.f32 $-3.800000000e+02, v5  }
0x436: {  	v6 =	vsub.f32 $1.500000000e+00, v6;
	v50 =	vld.idx.msk [tilespmem:v25+s19+$0x0], $0xffff;
	v25 =	vsub.f32 $1.500000000e+00, v30;
	v29 =	vmul.f32 v52, v29  }
0x437: {  	v30 =	vsub.f32 $1.500000000e+00, v57;
	v57 =	vmul.f32 v31, v55;
	v33 =	vmul.f32 $4.604251380e-01, v33  }
0x438: {  	v35 =	vsub.f32 $1.500000000e+00, v35;
	v6 =	vmul.f32 v63, v6;
	v25 =	vmul.f32 v61, v25  }
0x439: {  	v52 =	vmul.f32 v62, v30;
	v33 =	vtrunc.f32 v33  }
0x43a: {  	v0 =	vmul.f32 v0, v35;
	v30 =	vcvt.f32.s32 v33  }
0x43b: {  	v63 =	vmul.f32 v29, v53;
	v61 =	vmul.f32 v4, v60  }
0x43c: {  	v27 =	vmul.f32 v6, v27;
	v59 =	vmul.f32 v0, v56;
	v30 =	vadd.s32 $0x1, v30  }
0x43d: {  	v26 =	vmul.f32 v25, v26;
	v28 =	vmul.f32 v52, v28;
	vm0 =	vgt.s32 v30, $0x1  }
0x43e: {  	v27 =	vmul.f32 v27, v6;
	v53 =	vmul.f32 v59, v0;
	v30 =	vnsel vm0, $0x1, v30  }
0x43f: {  	v26 =	vmul.f32 v26, v25;
	v54 =	vmin.u32 v30, $0x752F;
	v30 =	vmul.f32 v63, v29  }
0x440: {  	v28 =	vmul.f32 v28, v52;
	v62 =	vsub.f32 $1.500000000e+00, v27;
	v60 =	vsub.f32 $1.500000000e+00, v53  }
0x441: {  	v35 =	vmul.f32 v57, v31;
	v26 =	vsub.f32 $1.500000000e+00, v26;
	v30 =	vsub.f32 $1.500000000e+00, v30  }
0x442: {  	v28 =	vsub.f32 $1.500000000e+00, v28;
	v33 =	vmul.f32 v61, v4;
	v53 =	vmul.f32 v60, v0  }
0x443: {  	v29 =	vmul.f32 v30, v29;
	v30 =	vmul.f32 v26, v25;
	v25 =	vsub.f32 $1.500000000e+00, v35  }
0x444: {  	v27 =	vmul.f32 v28, v52;
	v28 =	vmul.f32 v62, v6;
	v6 =	vsub.f32 $1.500000000e+00, v33  }
0x445: {  	v55 =	vmul.f32 $2.000000000e+01, v53;
	v63 =	vld.idx.msk [tilespmem:v54+s17+$0x0], $0xffff;
	v26 =	vmul.f32 v25, v31  }
0x446: {  	v0 =	vmul.f32 $2.000000000e+01, v29;
	v31 =	vmul.f32 v6, v4  }
0x447: {  	v61 =	vld.idx.msk [tilespmem:v54+s4+$0x0], $0xffff;
	v4 =	vmul.f32 $2.000000000e+01, v30;
	v6 =	vmul.f32 $2.000000000e+01, v27  }
0x448: {  	v25 =	vmul.f32 $2.000000000e+01, v28;
	v60 =	vmul.f32 $2.000000000e+01, v31  }
0x449: {  	v46 =	vld [tilespmem:s6+$0x10];
	v0 =	vmul.f32 v0, v3;
	v3 =	vmul.f32 v4, v58  }
0x44a: {  	v6 =	vmul.f32 v6, v38;
	v62 =	vmul.f32 v5, v63  }
0x44b: {  	v25 =	vmul.f32 v25, v34;
	v0 =	vadd.f32 $5.000000000e+02, v0;
	v3 =	vadd.f32 $5.000000000e+02, v3  }
0x44c: {  	v41 =	vld.idx.msk [tilespmem:v9+s17+$0x0], $0xffff;
	v63 =	vmul.f32 $2.000000000e+01, v26;
	v6 =	vadd.f32 $5.000000000e+02, v6;
	v33 =	vadd.f32 v62, v61  }
0x44d: {  	s7 =	sadd.s32 $0x80, s7;
	v2 =	vmul.f32 v60, v2;
	v25 =	vadd.f32 $5.000000000e+02, v25;
	v61 =	vmul.f32 $2.000000000e+03, v42  }
0x44e: {  	v43 =	vld.idx.msk [tilespmem:v9+s4+$0x0], $0xffff;
	v62 =	vmul.f32 $2.000000000e+03, v46;
	v0 =	vmax.f32 v0, $3.800000000e+02;
	v3 =	vmax.f32 v3, $3.800000000e+02;
	[tilespmem:s7+$0x30] =	vst v33  }
0x44f: {  	v2 =	vadd.f32 $5.000000000e+02, v2;
	v6 =	vmax.f32 v6, $3.800000000e+02;
	v25 =	vmax.f32 v25, $3.800000000e+02;
	v4 =	vld.idx.msk [tilespmem:v54+s19+$0x0], $0xffff  }
0x450: {  	v0 =	vmin.f32 v0, $6.553500000e+04;
	v6 =	vmin.f32 v6, $6.553500000e+04;
	v38 =	vmul.f32 v55, v62  }
0x451: {  	v63 =	vmul.f32 v63, v61;
	v42 =	vld.idx.msk [tilespmem:v54+s18+$0x0], $0xffff;
	v54 =	vmin.f32 v25, $6.553500000e+04;
	v25 =	vmul.f32 v16, v41  }
0x452: {  	v3 =	vmin.f32 v3, $6.553500000e+04;
	v57 =	vadd.f32 $-3.800000000e+02, v6;
	v34 =	vadd.f32 $5.000000000e+02, v38  }
0x453: {  	v2 =	vmax.f32 v2, $3.800000000e+02;
	v33 =	vadd.f32 $5.000000000e+02, v63;
	v25 =	vadd.f32 v25, v43  }
0x454: {  	v46 =	vmax.f32 v34, $3.800000000e+02;
	v34 =	vmin.f32 v2, $6.553500000e+04;
	v4 =	vmul.f32 v5, v4  }
0x455: {  	v61 =	vadd.f32 $-3.800000000e+02, v34;
	v5 =	vmax.f32 v33, $3.800000000e+02;
	v33 =	vmul.f32 $4.604251380e-01, v57  }
0x456: {  	v38 =	vmin.f32 v5, $6.553500000e+04;
	v5 =	vadd.f32 $-3.800000000e+02, v3;
	v4 =	vadd.f32 v4, v42  }
0x457: {  	v42 =	vmin.f32 v46, $6.553500000e+04;
	v59 =	vadd.f32 $-3.800000000e+02, v38;
	v46 =	vmul.f32 $4.604251380e-01, v61  }
0x458: {  	[tilespmem:s0+$0x10] =	vst v25;
	v25 =	vtrunc.f32 v33;
	v60 =	vadd.f32 $-3.800000000e+02, v42;
	v5 =	vmul.f32 $4.604251380e-01, v5  }
0x459: {  	v57 =	vld.idx.msk [tilespmem:v9+s19+$0x0], $0xffff;
	v25 =	vcvt.f32.s32 v25;
	v2 =	vadd.f32 $9.999999930e-09, v4;
	v62 =	vmul.f32 $4.604251380e-01, v59  }
0x45a: {  	v4 =	vadd.f32 $-3.800000000e+02, v0;
	v63 =	vmul.f32 $4.604251380e-01, v60;
	v5 =	vtrunc.f32 v5  }
0x45b: {  	v60 =	vld.idx.msk [tilespmem:v9+s18+$0x0], $0xffff;
	v9 =	vtrunc.f32 v46;
	v2 =	vmul.f32 v2, v44  }
0x45c: {  	v58 =	vadd.f32 $-3.800000000e+02, v54;
	v4 =	vmul.f32 $4.604251380e-01, v4;
	v5 =	vcvt.f32.s32 v5  }
0x45d: {  	s10 =	smov.u32 s14;
	s14 =	sadd.s32 $0x80, s14;
	v25 =	vadd.s32 $0x1, v25;
	v9 =	vcvt.f32.s32 v9;
	v59 =	vtrunc.f32 v63  }
0x45e: {  	vm2 =	vgt.s32 v25, $0x1;
	v63 =	vmul.f32 v16, v57;
	[tilespmem:s14+$0x30] =	vst v2;
	v2 =	vmul.f32 $4.604251380e-01, v58  }
0x45f: {  	v25 =	vnsel vm2, $0x1, v25;
	v4 =	vtrunc.f32 v4;
	v58 =	vtrunc.f32 v62  }
0x460: {  	v5 =	vadd.s32 $0x1, v5;
	v35 =	vcvt.f32.s32 v59;
	v9 =	vadd.s32 $0x1, v9  }
0x461: {  	v4 =	vcvt.f32.s32 v4;
	v33 =	vcvt.f32.s32 v58;
	vm1 =	vgt.s32 v5, $0x1  }
0x462: {  	vm6 =	vgt.s32 v9, $0x1;
	v2 =	vtrunc.f32 v2;
	v35 =	vadd.s32 $0x1, v35  }
0x463: {  	v5 =	vnsel vm1, $0x1, v5;
	v4 =	vadd.s32 $0x1, v4;
	v2 =	vcvt.f32.s32 v2  }
0x464: {  	v33 =	vadd.s32 $0x1, v33;
	vm5 =	vgt.s32 v35, $0x1;
	v44 =	vmin.u32 v5, $0x752F  }
0x465: {  	vm15 =	vgt.s32 v4, $0x1;
	vm4 =	vgt.s32 v33, $0x1;
	v62 =	vnsel vm5, $0x1, v35  }
0x466: {  	v2 =	vadd.s32 $0x1, v2;
	v4 =	vnsel vm15, $0x1, v4;
	v61 =	vnsel vm4, $0x1, v33  }
0x467: {  	vm3 =	vgt.s32 v2, $0x1;
	v46 =	vmin.u32 v4, $0x752F;
	v4 =	vnsel vm6, $0x1, v9  }
0x468: {  	v52 =	vmin.u32 v4, $0x752F;
	v4 =	vmul.f32 v18, v37;
	v18 =	vmovc v0;
	v0 =	vmul.f32 v17, v47  }
0x469: {  	v35 =	vmin.u32 v25, $0x752F;
	v25 =	vmin.u32 v61, $0x752F;
	v2 =	vnsel vm3, $0x1, v2  }
0x46a: {  	v33 =	vmin.u32 v2, $0x752F;
	v2 =	vmul.f32 v12, v22;
	v16 =	vadd.f32 v0, v45;
	v0 =	vld [tilespmem:$0x1FEA0]  }
0x46b: {  	s5 =	sadd.s32 $0x8, s5;
	v10 =	vadd.f32 $9.999999930e-09, v10  }
0x46c: {  	p0 =	slt.u32 s5, $0x38;
	v5 =	vmul.f32 v19, v40;
	v4 =	vadd.f32 v4, v36;
	v36 =	vld.idx.msk [tilespmem:v44+s17+$0x0], $0xffff;
	v2 =	vadd.f32 v2, v32  }
.Ltmp1:
0x46d: {  	v13 =	vadd.f32 $9.999999930e-09, v13;
	v1 =	vmul.f32 v10, v1;
	v19 =	vmovc v3;
	v3 =	vmul.f32 v20, v51;
	v32 =	vld.idx.msk [tilespmem:v46+s17+$0x0], $0xffff;
	(pc) =	sbr.rel @p0 .LBB2_5-.Ltmp1, $4  }
0x46e: {  	v17 =	vmov v6;
	v6 =	vmul.f32 v15, v50;
	v15 =	vadd.f32 v5, v39;
	v40 =	vld.idx.msk [tilespmem:v25+s17+$0x0], $0xffff;
	[tilespmem:s0+$0x20] =	vst v2  }
0x46f: {  	v2 =	vmul.f32 v21, v24;
	v21 =	vadd.f32 v3, v48;
	v3 =	vmul.f32 v13, v0;
	v0 =	vmovc v11  }
0x470: {  	v20 =	vmovc v54;
	v9 =	vmin.u32 v62, $0x752F;
	v22 =	vadd.f32 v6, v49;
	v39 =	vadd.f32 $9.999999930e-09, v4;
	v24 =	vld.idx.msk [tilespmem:v35+s17+$0x0], $0xffff;
	[tilespmem:$0x1FEA0] =	vst v0  }
0x471: {  	s16 =	sadd.s32 $0x80, s16;
	s0 =	smov.u32 s7;
	v37 =	vld.idx.msk [tilespmem:v33+s17+$0x0], $0xffff;
	v13 =	vadd.f32 v63, v60;
	v10 =	vadd.f32 v2, v23;
	v11 =	vmov v53;
	[tilespmem:s8+$0x10] =	vst v3  }
0x472: {  	_ =	sdelay $0x3  }
0x473: {  	v0 =	vld.idx.msk [tilespmem:v9+s17+$0x0], $0xffff  }
0x474: {  	v3 =	vld.idx.msk [tilespmem:v46+s4+$0x0], $0xffff  }
0x475: {  	v4 =	vld.idx.msk [tilespmem:v44+s4+$0x0], $0xffff  }
0x476: {  	v5 =	vld.idx.msk [tilespmem:v35+s4+$0x0], $0xffff;
	v54 =	vadd.f32 $9.999999930e-09, v15  }
0x477: {  	v6 =	vmul.f32 v18, v32;
	v62 =	vld.idx.msk [tilespmem:v25+s4+$0x0], $0xffff;
	v56 =	vmul.f32 v39, v7  }
0x478: {  	v23 =	vld.idx.msk [tilespmem:v33+s4+$0x0], $0xffff;
	v61 =	vmul.f32 v19, v36;
	[tilespmem:s15+$0x20] =	vst v1;
	v1 =	vmul.f32 v54, v8  }
0x479: {  	v63 =	vld.idx.msk [tilespmem:v9+s4+$0x0], $0xffff;
	[tilespmem:s10+$0xFFFFFFC0] =	vst v56;
	v24 =	vmul.f32 v17, v24;
	v3 =	vadd.f32 v6, v3  }
0x47a: {  	v2 =	vld.idx.msk [tilespmem:v52+s17+$0x0], $0xffff;
	v40 =	vmul.f32 v38, v40;
	[tilespmem:s10+$0xFFFFFFD0] =	vst v1;
	v4 =	vadd.f32 v61, v4  }
0x47b: {  	v45 =	vld.idx.msk [tilespmem:v52+s4+$0x0], $0xffff;
	v37 =	vmul.f32 v20, v37;
	v5 =	vadd.f32 v24, v5;
	[tilespmem:s7+$0xFFFFFFC0] =	vst v3  }
0x47c: {  	v0 =	vmul.f32 v42, v0;
	v51 =	vadd.f32 v40, v62;
	[tilespmem:s7+$0xFFFFFFD0] =	vst v4;
	v47 =	vld.idx.msk [tilespmem:v46+s19+$0x0], $0xffff  }
0x47d: {  	v49 =	vadd.f32 v37, v23;
	[tilespmem:s7+$0xFFFFFFE0] =	vst v5;
	v48 =	vld.idx.msk [tilespmem:v44+s19+$0x0], $0xffff  }
0x47e: {  	v0 =	vadd.f32 v0, v63;
	[tilespmem:s7+$0x0] =	vst v51;
	v50 =	vld.idx.msk [tilespmem:v46+s18+$0x0], $0xffff  }
0x47f: {  	v53 =	vld.idx.msk [tilespmem:v44+s18+$0x0], $0xffff;
	[tilespmem:s7+$0xFFFFFFF0] =	vst v49  }
0x480: {  	v55 =	vld.idx.msk [tilespmem:v35+s19+$0x0], $0xffff;
	[tilespmem:s0+$0x10] =	vst v0  }
0x481: {  	v1 =	vld [tilespmem:$0x1FE70]  }
0x482: {  	v37 =	vld [tilespmem:$0x1FE80]  }
0x483: {  	v2 =	vmul.f32 v34, v2;
	v39 =	vld [tilespmem:$0x1FE90]  }
0x484: {  	v58 =	vadd.f32 $9.999999930e-09, v16;
	v59 =	vld.idx.msk [tilespmem:v25+s19+$0x0], $0xffff  }
0x485: {  	v60 =	vadd.f32 $9.999999930e-09, v21;
	v2 =	vadd.f32 v2, v45;
	v63 =	vld.idx.msk [tilespmem:v35+s18+$0x0], $0xffff  }
0x486: {  	v61 =	vadd.f32 $9.999999930e-09, v22;
	v41 =	vld.idx.msk [tilespmem:v25+s18+$0x0], $0xffff;
	v4 =	vmul.f32 v18, v47;
	v1 =	vmul.f32 v58, v1  }
0x487: {  	v57 =	vld.idx.msk [tilespmem:v33+s19+$0x0], $0xffff;
	[tilespmem:s0+$0x20] =	vst v2;
	v43 =	vmul.f32 v19, v48;
	v15 =	vmul.f32 v60, v37  }
0x488: {  	v6 =	vmul.f32 v17, v55;
	v16 =	vmul.f32 v61, v39;
	v45 =	vadd.f32 v4, v50;
	[tilespmem:s10+$0xFFFFFFE0] =	vst v1  }
0x489: {  	v40 =	vld.idx.msk [tilespmem:v33+s18+$0x0], $0xffff;
	v0 =	vmul.f32 v38, v59;
	v49 =	vadd.f32 v43, v53;
	[tilespmem:s10+$0xFFFFFFF0] =	vst v15  }
0x48a: {  	v6 =	vadd.f32 v6, v63;
	v2 =	vadd.f32 $9.999999930e-09, v45;
	v50 =	vld [tilespmem:$0x1FEA0];
	[tilespmem:s10+$0x0] =	vst v16  }
0x48b: {  	v0 =	vadd.f32 v0, v41;
	v55 =	vadd.f32 $9.999999930e-09, v49;
	v54 =	vld [tilespmem:$0x1FE60]  }
0x48c: {  	v3 =	vld.idx.msk [tilespmem:v14+s19+$0x0], $0xffff;
	v5 =	vmul.f32 v20, v57;
	v6 =	vadd.f32 $9.999999930e-09, v6;
	v2 =	vmul.f32 v2, v29  }
0x48d: {  	v62 =	vld.idx.msk [tilespmem:v9+s19+$0x0], $0xffff;
	v0 =	vadd.f32 $9.999999930e-09, v0;
	v57 =	vmul.f32 v55, v30  }
0x48e: {  	v10 =	vadd.f32 $9.999999930e-09, v10;
	v47 =	vld.idx.msk [tilespmem:v52+s19+$0x0], $0xffff;
	v5 =	vadd.f32 v5, v40;
	v59 =	vmul.f32 v6, v27;
	[tilespmem:s14+$0xFFFFFFC0] =	vst v2  }
0x48f: {  	v13 =	vadd.f32 $9.999999930e-09, v13;
	v44 =	vld.idx.msk [tilespmem:v9+s18+$0x0], $0xffff;
	v0 =	vmul.f32 v0, v26;
	[tilespmem:s14+$0xFFFFFFD0] =	vst v57  }
0x490: {  	v53 =	vld.idx.msk [tilespmem:v52+s18+$0x0], $0xffff;
	v56 =	vadd.f32 $9.999999930e-09, v5;
	[tilespmem:s14+$0xFFFFFFE0] =	vst v59;
	v1 =	vmul.f32 v10, v54  }
0x491: {  	v48 =	vld.idx.msk [tilespmem:v14+s18+$0x0], $0xffff;
	[tilespmem:s14+$0x0] =	vst v0;
	v51 =	vmul.f32 v13, v50  }
0x492: {  	v46 =	vmul.f32 v42, v62;
	[tilespmem:s8+$0x20] =	vst v1;
	v1 =	vmul.f32 v56, v28  }
0x493: {  	v58 =	vmul.f32 v34, v47;
	[tilespmem:s10+$0x10] =	vst v51  }
0x494: {  	v3 =	vmul.f32 v12, v3;
	v4 =	vadd.f32 v46, v44;
	[tilespmem:s14+$0xFFFFFFF0] =	vst v1  }
0x495: {  	v60 =	vadd.f32 v58, v53;
	v0 =	vld [tilespmem:$0x1FEB0]  }
0x496: {  	v3 =	vadd.f32 v3, v48;
	v4 =	vadd.f32 $9.999999930e-09, v4  }
0x497: {  	v62 =	vadd.f32 $9.999999930e-09, v60  }
0x498: {  	v3 =	vadd.f32 $9.999999930e-09, v3;
	v61 =	vmul.f32 v4, v11  }
0x499: {  	s21 =	sadd.s32 $0x1, s21;
	v63 =	vmul.f32 v62, v31  }
0x49a: {  	s31 =	sor.u32 s11, s22;
	p0 =	sne.s32 s21, $0x40;
	[tilespmem:s14+$0x10] =	vst v61;
	v0 =	vmul.f32 v3, v0  }
.Ltmp2:
0x49b: {  	s0 =	sshrl.u32 s31, $0x3;
	[tilespmem:s14+$0x20] =	vst v63;
	(pc) =	sbr.rel @p0 .LBB2_2-.Ltmp2, $4  }
0x49c: {  	s5 =	sadd.s32 s3, s0;
	[tilespmem:s10+$0x20] =	vst v0  }
0x49d: {  	[hbm4b:s5+s4] =	stream.linear.scatter [tilespmem:s29], [sflag:$0x4], $0x400, $0x38;
	[tilespmem:$0x1F600] =	vst v63  }
0x49e: {  	s0 =	sadd.s32 s12, s0  }
0x49f: {  	[hbm4b:s0+s4] =	stream.linear.scatter [tilespmem:s30], [sflag:$0x4], $0x400, $0x38;
	[tilespmem:$0x1F600] =	vst v63  }
0x4a0: {  	s0 =	simm.s32 $0x3  }
0x4a1: {  	_ =	swait.ge [sflag:s0], $0x400  }
0x4a2: {  	[sflag:s0] =	ssyncset.done $0x0  }
0x4a3: {  	[sflag:s0] =	ssyncadd.s32 $0xFFFFFC00  }
0x4a4: {  	_ =	swait.ge [sflag:s0], $0x400  }
0x4a5: {  	[sflag:s0] =	ssyncset.done $0x0  }
0x4a6: {  	s5 =	simm.s32 $0x4;
	[sflag:s0] =	ssyncadd.s32 $0xFFFFFC00  }
0x4a7: {  	_ =	swait.ge [sflag:s5], $0x400  }
0x4a8: {  	[sflag:s5] =	ssyncset.done $0x0  }
0x4a9: {  	[sflag:s5] =	ssyncadd.s32 $0xFFFFFC00  }
0x4aa: {  	_ =	swait.ge [sflag:s5], $0x400  }
0x4ab: {  	s6 =	rddreg [dreg:$0xc]  }
0x4ac: {  	s31 =	rddreg [dreg:$0xb];
	s6 =	sadd.s32 $0x1, s6  }
0x4ad: {  	p0 =	sne.s32 s6, s31  }
.Ltmp3:
0x4ae: {  	_ = 	snop;
	(pc) =	sbr.rel @p0 .LBB2_1-.Ltmp3, $3  }
0x4af: {  	_ =	sdelay $0x1  }
0x4b0: {  	[sflag:s5] =	ssyncset.done $0x0  }
0x4b1: {  	[sflag:s5] =	ssyncadd.s32 $0xFFFFFC00  }
0x4b2: {  	_ =	sfence.sel $0x180000  }
0x4b3: {  	[bflag:$0x0] =	sbarrier.arrive $0xFFFF  }
0x4b4: {  	_ =	strace $0x90000047  }
0x4b5: {  	s0 =	stileid.u32;
	[bflag:$0x2] =	sbarrier.arrive $0xFFFF  }
0x4b6: {  	p0 =	sne.s32 s0, $0x0;
	s0 =	rddreg [dreg:$0x4]  }
0x4b7: {  	s0 =	sadd.s32 @!p0 $0x100000, s0  }
0x4b8: {  	[sflag:s0] =	ssyncadd.tile.s32 @!p0 $0x1;
	_ =	shalt  }
.Lfunc_end2:
_tile_overlayer_lowered:
.L_overlay_start_2:
0x4b9: {  	(tag) =	ssettag $0x2  }
0x4ba: {  	s0 =	rddreg [dreg:$0x0];
	s2 =	stileid.u32  }
0x4bb: {  	s1 =	rddreg [dreg:$0x1];
	p0 =	sne.s32 s2, $0x0  }
0x4bc: {  	s3 =	rddreg [dreg:$0x2];
	[bflag:$0x3] =	sbarrier.arrive $0xFFFF;
	s2 =	simm.s32 @!p0 $0x1C05  }
0x4bd: {  	[timem:s3], [sflag:s2] =	dma.local @!p0 [hbm:s0], s1  }
0x4be: {  	s0 =	simm.s32 @!p0 $0x5  }
0x4bf: {  	_ =	swait.ge @!p0 [sflag:s0], s1  }
0x4c0: {  	s1 =	ssub.s32 @!p0 $0x0, s1;
	[sflag:s0] =	ssyncset.done @!p0 $0x0  }
0x4c1: {  	[sflag:s0] =	ssyncadd.s32 @!p0 s1  }
0x4c2: {  	[bflag:$0x3] =	sbarrier.arrive $0xFFFF  }
0x4c3: {  	_ =	shalt  }

</sc_bundles>
